<compile_context>
chip_gen: v7x
topology: tpu7x:2x2x1
jax: 0.10.2.dev20260603
libtpu: 0.0.44.dev20260713+nightly
codegen_flags: <defaults>
</compile_context>

<pallas_src>
import jax
import jax.numpy as jnp
from jax import lax
from jax.experimental import pallas as pl
from jax.experimental.pallas import tpu as pltpu
from jax.experimental.pallas import tpu_sc as plsc

N = 10000
NP = 10240
D = 128
HW = D // 2
C = 40
E = 320000
EPT = E // 16
KC = 128
TKC = 32
NC, NS = 2, 16
NCH = 156
RPT = NP // NS
BN = 10240


def _make_sc_agg(with_deg):
  mesh = plsc.VectorSubcoreMesh(core_axis_name="c", subcore_axis_name="s")
  out_type = [jax.ShapeDtypeStruct((NC, NP, HW), jnp.float32)]
  scratch = (
      [pltpu.VMEM((KC, HW), jnp.float32) for _ in range(4)]
      + [pltpu.VMEM((KC,), jnp.int32) for _ in range(4)]
      + [pltpu.VMEM((KC,), jnp.int32) for _ in range(4)]
      + [pltpu.VMEM_SHARED((NP, HW), jnp.float32)]
      + [pltpu.VMEM_SHARED((NP, HW), jnp.float32)]
      + [pltpu.SemaphoreType.DMA] * 16
      + [pltpu.VMEM((TKC,), jnp.int32)] * 2
  )
  if with_deg:
    out_type.append(jax.ShapeDtypeStruct((NC * NS * NP,), jnp.float32))
    scratch.append(pltpu.VMEM((NP,), jnp.float32))

  def body(y_hbm, src_hbm, dst_hbm, part_hbm, *rest):
    if with_deg:
      degp_hbm = rest[0]
      rest = rest[1:]
      hist = rest[32]
    else:
      hist = None
    srct, dstt = rest[30], rest[31]
    rows = rest[0:4]
    srci = rest[4:8]
    dsti = rest[8:12]
    acc = rest[12]
    y_sp = rest[13]
    gsem = rest[14:18]
    ssem = rest[18:22]
    isems = rest[22:26]
    idems = rest[26:30]
    cid = lax.axis_index("c")
    sid = lax.axis_index("s")
    gw = cid * NS + sid
    base = sid * RPT
    ebase = sid * EPT

    pltpu.sync_copy(y_hbm.at[cid, pl.ds(base, RPT)],
                    y_sp.at[pl.ds(base, RPT)])

    @pl.loop(0, KC)
    def _(i):
      z = jnp.zeros((16,), jnp.float32)
      for j in range(HW // 16):
        rows[0][i, pl.ds(j * 16, 16)] = z

    for k in range(RPT // KC):
      pltpu.sync_copy(rows[0], acc.at[pl.ds(base + k * KC, KC)])

    if with_deg:
      @pl.loop(0, NP // 16)
      def _(i):
        hist[pl.ds(i * 16, 16)] = jnp.zeros((16,), jnp.float32)

    plsc.subcore_barrier()

    ones16 = jnp.ones((16,), jnp.float32)

    def count_deg(b):
      for j in range(KC // 16):
        idx = dsti[b][pl.ds(j * 16, 16)]
        plsc.addupdate_scatter(hist, [idx], ones16)

    def load_idx(b, c):
      off = ebase + c * KC
      pltpu.async_copy(src_hbm.at[pl.ds(off, KC)], srci[b], isems[b])
      pltpu.async_copy(dst_hbm.at[pl.ds(off, KC)], dsti[b], idems[b])

    def wait_idx(b):
      pltpu.make_async_copy(src_hbm.at[pl.ds(0, KC)], srci[b],
                            isems[b]).wait()
      pltpu.make_async_copy(dst_hbm.at[pl.ds(0, KC)], dsti[b],
                            idems[b]).wait()

    def issue_gather(b):
      pltpu.async_copy(y_sp.at[srci[b]], rows[b], gsem[b])

    def wait_gather(b):
      pltpu.make_async_copy(y_sp.at[srci[b]], rows[b], gsem[b]).wait()

    def issue_scatter(b):
      pltpu.async_copy(rows[b], acc.at[dsti[b]], ssem[b], add=True)

    def wait_scatter(b):
      pltpu.make_async_copy(rows[b], acc.at[dsti[b]], ssem[b]).wait()

    load_idx(0, 0)
    load_idx(1, 1)
    wait_idx(0)
    issue_gather(0)

    @pl.loop(0, NCH // 4)
    def _(p):
      for i in range(4):
        s = 4 * p + i
        b0 = i
        b1 = (i + 1) % 4
        b2 = (i + 2) % 4

        @pl.when(s >= 2)
        def _():
          wait_scatter(b2)

        @pl.when(s + 2 < NCH)
        def _():
          load_idx(b2, s + 2)

        @pl.when(s + 1 < NCH)
        def _():
          wait_idx(b1)
          issue_gather(b1)

        wait_gather(b0)
        issue_scatter(b0)
        if with_deg:
          count_deg(b0)

    wait_scatter((NCH - 2) % 4)
    wait_scatter((NCH - 1) % 4)

    toff = ebase + NCH * KC
    pltpu.async_copy(src_hbm.at[pl.ds(toff, TKC)], srct, isems[0])
    pltpu.async_copy(dst_hbm.at[pl.ds(toff, TKC)], dstt, idems[0])
    pltpu.make_async_copy(src_hbm.at[pl.ds(0, TKC)], srct, isems[0]).wait()
    pltpu.make_async_copy(dst_hbm.at[pl.ds(0, TKC)], dstt, idems[0]).wait()
    trows = rows[0].at[pl.ds(0, TKC)]
    pltpu.async_copy(y_sp.at[srct], trows, gsem[0])
    pltpu.make_async_copy(y_sp.at[srct], trows, gsem[0]).wait()
    pltpu.sync_copy(trows, acc.at[dstt], add=True)
    if with_deg:
      for j in range(TKC // 16):
        idx = dstt[pl.ds(j * 16, 16)]
        plsc.addupdate_scatter(hist, [idx], ones16)

    plsc.subcore_barrier()

    for k in range(RPT // KC):
      r = base + k * KC
      pltpu.sync_copy(acc.at[pl.ds(r, KC)], part_hbm.at[cid, pl.ds(r, KC)])
    if with_deg:
      pltpu.sync_copy(hist, degp_hbm.at[pl.ds(gw * NP, NP)])

  return pl.kernel(
      body, out_type=tuple(out_type), mesh=mesh,
      scratch_types=tuple(scratch),
      compiler_params=pltpu.CompilerParams(
          needs_layout_passes=False, use_tc_tiling_on_sc=False))


_sc_agg_deg = _make_sc_agg(True)
_sc_agg = _make_sc_agg(False)


GCH = 8
GK = 40


def _sc_take_body(q_hbm, samp_hbm, out_hbm, sampv, rows_a, rows_b, q_sp,
                  sem_a, sem_b):
  cid = lax.axis_index("c")
  sid = lax.axis_index("s")
  gw = cid * NS + sid
  base = sid * RPT
  pltpu.sync_copy(q_hbm.at[pl.ds(base, RPT)], q_sp.at[pl.ds(base, RPT)])
  pltpu.sync_copy(samp_hbm.at[pl.ds(gw * GCH, GCH)], sampv)
  plsc.subcore_barrier()
  bufs = [(rows_a, sem_a), (rows_b, sem_b)]
  pltpu.async_copy(q_sp.at[sampv.at[0]], rows_a, sem_a)
  for c in range(GCH):
    buf, sem = bufs[c % 2]
    pltpu.make_async_copy(q_sp.at[sampv.at[c]], buf, sem).wait()
    if c + 1 < GCH:
      nbuf, nsem = bufs[(c + 1) % 2]
      pltpu.async_copy(q_sp.at[sampv.at[c + 1]], nbuf, nsem)
    pltpu.sync_copy(buf, out_hbm.at[pl.ds((gw * GCH + c) * GK, GK)])


_sc_take = pl.kernel(
    _sc_take_body,
    out_type=jax.ShapeDtypeStruct((NP, D), jnp.float32),
    mesh=plsc.VectorSubcoreMesh(core_axis_name="c", subcore_axis_name="s"),
    scratch_types=(
        pltpu.VMEM((GCH, GK), jnp.int32),
        pltpu.VMEM((GK, D), jnp.float32),
        pltpu.VMEM((GK, D), jnp.float32),
        pltpu.VMEM_SHARED((NP, D), jnp.float32),
        pltpu.SemaphoreType.DMA,
        pltpu.SemaphoreType.DMA,
    ),
    compiler_params=pltpu.CompilerParams(
        needs_layout_passes=False, use_tc_tiling_on_sc=False))


def _split_cols(y):
  return jnp.stack([y[:, :HW], y[:, HW:]])


def _mm_body(x_ref, w_ref, o_ref):
  y = jnp.dot(x_ref[...], w_ref[...], preferred_element_type=jnp.float32)
  o_ref[...] = _split_cols(y)


def _mm(x, w):
  return pl.pallas_call(
      _mm_body,
      grid=(NP // BN,),
      in_specs=[pl.BlockSpec((BN, D), lambda i: (i, 0)),
                pl.BlockSpec((D, D), lambda i: (0, 0))],
      out_specs=pl.BlockSpec((NC, BN, HW), lambda i: (0, i, 0)),
      out_shape=jax.ShapeDtypeStruct((NC, NP, HW), jnp.float32),
  )(x, w)


def _agg_to_h(p_ref, dg_ref, b_ref):
  agg = jnp.concatenate([p_ref[0], p_ref[1]], axis=1)
  deg = jnp.maximum(0.5 * jnp.sum(dg_ref[...], axis=0), 1.0)[:, None]
  return jnp.maximum(agg / deg + b_ref[...], 0.0)


def _layer_body(p_ref, dg_ref, b_ref, w_ref, o_ref):
  h = _agg_to_h(p_ref, dg_ref, b_ref)
  y = jnp.dot(h, w_ref[...], preferred_element_type=jnp.float32)
  o_ref[...] = _split_cols(y)


def _head_body(p_ref, dg_ref, b_ref, w_ref, bl_ref, o_ref):
  h = _agg_to_h(p_ref, dg_ref, b_ref)
  nrm = jnp.sqrt(jnp.sum(h * h, axis=1, keepdims=True))
  g = h / jnp.maximum(nrm, 1e-12)
  o_ref[...] = jnp.dot(g, w_ref[...],
                       preferred_element_type=jnp.float32) + bl_ref[...]


def _layer(part, degp, b, w):
  return pl.pallas_call(
      _layer_body,
      grid=(NP // BN,),
      in_specs=[pl.BlockSpec((NC, BN, HW), lambda i: (0, i, 0)),
                pl.BlockSpec((NC * NS, BN), lambda i: (0, i)),
                pl.BlockSpec((1, D), lambda i: (0, 0)),
                pl.BlockSpec((D, D), lambda i: (0, 0))],
      out_specs=pl.BlockSpec((NC, BN, HW), lambda i: (0, i, 0)),
      out_shape=jax.ShapeDtypeStruct((NC, NP, HW), jnp.float32),
  )(part, degp, b, w)


def _head(part, degp, b, w, bl):
  return pl.pallas_call(
      _head_body,
      grid=(NP // BN,),
      in_specs=[pl.BlockSpec((NC, BN, HW), lambda i: (0, i, 0)),
                pl.BlockSpec((NC * NS, BN), lambda i: (0, i)),
                pl.BlockSpec((1, D), lambda i: (0, 0)),
                pl.BlockSpec((D, D), lambda i: (0, 0)),
                pl.BlockSpec((1, D), lambda i: (0, 0))],
      out_specs=pl.BlockSpec((BN, D), lambda i: (i, 0)),
      out_shape=jax.ShapeDtypeStruct((NP, D), jnp.float32),
  )(part, degp, b, w, bl)


def kernel(feat, adjs, sampled_nodes, nodes_per_layer, iterations,
           W1, b1, W2, b2, Wlin, blin):
  f32 = jnp.float32

  srcp = adjs[0]
  dstp = adjs[1]
  sampp = jnp.concatenate(
      [sampled_nodes, jnp.zeros((NP - N,), jnp.int32)]).reshape(32 * GCH, GK)
  b1r = b1.reshape(1, D)
  b2r = b2.reshape(1, D)
  wlp = jnp.zeros((D, D), f32).at[:, :C].set(Wlin)
  blp = jnp.zeros((1, D), f32).at[0, :C].set(blin)

  y1 = _mm(feat, W1)
  part1, degp = _sc_agg_deg(y1, srcp, dstp)
  degp = degp.reshape(NC * NS, NP)
  y2 = _layer(part1, degp, b1r, W2)
  part2 = _sc_agg(y2, srcp, dstp)[0]
  q = _head(part2, degp, b2r, wlp, blp)
  outg = _sc_take(q, sampp)
  return outg[:N, :C]

# --- scband reference (transcript-rebuilt; emitter-appended) ---
"""Pipeline reference for scband-gnn-83288005804155 (READ-ONLY COPY).

The authoritative reference and input builder live on the scoring server;
editing this copy changes nothing except your own understanding.
"""

import jax, jax.numpy as jnp
import numpy as np

N = 10000
E = 320000
D = 128
H = 128
C = 40


def setup_inputs(seed: int = 0) -> dict:
    key = jax.random.key(seed)
    ks = jax.random.split(key, 10)
    feat = jax.random.normal(ks[0], (N, D), dtype=jnp.float32)
    adjs = jax.random.randint(ks[1], (2, E), 0, N, dtype=jnp.int32)
    sampled_nodes = jax.random.randint(ks[2], (N,), 0, N, dtype=jnp.int32)
    W1 = jax.random.normal(ks[3], (D, H), dtype=jnp.float32) / np.sqrt(D)
    b1 = jnp.zeros((H,), dtype=jnp.float32)
    W2 = jax.random.normal(ks[4], (H, H), dtype=jnp.float32) / np.sqrt(H)
    b2 = jnp.zeros((H,), dtype=jnp.float32)
    Wlin = jax.random.normal(ks[5], (H, C), dtype=jnp.float32) / np.sqrt(H)
    blin = jnp.zeros((C,), dtype=jnp.float32)
    return {
        "feat": feat,
        "adjs": adjs,
        "sampled_nodes": sampled_nodes,
        "nodes_per_layer": N,
        "iterations": 1,
        "W1": W1, "b1": b1, "W2": W2, "b2": b2,
        "Wlin": Wlin, "blin": blin,
    }


def reference(feat, adjs, sampled_nodes, nodes_per_layer, iterations, W1, b1, W2, b2, Wlin, blin):
    # encoder: 2-layer mean-aggregation GCN over sampled adjacency
    src = adjs[0]
    dst = adjs[1]
    n = feat.shape[0]
    deg = jax.ops.segment_sum(jnp.ones_like(src, dtype=feat.dtype), dst, num_segments=n)
    deg = jnp.maximum(deg, 1.0)
    h = feat
    for (W, b) in ((W1, b1), (W2, b2)):
        msg = h[src]                                  # gather (memory-bound)
        agg = jax.ops.segment_sum(msg, dst, num_segments=n)  # scatter-add
        agg = agg / deg[:, None]
        h = jax.nn.relu(agg @ W + b)
    h = h[sampled_nodes]                              # select sampled output nodes
    # F.normalize(x, p=2, dim=1)
    norm = jnp.linalg.norm(h, axis=1, keepdims=True)
    h = h / jnp.maximum(norm, 1e-12)
    # dropout is identity in eval mode
    out = h @ Wlin + blin
    return out

if __name__ == "__main__":
    import jax
    _d = setup_inputs()
    print(jax.jit(kernel)(*tuple(_d.values())))

</pallas_src>

<mosaic_0001>
#map = affine_map<(d0, d1) -> (0, 0)>
module attributes {stable_mosaic.version = 14 : i64} {
  func.func @_sc_take_body(%arg0: i32, %arg1: i32, %arg2: memref<10240x128xf32, #tpu.memory_space<hbm>>, %arg3: memref<256x40xi32, #tpu.memory_space<hbm>>, %arg4: memref<10240x128xf32, #tpu.memory_space<hbm>>, %arg5: memref<8x40xi32, #tpu.memory_space<vmem>>, %arg6: memref<40x128xf32, #tpu.memory_space<vmem>>, %arg7: memref<40x128xf32, #tpu.memory_space<vmem>>, %arg8: memref<10240x128xf32, #tpu.memory_space<vmem_shared>>, %arg9: memref<!tpu.dma_semaphore, #tpu.memory_space<semaphore_mem>>, %arg10: memref<!tpu.dma_semaphore, #tpu.memory_space<semaphore_mem>>) attributes {dimension_semantics = [#tpu.dimension_semantics<core_parallel>, #tpu.dimension_semantics<subcore_parallel>], iteration_bounds = array<i64: 2, 16>, scalar_prefetch = 0 : i64, scratch_operands = 6 : i64, tpu.core_type = #tpu.core_type<sc_vector_subcore>, window_params = [{transform_indices = #map}, {transform_indices = #map}, {transform_indices = #map}]} {
    %mul3A = arith.constant 16 : i32
    %mul3A_0 = arith.muli %arg0, %mul3A : i32
    %add3A = arith.addi %mul3A_0, %arg1 : i32
    %mul3A_1 = arith.constant 640 : i32
    %mul3A_2 = arith.muli %arg1, %mul3A_1 : i32
    "tpu.region"() ({
      %run_scoped3A = tpu.sem_alloc : memref<!tpu.dma_semaphore, #tpu.memory_space<semaphore_mem>>
      %dma_start3A_163 = arith.constant 0 : i32
      %dma_start3A_164 = tpu.memref_slice %arg8[%mul3A_2, %dma_start3A_163] : memref<10240x128xf32, #tpu.memory_space<vmem_shared>> -> memref<640x128xf32, #tpu.memory_space<vmem_shared>>
      %dma_start3A_165 = arith.constant 0 : i32
      %dma_start3A_166 = tpu.memref_slice %arg2[%mul3A_2, %dma_start3A_165] : memref<10240x128xf32, #tpu.memory_space<hbm>> -> memref<640x128xf32, #tpu.memory_space<hbm>>
      tpu.enqueue_dma source(%dma_start3A_166 : memref<640x128xf32, #tpu.memory_space<hbm>>) target(%dma_start3A_164 : memref<640x128xf32, #tpu.memory_space<vmem_shared>>) target_semaphore(%run_scoped3A : memref<!tpu.dma_semaphore, #tpu.memory_space<semaphore_mem>>)
      %dma_wait3A_167 = arith.constant 0 : i32
      %dma_wait3A_168 = tpu.memref_slice %arg8[%mul3A_2, %dma_wait3A_167] : memref<10240x128xf32, #tpu.memory_space<vmem_shared>> -> memref<640x128xf32, #tpu.memory_space<vmem_shared>>
      %dma_wait3A_169 = arith.constant 0 : i32
      %dma_wait3A_170 = tpu.memref_slice %arg2[%mul3A_2, %dma_wait3A_169] : memref<10240x128xf32, #tpu.memory_space<hbm>> -> memref<640x128xf32, #tpu.memory_space<hbm>>
      tpu.wait_dma2 semaphore(%run_scoped3A : memref<!tpu.dma_semaphore, #tpu.memory_space<semaphore_mem>>) src(%dma_wait3A_170 : memref<640x128xf32, #tpu.memory_space<hbm>>) dst(%dma_wait3A_168 : memref<640x128xf32, #tpu.memory_space<vmem_shared>>)
      tpu.yield
    }) : () -> ()
    %mul3A_3 = arith.constant 8 : i32
    %mul3A_4 = arith.muli %add3A, %mul3A_3 : i32
    "tpu.region"() ({
      %run_scoped3A = tpu.sem_alloc : memref<!tpu.dma_semaphore, #tpu.memory_space<semaphore_mem>>
      %dma_start3A_163 = arith.constant 0 : i32
      %dma_start3A_164 = tpu.memref_slice %arg3[%mul3A_4, %dma_start3A_163] : memref<256x40xi32, #tpu.memory_space<hbm>> -> memref<8x40xi32, #tpu.memory_space<hbm>>
      %dma_start3A_165 = arith.constant 0 : i32
      %dma_start3A_166 = tpu.memref_slice %arg3[%mul3A_4, %dma_start3A_165] : memref<256x40xi32, #tpu.memory_space<hbm>> -> memref<8x40xi32, #tpu.memory_space<hbm>>
      tpu.enqueue_dma source(%dma_start3A_166 : memref<8x40xi32, #tpu.memory_space<hbm>>) target(%arg5 : memref<8x40xi32, #tpu.memory_space<vmem>>) target_semaphore(%run_scoped3A : memref<!tpu.dma_semaphore, #tpu.memory_space<semaphore_mem>>)
      %dma_wait3A_167 = arith.constant 0 : i32
      %dma_wait3A_168 = tpu.memref_slice %arg3[%mul3A_4, %dma_wait3A_167] : memref<256x40xi32, #tpu.memory_space<hbm>> -> memref<8x40xi32, #tpu.memory_space<hbm>>
      %dma_wait3A_169 = arith.constant 0 : i32
      %dma_wait3A_170 = tpu.memref_slice %arg3[%mul3A_4, %dma_wait3A_169] : memref<256x40xi32, #tpu.memory_space<hbm>> -> memref<8x40xi32, #tpu.memory_space<hbm>>
      tpu.wait_dma2 semaphore(%run_scoped3A : memref<!tpu.dma_semaphore, #tpu.memory_space<semaphore_mem>>) src(%dma_wait3A_170 : memref<8x40xi32, #tpu.memory_space<hbm>>) dst(%arg5 : memref<8x40xi32, #tpu.memory_space<vmem>>)
      tpu.yield
    }) : () -> ()
    %barrier3A = arith.constant 0 : index
    tpu.barrier barrier_id(%barrier3A)
    %dma_start3A = arith.constant 0 : i32
    %dma_start3A_5 = arith.constant 0 : i32
    %dma_start3A_6 = tpu.memref_slice %arg5[%dma_start3A, %dma_start3A_5] : memref<8x40xi32, #tpu.memory_space<vmem>> -> memref<1x40xi32, #tpu.memory_space<vmem>>
    %dma_start3A_7 = tpu.memref_squeeze %dma_start3A_6 : memref<1x40xi32, #tpu.memory_space<vmem>> -> memref<40xi32, #tpu.memory_space<vmem>>
    %dma_start3A_8 = arith.constant 0 : i32
    %dma_start3A_9 = arith.constant 0 : i32
    %dma_start3A_10 = tpu.memref_slice %arg8[%dma_start3A_8, %dma_start3A_9] : memref<10240x128xf32, #tpu.memory_space<vmem_shared>> -> memref<10240x128xf32, #tpu.memory_space<vmem_shared>>
    tpu.enqueue_indirect_dma source(%dma_start3A_10 : memref<10240x128xf32, #tpu.memory_space<vmem_shared>>) target(%arg6 : memref<40x128xf32, #tpu.memory_space<vmem>>) offsets(%dma_start3A_7 : memref<40xi32, #tpu.memory_space<vmem>>) semaphore(%arg9 : memref<!tpu.dma_semaphore, #tpu.memory_space<semaphore_mem>>)
    %dma_wait3A = arith.constant 0 : i32
    %dma_wait3A_11 = arith.constant 0 : i32
    %dma_wait3A_12 = tpu.memref_slice %arg5[%dma_wait3A, %dma_wait3A_11] : memref<8x40xi32, #tpu.memory_space<vmem>> -> memref<1x40xi32, #tpu.memory_space<vmem>>
    %dma_wait3A_13 = tpu.memref_squeeze %dma_wait3A_12 : memref<1x40xi32, #tpu.memory_space<vmem>> -> memref<40xi32, #tpu.memory_space<vmem>>
    %dma_wait3A_14 = arith.constant 0 : i32
    %dma_wait3A_15 = arith.constant 0 : i32
    %dma_wait3A_16 = tpu.memref_slice %arg8[%dma_wait3A_14, %dma_wait3A_15] : memref<10240x128xf32, #tpu.memory_space<vmem_shared>> -> memref<10240x128xf32, #tpu.memory_space<vmem_shared>>
    tpu.wait_indirect_dma semaphore(%arg9 : memref<!tpu.dma_semaphore, #tpu.memory_space<semaphore_mem>>) src(%dma_wait3A_16 : memref<10240x128xf32, #tpu.memory_space<vmem_shared>>) dst(%arg6 : memref<40x128xf32, #tpu.memory_space<vmem>>)
    %dma_start3A_17 = arith.constant 1 : i32
    %dma_start3A_18 = arith.constant 0 : i32
    %dma_start3A_19 = tpu.memref_slice %arg5[%dma_start3A_17, %dma_start3A_18] : memref<8x40xi32, #tpu.memory_space<vmem>> -> memref<1x40xi32, #tpu.memory_space<vmem>>
    %dma_start3A_20 = tpu.memref_squeeze %dma_start3A_19 : memref<1x40xi32, #tpu.memory_space<vmem>> -> memref<40xi32, #tpu.memory_space<vmem>>
    %dma_start3A_21 = arith.constant 0 : i32
    %dma_start3A_22 = arith.constant 0 : i32
    %dma_start3A_23 = tpu.memref_slice %arg8[%dma_start3A_21, %dma_start3A_22] : memref<10240x128xf32, #tpu.memory_space<vmem_shared>> -> memref<10240x128xf32, #tpu.memory_space<vmem_shared>>
    tpu.enqueue_indirect_dma source(%dma_start3A_23 : memref<10240x128xf32, #tpu.memory_space<vmem_shared>>) target(%arg7 : memref<40x128xf32, #tpu.memory_space<vmem>>) offsets(%dma_start3A_20 : memref<40xi32, #tpu.memory_space<vmem>>) semaphore(%arg10 : memref<!tpu.dma_semaphore, #tpu.memory_space<semaphore_mem>>)
    %mul3A_24 = arith.constant 8 : i32
    %mul3A_25 = arith.muli %add3A, %mul3A_24 : i32
    %add3A_26 = arith.constant 0 : i32
    %add3A_27 = arith.addi %mul3A_25, %add3A_26 : i32
    %mul3A_28 = arith.constant 40 : i32
    %mul3A_29 = arith.muli %add3A_27, %mul3A_28 : i32
    "tpu.region"() ({
      %run_scoped3A = tpu.sem_alloc : memref<!tpu.dma_semaphore, #tpu.memory_space<semaphore_mem>>
      %dma_start3A_163 = arith.constant 0 : i32
      %dma_start3A_164 = tpu.memref_slice %arg4[%mul3A_29, %dma_start3A_163] : memref<10240x128xf32, #tpu.memory_space<hbm>> -> memref<40x128xf32, #tpu.memory_space<hbm>>
      %dma_start3A_165 = arith.constant 0 : i32
      %dma_start3A_166 = tpu.memref_slice %arg4[%mul3A_29, %dma_start3A_165] : memref<10240x128xf32, #tpu.memory_space<hbm>> -> memref<40x128xf32, #tpu.memory_space<hbm>>
      tpu.enqueue_dma source(%arg6 : memref<40x128xf32, #tpu.memory_space<vmem>>) target(%dma_start3A_166 : memref<40x128xf32, #tpu.memory_space<hbm>>) target_semaphore(%run_scoped3A : memref<!tpu.dma_semaphore, #tpu.memory_space<semaphore_mem>>)
      %dma_wait3A_167 = arith.constant 0 : i32
      %dma_wait3A_168 = tpu.memref_slice %arg4[%mul3A_29, %dma_wait3A_167] : memref<10240x128xf32, #tpu.memory_space<hbm>> -> memref<40x128xf32, #tpu.memory_space<hbm>>
      %dma_wait3A_169 = arith.constant 0 : i32
      %dma_wait3A_170 = tpu.memref_slice %arg4[%mul3A_29, %dma_wait3A_169] : memref<10240x128xf32, #tpu.memory_space<hbm>> -> memref<40x128xf32, #tpu.memory_space<hbm>>
      tpu.wait_dma2 semaphore(%run_scoped3A : memref<!tpu.dma_semaphore, #tpu.memory_space<semaphore_mem>>) src(%arg6 : memref<40x128xf32, #tpu.memory_space<vmem>>) dst(%dma_wait3A_170 : memref<40x128xf32, #tpu.memory_space<hbm>>)
      tpu.yield
    }) : () -> ()
    %dma_wait3A_30 = arith.constant 1 : i32
    %dma_wait3A_31 = arith.constant 0 : i32
    %dma_wait3A_32 = tpu.memref_slice %arg5[%dma_wait3A_30, %dma_wait3A_31] : memref<8x40xi32, #tpu.memory_space<vmem>> -> memref<1x40xi32, #tpu.memory_space<vmem>>
    %dma_wait3A_33 = tpu.memref_squeeze %dma_wait3A_32 : memref<1x40xi32, #tpu.memory_space<vmem>> -> memref<40xi32, #tpu.memory_space<vmem>>
    %dma_wait3A_34 = arith.constant 0 : i32
    %dma_wait3A_35 = arith.constant 0 : i32
    %dma_wait3A_36 = tpu.memref_slice %arg8[%dma_wait3A_34, %dma_wait3A_35] : memref<10240x128xf32, #tpu.memory_space<vmem_shared>> -> memref<10240x128xf32, #tpu.memory_space<vmem_shared>>
    tpu.wait_indirect_dma semaphore(%arg10 : memref<!tpu.dma_semaphore, #tpu.memory_space<semaphore_mem>>) src(%dma_wait3A_36 : memref<10240x128xf32, #tpu.memory_space<vmem_shared>>) dst(%arg7 : memref<40x128xf32, #tpu.memory_space<vmem>>)
    %dma_start3A_37 = arith.constant 2 : i32
    %dma_start3A_38 = arith.constant 0 : i32
    %dma_start3A_39 = tpu.memref_slice %arg5[%dma_start3A_37, %dma_start3A_38] : memref<8x40xi32, #tpu.memory_space<vmem>> -> memref<1x40xi32, #tpu.memory_space<vmem>>
    %dma_start3A_40 = tpu.memref_squeeze %dma_start3A_39 : memref<1x40xi32, #tpu.memory_space<vmem>> -> memref<40xi32, #tpu.memory_space<vmem>>
    %dma_start3A_41 = arith.constant 0 : i32
    %dma_start3A_42 = arith.constant 0 : i32
    %dma_start3A_43 = tpu.memref_slice %arg8[%dma_start3A_41, %dma_start3A_42] : memref<10240x128xf32, #tpu.memory_space<vmem_shared>> -> memref<10240x128xf32, #tpu.memory_space<vmem_shared>>
    tpu.enqueue_indirect_dma source(%dma_start3A_43 : memref<10240x128xf32, #tpu.memory_space<vmem_shared>>) target(%arg6 : memref<40x128xf32, #tpu.memory_space<vmem>>) offsets(%dma_start3A_40 : memref<40xi32, #tpu.memory_space<vmem>>) semaphore(%arg9 : memref<!tpu.dma_semaphore, #tpu.memory_space<semaphore_mem>>)
    %mul3A_44 = arith.constant 8 : i32
    %mul3A_45 = arith.muli %add3A, %mul3A_44 : i32
    %add3A_46 = arith.constant 1 : i32
    %add3A_47 = arith.addi %mul3A_45, %add3A_46 : i32
    %mul3A_48 = arith.constant 40 : i32
    %mul3A_49 = arith.muli %add3A_47, %mul3A_48 : i32
    "tpu.region"() ({
      %run_scoped3A = tpu.sem_alloc : memref<!tpu.dma_semaphore, #tpu.memory_space<semaphore_mem>>
      %dma_start3A_163 = arith.constant 0 : i32
      %dma_start3A_164 = tpu.memref_slice %arg4[%mul3A_49, %dma_start3A_163] : memref<10240x128xf32, #tpu.memory_space<hbm>> -> memref<40x128xf32, #tpu.memory_space<hbm>>
      %dma_start3A_165 = arith.constant 0 : i32
      %dma_start3A_166 = tpu.memref_slice %arg4[%mul3A_49, %dma_start3A_165] : memref<10240x128xf32, #tpu.memory_space<hbm>> -> memref<40x128xf32, #tpu.memory_space<hbm>>
      tpu.enqueue_dma source(%arg7 : memref<40x128xf32, #tpu.memory_space<vmem>>) target(%dma_start3A_166 : memref<40x128xf32, #tpu.memory_space<hbm>>) target_semaphore(%run_scoped3A : memref<!tpu.dma_semaphore, #tpu.memory_space<semaphore_mem>>)
      %dma_wait3A_167 = arith.constant 0 : i32
      %dma_wait3A_168 = tpu.memref_slice %arg4[%mul3A_49, %dma_wait3A_167] : memref<10240x128xf32, #tpu.memory_space<hbm>> -> memref<40x128xf32, #tpu.memory_space<hbm>>
      %dma_wait3A_169 = arith.constant 0 : i32
      %dma_wait3A_170 = tpu.memref_slice %arg4[%mul3A_49, %dma_wait3A_169] : memref<10240x128xf32, #tpu.memory_space<hbm>> -> memref<40x128xf32, #tpu.memory_space<hbm>>
      tpu.wait_dma2 semaphore(%run_scoped3A : memref<!tpu.dma_semaphore, #tpu.memory_space<semaphore_mem>>) src(%arg7 : memref<40x128xf32, #tpu.memory_space<vmem>>) dst(%dma_wait3A_170 : memref<40x128xf32, #tpu.memory_space<hbm>>)
      tpu.yield
    }) : () -> ()
    %dma_wait3A_50 = arith.constant 2 : i32
    %dma_wait3A_51 = arith.constant 0 : i32
    %dma_wait3A_52 = tpu.memref_slice %arg5[%dma_wait3A_50, %dma_wait3A_51] : memref<8x40xi32, #tpu.memory_space<vmem>> -> memref<1x40xi32, #tpu.memory_space<vmem>>
    %dma_wait3A_53 = tpu.memref_squeeze %dma_wait3A_52 : memref<1x40xi32, #tpu.memory_space<vmem>> -> memref<40xi32, #tpu.memory_space<vmem>>
    %dma_wait3A_54 = arith.constant 0 : i32
    %dma_wait3A_55 = arith.constant 0 : i32
    %dma_wait3A_56 = tpu.memref_slice %arg8[%dma_wait3A_54, %dma_wait3A_55] : memref<10240x128xf32, #tpu.memory_space<vmem_shared>> -> memref<10240x128xf32, #tpu.memory_space<vmem_shared>>
    tpu.wait_indirect_dma semaphore(%arg9 : memref<!tpu.dma_semaphore, #tpu.memory_space<semaphore_mem>>) src(%dma_wait3A_56 : memref<10240x128xf32, #tpu.memory_space<vmem_shared>>) dst(%arg6 : memref<40x128xf32, #tpu.memory_space<vmem>>)
    %dma_start3A_57 = arith.constant 3 : i32
    %dma_start3A_58 = arith.constant 0 : i32
    %dma_start3A_59 = tpu.memref_slice %arg5[%dma_start3A_57, %dma_start3A_58] : memref<8x40xi32, #tpu.memory_space<vmem>> -> memref<1x40xi32, #tpu.memory_space<vmem>>
    %dma_start3A_60 = tpu.memref_squeeze %dma_start3A_59 : memref<1x40xi32, #tpu.memory_space<vmem>> -> memref<40xi32, #tpu.memory_space<vmem>>
    %dma_start3A_61 = arith.constant 0 : i32
    %dma_start3A_62 = arith.constant 0 : i32
    %dma_start3A_63 = tpu.memref_slice %arg8[%dma_start3A_61, %dma_start3A_62] : memref<10240x128xf32, #tpu.memory_space<vmem_shared>> -> memref<10240x128xf32, #tpu.memory_space<vmem_shared>>
    tpu.enqueue_indirect_dma source(%dma_start3A_63 : memref<10240x128xf32, #tpu.memory_space<vmem_shared>>) target(%arg7 : memref<40x128xf32, #tpu.memory_space<vmem>>) offsets(%dma_start3A_60 : memref<40xi32, #tpu.memory_space<vmem>>) semaphore(%arg10 : memref<!tpu.dma_semaphore, #tpu.memory_space<semaphore_mem>>)
    %mul3A_64 = arith.constant 8 : i32
    %mul3A_65 = arith.muli %add3A, %mul3A_64 : i32
    %add3A_66 = arith.constant 2 : i32
    %add3A_67 = arith.addi %mul3A_65, %add3A_66 : i32
    %mul3A_68 = arith.constant 40 : i32
    %mul3A_69 = arith.muli %add3A_67, %mul3A_68 : i32
    "tpu.region"() ({
      %run_scoped3A = tpu.sem_alloc : memref<!tpu.dma_semaphore, #tpu.memory_space<semaphore_mem>>
      %dma_start3A_163 = arith.constant 0 : i32
      %dma_start3A_164 = tpu.memref_slice %arg4[%mul3A_69, %dma_start3A_163] : memref<10240x128xf32, #tpu.memory_space<hbm>> -> memref<40x128xf32, #tpu.memory_space<hbm>>
      %dma_start3A_165 = arith.constant 0 : i32
      %dma_start3A_166 = tpu.memref_slice %arg4[%mul3A_69, %dma_start3A_165] : memref<10240x128xf32, #tpu.memory_space<hbm>> -> memref<40x128xf32, #tpu.memory_space<hbm>>
      tpu.enqueue_dma source(%arg6 : memref<40x128xf32, #tpu.memory_space<vmem>>) target(%dma_start3A_166 : memref<40x128xf32, #tpu.memory_space<hbm>>) target_semaphore(%run_scoped3A : memref<!tpu.dma_semaphore, #tpu.memory_space<semaphore_mem>>)
      %dma_wait3A_167 = arith.constant 0 : i32
      %dma_wait3A_168 = tpu.memref_slice %arg4[%mul3A_69, %dma_wait3A_167] : memref<10240x128xf32, #tpu.memory_space<hbm>> -> memref<40x128xf32, #tpu.memory_space<hbm>>
      %dma_wait3A_169 = arith.constant 0 : i32
      %dma_wait3A_170 = tpu.memref_slice %arg4[%mul3A_69, %dma_wait3A_169] : memref<10240x128xf32, #tpu.memory_space<hbm>> -> memref<40x128xf32, #tpu.memory_space<hbm>>
      tpu.wait_dma2 semaphore(%run_scoped3A : memref<!tpu.dma_semaphore, #tpu.memory_space<semaphore_mem>>) src(%arg6 : memref<40x128xf32, #tpu.memory_space<vmem>>) dst(%dma_wait3A_170 : memref<40x128xf32, #tpu.memory_space<hbm>>)
      tpu.yield
    }) : () -> ()
    %dma_wait3A_70 = arith.constant 3 : i32
    %dma_wait3A_71 = arith.constant 0 : i32
    %dma_wait3A_72 = tpu.memref_slice %arg5[%dma_wait3A_70, %dma_wait3A_71] : memref<8x40xi32, #tpu.memory_space<vmem>> -> memref<1x40xi32, #tpu.memory_space<vmem>>
    %dma_wait3A_73 = tpu.memref_squeeze %dma_wait3A_72 : memref<1x40xi32, #tpu.memory_space<vmem>> -> memref<40xi32, #tpu.memory_space<vmem>>
    %dma_wait3A_74 = arith.constant 0 : i32
    %dma_wait3A_75 = arith.constant 0 : i32
    %dma_wait3A_76 = tpu.memref_slice %arg8[%dma_wait3A_74, %dma_wait3A_75] : memref<10240x128xf32, #tpu.memory_space<vmem_shared>> -> memref<10240x128xf32, #tpu.memory_space<vmem_shared>>
    tpu.wait_indirect_dma semaphore(%arg10 : memref<!tpu.dma_semaphore, #tpu.memory_space<semaphore_mem>>) src(%dma_wait3A_76 : memref<10240x128xf32, #tpu.memory_space<vmem_shared>>) dst(%arg7 : memref<40x128xf32, #tpu.memory_space<vmem>>)
    %dma_start3A_77 = arith.constant 4 : i32
    %dma_start3A_78 = arith.constant 0 : i32
    %dma_start3A_79 = tpu.memref_slice %arg5[%dma_start3A_77, %dma_start3A_78] : memref<8x40xi32, #tpu.memory_space<vmem>> -> memref<1x40xi32, #tpu.memory_space<vmem>>
    %dma_start3A_80 = tpu.memref_squeeze %dma_start3A_79 : memref<1x40xi32, #tpu.memory_space<vmem>> -> memref<40xi32, #tpu.memory_space<vmem>>
    %dma_start3A_81 = arith.constant 0 : i32
    %dma_start3A_82 = arith.constant 0 : i32
    %dma_start3A_83 = tpu.memref_slice %arg8[%dma_start3A_81, %dma_start3A_82] : memref<10240x128xf32, #tpu.memory_space<vmem_shared>> -> memref<10240x128xf32, #tpu.memory_space<vmem_shared>>
    tpu.enqueue_indirect_dma source(%dma_start3A_83 : memref<10240x128xf32, #tpu.memory_space<vmem_shared>>) target(%arg6 : memref<40x128xf32, #tpu.memory_space<vmem>>) offsets(%dma_start3A_80 : memref<40xi32, #tpu.memory_space<vmem>>) semaphore(%arg9 : memref<!tpu.dma_semaphore, #tpu.memory_space<semaphore_mem>>)
    %mul3A_84 = arith.constant 8 : i32
    %mul3A_85 = arith.muli %add3A, %mul3A_84 : i32
    %add3A_86 = arith.constant 3 : i32
    %add3A_87 = arith.addi %mul3A_85, %add3A_86 : i32
    %mul3A_88 = arith.constant 40 : i32
    %mul3A_89 = arith.muli %add3A_87, %mul3A_88 : i32
    "tpu.region"() ({
      %run_scoped3A = tpu.sem_alloc : memref<!tpu.dma_semaphore, #tpu.memory_space<semaphore_mem>>
      %dma_start3A_163 = arith.constant 0 : i32
      %dma_start3A_164 = tpu.memref_slice %arg4[%mul3A_89, %dma_start3A_163] : memref<10240x128xf32, #tpu.memory_space<hbm>> -> memref<40x128xf32, #tpu.memory_space<hbm>>
      %dma_start3A_165 = arith.constant 0 : i32
      %dma_start3A_166 = tpu.memref_slice %arg4[%mul3A_89, %dma_start3A_165] : memref<10240x128xf32, #tpu.memory_space<hbm>> -> memref<40x128xf32, #tpu.memory_space<hbm>>
      tpu.enqueue_dma source(%arg7 : memref<40x128xf32, #tpu.memory_space<vmem>>) target(%dma_start3A_166 : memref<40x128xf32, #tpu.memory_space<hbm>>) target_semaphore(%run_scoped3A : memref<!tpu.dma_semaphore, #tpu.memory_space<semaphore_mem>>)
      %dma_wait3A_167 = arith.constant 0 : i32
      %dma_wait3A_168 = tpu.memref_slice %arg4[%mul3A_89, %dma_wait3A_167] : memref<10240x128xf32, #tpu.memory_space<hbm>> -> memref<40x128xf32, #tpu.memory_space<hbm>>
      %dma_wait3A_169 = arith.constant 0 : i32
      %dma_wait3A_170 = tpu.memref_slice %arg4[%mul3A_89, %dma_wait3A_169] : memref<10240x128xf32, #tpu.memory_space<hbm>> -> memref<40x128xf32, #tpu.memory_space<hbm>>
      tpu.wait_dma2 semaphore(%run_scoped3A : memref<!tpu.dma_semaphore, #tpu.memory_space<semaphore_mem>>) src(%arg7 : memref<40x128xf32, #tpu.memory_space<vmem>>) dst(%dma_wait3A_170 : memref<40x128xf32, #tpu.memory_space<hbm>>)
      tpu.yield
    }) : () -> ()
    %dma_wait3A_90 = arith.constant 4 : i32
    %dma_wait3A_91 = arith.constant 0 : i32
    %dma_wait3A_92 = tpu.memref_slice %arg5[%dma_wait3A_90, %dma_wait3A_91] : memref<8x40xi32, #tpu.memory_space<vmem>> -> memref<1x40xi32, #tpu.memory_space<vmem>>
    %dma_wait3A_93 = tpu.memref_squeeze %dma_wait3A_92 : memref<1x40xi32, #tpu.memory_space<vmem>> -> memref<40xi32, #tpu.memory_space<vmem>>
    %dma_wait3A_94 = arith.constant 0 : i32
    %dma_wait3A_95 = arith.constant 0 : i32
    %dma_wait3A_96 = tpu.memref_slice %arg8[%dma_wait3A_94, %dma_wait3A_95] : memref<10240x128xf32, #tpu.memory_space<vmem_shared>> -> memref<10240x128xf32, #tpu.memory_space<vmem_shared>>
    tpu.wait_indirect_dma semaphore(%arg9 : memref<!tpu.dma_semaphore, #tpu.memory_space<semaphore_mem>>) src(%dma_wait3A_96 : memref<10240x128xf32, #tpu.memory_space<vmem_shared>>) dst(%arg6 : memref<40x128xf32, #tpu.memory_space<vmem>>)
    %dma_start3A_97 = arith.constant 5 : i32
    %dma_start3A_98 = arith.constant 0 : i32
    %dma_start3A_99 = tpu.memref_slice %arg5[%dma_start3A_97, %dma_start3A_98] : memref<8x40xi32, #tpu.memory_space<vmem>> -> memref<1x40xi32, #tpu.memory_space<vmem>>
    %dma_start3A_100 = tpu.memref_squeeze %dma_start3A_99 : memref<1x40xi32, #tpu.memory_space<vmem>> -> memref<40xi32, #tpu.memory_space<vmem>>
    %dma_start3A_101 = arith.constant 0 : i32
    %dma_start3A_102 = arith.constant 0 : i32
    %dma_start3A_103 = tpu.memref_slice %arg8[%dma_start3A_101, %dma_start3A_102] : memref<10240x128xf32, #tpu.memory_space<vmem_shared>> -> memref<10240x128xf32, #tpu.memory_space<vmem_shared>>
    tpu.enqueue_indirect_dma source(%dma_start3A_103 : memref<10240x128xf32, #tpu.memory_space<vmem_shared>>) target(%arg7 : memref<40x128xf32, #tpu.memory_space<vmem>>) offsets(%dma_start3A_100 : memref<40xi32, #tpu.memory_space<vmem>>) semaphore(%arg10 : memref<!tpu.dma_semaphore, #tpu.memory_space<semaphore_mem>>)
    %mul3A_104 = arith.constant 8 : i32
    %mul3A_105 = arith.muli %add3A, %mul3A_104 : i32
    %add3A_106 = arith.constant 4 : i32
    %add3A_107 = arith.addi %mul3A_105, %add3A_106 : i32
    %mul3A_108 = arith.constant 40 : i32
    %mul3A_109 = arith.muli %add3A_107, %mul3A_108 : i32
    "tpu.region"() ({
      %run_scoped3A = tpu.sem_alloc : memref<!tpu.dma_semaphore, #tpu.memory_space<semaphore_mem>>
      %dma_start3A_163 = arith.constant 0 : i32
      %dma_start3A_164 = tpu.memref_slice %arg4[%mul3A_109, %dma_start3A_163] : memref<10240x128xf32, #tpu.memory_space<hbm>> -> memref<40x128xf32, #tpu.memory_space<hbm>>
      %dma_start3A_165 = arith.constant 0 : i32
      %dma_start3A_166 = tpu.memref_slice %arg4[%mul3A_109, %dma_start3A_165] : memref<10240x128xf32, #tpu.memory_space<hbm>> -> memref<40x128xf32, #tpu.memory_space<hbm>>
      tpu.enqueue_dma source(%arg6 : memref<40x128xf32, #tpu.memory_space<vmem>>) target(%dma_start3A_166 : memref<40x128xf32, #tpu.memory_space<hbm>>) target_semaphore(%run_scoped3A : memref<!tpu.dma_semaphore, #tpu.memory_space<semaphore_mem>>)
      %dma_wait3A_167 = arith.constant 0 : i32
      %dma_wait3A_168 = tpu.memref_slice %arg4[%mul3A_109, %dma_wait3A_167] : memref<10240x128xf32, #tpu.memory_space<hbm>> -> memref<40x128xf32, #tpu.memory_space<hbm>>
      %dma_wait3A_169 = arith.constant 0 : i32
      %dma_wait3A_170 = tpu.memref_slice %arg4[%mul3A_109, %dma_wait3A_169] : memref<10240x128xf32, #tpu.memory_space<hbm>> -> memref<40x128xf32, #tpu.memory_space<hbm>>
      tpu.wait_dma2 semaphore(%run_scoped3A : memref<!tpu.dma_semaphore, #tpu.memory_space<semaphore_mem>>) src(%arg6 : memref<40x128xf32, #tpu.memory_space<vmem>>) dst(%dma_wait3A_170 : memref<40x128xf32, #tpu.memory_space<hbm>>)
      tpu.yield
    }) : () -> ()
    %dma_wait3A_110 = arith.constant 5 : i32
    %dma_wait3A_111 = arith.constant 0 : i32
    %dma_wait3A_112 = tpu.memref_slice %arg5[%dma_wait3A_110, %dma_wait3A_111] : memref<8x40xi32, #tpu.memory_space<vmem>> -> memref<1x40xi32, #tpu.memory_space<vmem>>
    %dma_wait3A_113 = tpu.memref_squeeze %dma_wait3A_112 : memref<1x40xi32, #tpu.memory_space<vmem>> -> memref<40xi32, #tpu.memory_space<vmem>>
    %dma_wait3A_114 = arith.constant 0 : i32
    %dma_wait3A_115 = arith.constant 0 : i32
    %dma_wait3A_116 = tpu.memref_slice %arg8[%dma_wait3A_114, %dma_wait3A_115] : memref<10240x128xf32, #tpu.memory_space<vmem_shared>> -> memref<10240x128xf32, #tpu.memory_space<vmem_shared>>
    tpu.wait_indirect_dma semaphore(%arg10 : memref<!tpu.dma_semaphore, #tpu.memory_space<semaphore_mem>>) src(%dma_wait3A_116 : memref<10240x128xf32, #tpu.memory_space<vmem_shared>>) dst(%arg7 : memref<40x128xf32, #tpu.memory_space<vmem>>)
    %dma_start3A_117 = arith.constant 6 : i32
    %dma_start3A_118 = arith.constant 0 : i32
    %dma_start3A_119 = tpu.memref_slice %arg5[%dma_start3A_117, %dma_start3A_118] : memref<8x40xi32, #tpu.memory_space<vmem>> -> memref<1x40xi32, #tpu.memory_space<vmem>>
    %dma_start3A_120 = tpu.memref_squeeze %dma_start3A_119 : memref<1x40xi32, #tpu.memory_space<vmem>> -> memref<40xi32, #tpu.memory_space<vmem>>
    %dma_start3A_121 = arith.constant 0 : i32
    %dma_start3A_122 = arith.constant 0 : i32
    %dma_start3A_123 = tpu.memref_slice %arg8[%dma_start3A_121, %dma_start3A_122] : memref<10240x128xf32, #tpu.memory_space<vmem_shared>> -> memref<10240x128xf32, #tpu.memory_space<vmem_shared>>
    tpu.enqueue_indirect_dma source(%dma_start3A_123 : memref<10240x128xf32, #tpu.memory_space<vmem_shared>>) target(%arg6 : memref<40x128xf32, #tpu.memory_space<vmem>>) offsets(%dma_start3A_120 : memref<40xi32, #tpu.memory_space<vmem>>) semaphore(%arg9 : memref<!tpu.dma_semaphore, #tpu.memory_space<semaphore_mem>>)
    %mul3A_124 = arith.constant 8 : i32
    %mul3A_125 = arith.muli %add3A, %mul3A_124 : i32
    %add3A_126 = arith.constant 5 : i32
    %add3A_127 = arith.addi %mul3A_125, %add3A_126 : i32
    %mul3A_128 = arith.constant 40 : i32
    %mul3A_129 = arith.muli %add3A_127, %mul3A_128 : i32
    "tpu.region"() ({
      %run_scoped3A = tpu.sem_alloc : memref<!tpu.dma_semaphore, #tpu.memory_space<semaphore_mem>>
      %dma_start3A_163 = arith.constant 0 : i32
      %dma_start3A_164 = tpu.memref_slice %arg4[%mul3A_129, %dma_start3A_163] : memref<10240x128xf32, #tpu.memory_space<hbm>> -> memref<40x128xf32, #tpu.memory_space<hbm>>
      %dma_start3A_165 = arith.constant 0 : i32
      %dma_start3A_166 = tpu.memref_slice %arg4[%mul3A_129, %dma_start3A_165] : memref<10240x128xf32, #tpu.memory_space<hbm>> -> memref<40x128xf32, #tpu.memory_space<hbm>>
      tpu.enqueue_dma source(%arg7 : memref<40x128xf32, #tpu.memory_space<vmem>>) target(%dma_start3A_166 : memref<40x128xf32, #tpu.memory_space<hbm>>) target_semaphore(%run_scoped3A : memref<!tpu.dma_semaphore, #tpu.memory_space<semaphore_mem>>)
      %dma_wait3A_167 = arith.constant 0 : i32
      %dma_wait3A_168 = tpu.memref_slice %arg4[%mul3A_129, %dma_wait3A_167] : memref<10240x128xf32, #tpu.memory_space<hbm>> -> memref<40x128xf32, #tpu.memory_space<hbm>>
      %dma_wait3A_169 = arith.constant 0 : i32
      %dma_wait3A_170 = tpu.memref_slice %arg4[%mul3A_129, %dma_wait3A_169] : memref<10240x128xf32, #tpu.memory_space<hbm>> -> memref<40x128xf32, #tpu.memory_space<hbm>>
      tpu.wait_dma2 semaphore(%run_scoped3A : memref<!tpu.dma_semaphore, #tpu.memory_space<semaphore_mem>>) src(%arg7 : memref<40x128xf32, #tpu.memory_space<vmem>>) dst(%dma_wait3A_170 : memref<40x128xf32, #tpu.memory_space<hbm>>)
      tpu.yield
    }) : () -> ()
    %dma_wait3A_130 = arith.constant 6 : i32
    %dma_wait3A_131 = arith.constant 0 : i32
    %dma_wait3A_132 = tpu.memref_slice %arg5[%dma_wait3A_130, %dma_wait3A_131] : memref<8x40xi32, #tpu.memory_space<vmem>> -> memref<1x40xi32, #tpu.memory_space<vmem>>
    %dma_wait3A_133 = tpu.memref_squeeze %dma_wait3A_132 : memref<1x40xi32, #tpu.memory_space<vmem>> -> memref<40xi32, #tpu.memory_space<vmem>>
    %dma_wait3A_134 = arith.constant 0 : i32
    %dma_wait3A_135 = arith.constant 0 : i32
    %dma_wait3A_136 = tpu.memref_slice %arg8[%dma_wait3A_134, %dma_wait3A_135] : memref<10240x128xf32, #tpu.memory_space<vmem_shared>> -> memref<10240x128xf32, #tpu.memory_space<vmem_shared>>
    tpu.wait_indirect_dma semaphore(%arg9 : memref<!tpu.dma_semaphore, #tpu.memory_space<semaphore_mem>>) src(%dma_wait3A_136 : memref<10240x128xf32, #tpu.memory_space<vmem_shared>>) dst(%arg6 : memref<40x128xf32, #tpu.memory_space<vmem>>)
    %dma_start3A_137 = arith.constant 7 : i32
    %dma_start3A_138 = arith.constant 0 : i32
    %dma_start3A_139 = tpu.memref_slice %arg5[%dma_start3A_137, %dma_start3A_138] : memref<8x40xi32, #tpu.memory_space<vmem>> -> memref<1x40xi32, #tpu.memory_space<vmem>>
    %dma_start3A_140 = tpu.memref_squeeze %dma_start3A_139 : memref<1x40xi32, #tpu.memory_space<vmem>> -> memref<40xi32, #tpu.memory_space<vmem>>
    %dma_start3A_141 = arith.constant 0 : i32
    %dma_start3A_142 = arith.constant 0 : i32
    %dma_start3A_143 = tpu.memref_slice %arg8[%dma_start3A_141, %dma_start3A_142] : memref<10240x128xf32, #tpu.memory_space<vmem_shared>> -> memref<10240x128xf32, #tpu.memory_space<vmem_shared>>
    tpu.enqueue_indirect_dma source(%dma_start3A_143 : memref<10240x128xf32, #tpu.memory_space<vmem_shared>>) target(%arg7 : memref<40x128xf32, #tpu.memory_space<vmem>>) offsets(%dma_start3A_140 : memref<40xi32, #tpu.memory_space<vmem>>) semaphore(%arg10 : memref<!tpu.dma_semaphore, #tpu.memory_space<semaphore_mem>>)
    %mul3A_144 = arith.constant 8 : i32
    %mul3A_145 = arith.muli %add3A, %mul3A_144 : i32
    %add3A_146 = arith.constant 6 : i32
    %add3A_147 = arith.addi %mul3A_145, %add3A_146 : i32
    %mul3A_148 = arith.constant 40 : i32
    %mul3A_149 = arith.muli %add3A_147, %mul3A_148 : i32
    "tpu.region"() ({
      %run_scoped3A = tpu.sem_alloc : memref<!tpu.dma_semaphore, #tpu.memory_space<semaphore_mem>>
      %dma_start3A_163 = arith.constant 0 : i32
      %dma_start3A_164 = tpu.memref_slice %arg4[%mul3A_149, %dma_start3A_163] : memref<10240x128xf32, #tpu.memory_space<hbm>> -> memref<40x128xf32, #tpu.memory_space<hbm>>
      %dma_start3A_165 = arith.constant 0 : i32
      %dma_start3A_166 = tpu.memref_slice %arg4[%mul3A_149, %dma_start3A_165] : memref<10240x128xf32, #tpu.memory_space<hbm>> -> memref<40x128xf32, #tpu.memory_space<hbm>>
      tpu.enqueue_dma source(%arg6 : memref<40x128xf32, #tpu.memory_space<vmem>>) target(%dma_start3A_166 : memref<40x128xf32, #tpu.memory_space<hbm>>) target_semaphore(%run_scoped3A : memref<!tpu.dma_semaphore, #tpu.memory_space<semaphore_mem>>)
      %dma_wait3A_167 = arith.constant 0 : i32
      %dma_wait3A_168 = tpu.memref_slice %arg4[%mul3A_149, %dma_wait3A_167] : memref<10240x128xf32, #tpu.memory_space<hbm>> -> memref<40x128xf32, #tpu.memory_space<hbm>>
      %dma_wait3A_169 = arith.constant 0 : i32
      %dma_wait3A_170 = tpu.memref_slice %arg4[%mul3A_149, %dma_wait3A_169] : memref<10240x128xf32, #tpu.memory_space<hbm>> -> memref<40x128xf32, #tpu.memory_space<hbm>>
      tpu.wait_dma2 semaphore(%run_scoped3A : memref<!tpu.dma_semaphore, #tpu.memory_space<semaphore_mem>>) src(%arg6 : memref<40x128xf32, #tpu.memory_space<vmem>>) dst(%dma_wait3A_170 : memref<40x128xf32, #tpu.memory_space<hbm>>)
      tpu.yield
    }) : () -> ()
    %dma_wait3A_150 = arith.constant 7 : i32
    %dma_wait3A_151 = arith.constant 0 : i32
    %dma_wait3A_152 = tpu.memref_slice %arg5[%dma_wait3A_150, %dma_wait3A_151] : memref<8x40xi32, #tpu.memory_space<vmem>> -> memref<1x40xi32, #tpu.memory_space<vmem>>
    %dma_wait3A_153 = tpu.memref_squeeze %dma_wait3A_152 : memref<1x40xi32, #tpu.memory_space<vmem>> -> memref<40xi32, #tpu.memory_space<vmem>>
    %dma_wait3A_154 = arith.constant 0 : i32
    %dma_wait3A_155 = arith.constant 0 : i32
    %dma_wait3A_156 = tpu.memref_slice %arg8[%dma_wait3A_154, %dma_wait3A_155] : memref<10240x128xf32, #tpu.memory_space<vmem_shared>> -> memref<10240x128xf32, #tpu.memory_space<vmem_shared>>
    tpu.wait_indirect_dma semaphore(%arg10 : memref<!tpu.dma_semaphore, #tpu.memory_space<semaphore_mem>>) src(%dma_wait3A_156 : memref<10240x128xf32, #tpu.memory_space<vmem_shared>>) dst(%arg7 : memref<40x128xf32, #tpu.memory_space<vmem>>)
    %mul3A_157 = arith.constant 8 : i32
    %mul3A_158 = arith.muli %add3A, %mul3A_157 : i32
    %add3A_159 = arith.constant 7 : i32
    %add3A_160 = arith.addi %mul3A_158, %add3A_159 : i32
    %mul3A_161 = arith.constant 40 : i32
    %mul3A_162 = arith.muli %add3A_160, %mul3A_161 : i32
    "tpu.region"() ({
      %run_scoped3A = tpu.sem_alloc : memref<!tpu.dma_semaphore, #tpu.memory_space<semaphore_mem>>
      %dma_start3A_163 = arith.constant 0 : i32
      %dma_start3A_164 = tpu.memref_slice %arg4[%mul3A_162, %dma_start3A_163] : memref<10240x128xf32, #tpu.memory_space<hbm>> -> memref<40x128xf32, #tpu.memory_space<hbm>>
      %dma_start3A_165 = arith.constant 0 : i32
      %dma_start3A_166 = tpu.memref_slice %arg4[%mul3A_162, %dma_start3A_165] : memref<10240x128xf32, #tpu.memory_space<hbm>> -> memref<40x128xf32, #tpu.memory_space<hbm>>
      tpu.enqueue_dma source(%arg7 : memref<40x128xf32, #tpu.memory_space<vmem>>) target(%dma_start3A_166 : memref<40x128xf32, #tpu.memory_space<hbm>>) target_semaphore(%run_scoped3A : memref<!tpu.dma_semaphore, #tpu.memory_space<semaphore_mem>>)
      %dma_wait3A_167 = arith.constant 0 : i32
      %dma_wait3A_168 = tpu.memref_slice %arg4[%mul3A_162, %dma_wait3A_167] : memref<10240x128xf32, #tpu.memory_space<hbm>> -> memref<40x128xf32, #tpu.memory_space<hbm>>
      %dma_wait3A_169 = arith.constant 0 : i32
      %dma_wait3A_170 = tpu.memref_slice %arg4[%mul3A_162, %dma_wait3A_169] : memref<10240x128xf32, #tpu.memory_space<hbm>> -> memref<40x128xf32, #tpu.memory_space<hbm>>
      tpu.wait_dma2 semaphore(%run_scoped3A : memref<!tpu.dma_semaphore, #tpu.memory_space<semaphore_mem>>) src(%arg7 : memref<40x128xf32, #tpu.memory_space<vmem>>) dst(%dma_wait3A_170 : memref<40x128xf32, #tpu.memory_space<hbm>>)
      tpu.yield
    }) : () -> ()
    return
  }
}

#map = affine_map<(d0, d1) -> (0, 0, 0)>
#map1 = affine_map<(d0, d1) -> (0)>
module attributes {stable_mosaic.version = 14 : i64} {
  func.func @body(%arg0: i32, %arg1: i32, %arg2: memref<2x10240x64xf32, #tpu.memory_space<hbm>>, %arg3: memref<320000xi32, #tpu.memory_space<hbm>>, %arg4: memref<320000xi32, #tpu.memory_space<hbm>>, %arg5: memref<2x10240x64xf32, #tpu.memory_space<hbm>>, %arg6: memref<327680xf32, #tpu.memory_space<hbm>>, %arg7: memref<128x64xf32, #tpu.memory_space<vmem>>, %arg8: memref<128x64xf32, #tpu.memory_space<vmem>>, %arg9: memref<128x64xf32, #tpu.memory_space<vmem>>, %arg10: memref<128x64xf32, #tpu.memory_space<vmem>>, %arg11: memref<128xi32, #tpu.memory_space<vmem>>, %arg12: memref<128xi32, #tpu.memory_space<vmem>>, %arg13: memref<128xi32, #tpu.memory_space<vmem>>, %arg14: memref<128xi32, #tpu.memory_space<vmem>>, %arg15: memref<128xi32, #tpu.memory_space<vmem>>, %arg16: memref<128xi32, #tpu.memory_space<vmem>>, %arg17: memref<128xi32, #tpu.memory_space<vmem>>, %arg18: memref<128xi32, #tpu.memory_space<vmem>>, %arg19: memref<10240x64xf32, #tpu.memory_space<vmem_shared>>, %arg20: memref<10240x64xf32, #tpu.memory_space<vmem_shared>>, %arg21: memref<!tpu.dma_semaphore, #tpu.memory_space<semaphore_mem>>, %arg22: memref<!tpu.dma_semaphore, #tpu.memory_space<semaphore_mem>>, %arg23: memref<!tpu.dma_semaphore, #tpu.memory_space<semaphore_mem>>, %arg24: memref<!tpu.dma_semaphore, #tpu.memory_space<semaphore_mem>>, %arg25: memref<!tpu.dma_semaphore, #tpu.memory_space<semaphore_mem>>, %arg26: memref<!tpu.dma_semaphore, #tpu.memory_space<semaphore_mem>>, %arg27: memref<!tpu.dma_semaphore, #tpu.memory_space<semaphore_mem>>, %arg28: memref<!tpu.dma_semaphore, #tpu.memory_space<semaphore_mem>>, %arg29: memref<!tpu.dma_semaphore, #tpu.memory_space<semaphore_mem>>, %arg30: memref<!tpu.dma_semaphore, #tpu.memory_space<semaphore_mem>>, %arg31: memref<!tpu.dma_semaphore, #tpu.memory_space<semaphore_mem>>, %arg32: memref<!tpu.dma_semaphore, #tpu.memory_space<semaphore_mem>>, %arg33: memref<!tpu.dma_semaphore, #tpu.memory_space<semaphore_mem>>, %arg34: memref<!tpu.dma_semaphore, #tpu.memory_space<semaphore_mem>>, %arg35: memref<!tpu.dma_semaphore, #tpu.memory_space<semaphore_mem>>, %arg36: memref<!tpu.dma_semaphore, #tpu.memory_space<semaphore_mem>>, %arg37: memref<32xi32, #tpu.memory_space<vmem>>, %arg38: memref<32xi32, #tpu.memory_space<vmem>>, %arg39: memref<10240xf32, #tpu.memory_space<vmem>>) attributes {dimension_semantics = [#tpu.dimension_semantics<core_parallel>, #tpu.dimension_semantics<subcore_parallel>], iteration_bounds = array<i64: 2, 16>, scalar_prefetch = 0 : i64, scratch_operands = 33 : i64, tpu.core_type = #tpu.core_type<sc_vector_subcore>, window_params = [{transform_indices = #map}, {transform_indices = #map1}, {transform_indices = #map1}, {transform_indices = #map}, {transform_indices = #map1}]} {
    %mul3A = arith.constant 16 : i32
    %mul3A_0 = arith.muli %arg0, %mul3A : i32
    %add3A = arith.addi %mul3A_0, %arg1 : i32
    %mul3A_1 = arith.constant 640 : i32
    %mul3A_2 = arith.muli %arg1, %mul3A_1 : i32
    %mul3A_3 = arith.constant 20000 : i32
    %mul3A_4 = arith.muli %arg1, %mul3A_3 : i32
    "tpu.region"() ({
      %run_scoped3A = tpu.sem_alloc : memref<!tpu.dma_semaphore, #tpu.memory_space<semaphore_mem>>
      %dma_start3A_99 = arith.constant 0 : i32
      %dma_start3A_100 = tpu.memref_slice %arg20[%mul3A_2, %dma_start3A_99] : memref<10240x64xf32, #tpu.memory_space<vmem_shared>> -> memref<640x64xf32, #tpu.memory_space<vmem_shared>>
      %dma_start3A_101 = arith.constant 0 : i32
      %dma_start3A_102 = tpu.memref_slice %arg2[%arg0, %mul3A_2, %dma_start3A_101] : memref<2x10240x64xf32, #tpu.memory_space<hbm>> -> memref<1x640x64xf32, #tpu.memory_space<hbm>>
      %dma_start3A_103 = tpu.memref_squeeze %dma_start3A_102 : memref<1x640x64xf32, #tpu.memory_space<hbm>> -> memref<640x64xf32, #tpu.memory_space<hbm>>
      tpu.enqueue_dma source(%dma_start3A_103 : memref<640x64xf32, #tpu.memory_space<hbm>>) target(%dma_start3A_100 : memref<640x64xf32, #tpu.memory_space<vmem_shared>>) target_semaphore(%run_scoped3A : memref<!tpu.dma_semaphore, #tpu.memory_space<semaphore_mem>>)
      %dma_wait3A_104 = arith.constant 0 : i32
      %dma_wait3A_105 = tpu.memref_slice %arg20[%mul3A_2, %dma_wait3A_104] : memref<10240x64xf32, #tpu.memory_space<vmem_shared>> -> memref<640x64xf32, #tpu.memory_space<vmem_shared>>
      %dma_wait3A_106 = arith.constant 0 : i32
      %dma_wait3A_107 = tpu.memref_slice %arg2[%arg0, %mul3A_2, %dma_wait3A_106] : memref<2x10240x64xf32, #tpu.memory_space<hbm>> -> memref<1x640x64xf32, #tpu.memory_space<hbm>>
      %dma_wait3A_108 = tpu.memref_squeeze %dma_wait3A_107 : memref<1x640x64xf32, #tpu.memory_space<hbm>> -> memref<640x64xf32, #tpu.memory_space<hbm>>
      tpu.wait_dma2 semaphore(%run_scoped3A : memref<!tpu.dma_semaphore, #tpu.memory_space<semaphore_mem>>) src(%dma_wait3A_108 : memref<640x64xf32, #tpu.memory_space<hbm>>) dst(%dma_wait3A_105 : memref<640x64xf32, #tpu.memory_space<vmem_shared>>)
      tpu.yield
    }) : () -> ()
    %scan3A = arith.constant 0 : i32
    %scan3A_5 = arith.constant 128 : i32
    %scan3A_6 = arith.addi %scan3A, %scan3A_5 : i32
    %scan3A_7 = arith.constant 1 : i32
    scf.for %scan3A_99 = %scan3A to %scan3A_6 step %scan3A_7  : i32 {
      %mul3A_100 = arith.constant 1 : i32
      %mul3A_101 = arith.muli %scan3A_99, %mul3A_100 : i32
      %add3A_102 = arith.constant 0 : i32
      %add3A_103 = arith.addi %add3A_102, %mul3A_101 : i32
      %broadcast_in_dim3A_104 = arith.constant 0.000000e+00 : f32
      %broadcast_in_dim3A_105 = vector.broadcast %broadcast_in_dim3A_104 : f32 to vector<16xf32>
      %swap3A = arith.index_cast %add3A_103 : i32 to index
      %swap3A_106 = arith.constant 0 : index
      %swap3A_107 = tpu.vector_load %arg7[%swap3A, %swap3A_106] {strides = array<i32>} : memref<128x64xf32, #tpu.memory_space<vmem>>, vector<16xf32>,
      tpu.vector_store %arg7[%swap3A, %swap3A_106], %broadcast_in_dim3A_105 {strides = array<i32>} : memref<128x64xf32, #tpu.memory_space<vmem>>, vector<16xf32>,
      %swap3A_108 = arith.index_cast %add3A_103 : i32 to index
      %swap3A_109 = arith.constant 16 : index
      %swap3A_110 = tpu.vector_load %arg7[%swap3A_108, %swap3A_109] {strides = array<i32>} : memref<128x64xf32, #tpu.memory_space<vmem>>, vector<16xf32>,
      tpu.vector_store %arg7[%swap3A_108, %swap3A_109], %broadcast_in_dim3A_105 {strides = array<i32>} : memref<128x64xf32, #tpu.memory_space<vmem>>, vector<16xf32>,
      %swap3A_111 = arith.index_cast %add3A_103 : i32 to index
      %swap3A_112 = arith.constant 32 : index
      %swap3A_113 = tpu.vector_load %arg7[%swap3A_111, %swap3A_112] {strides = array<i32>} : memref<128x64xf32, #tpu.memory_space<vmem>>, vector<16xf32>,
      tpu.vector_store %arg7[%swap3A_111, %swap3A_112], %broadcast_in_dim3A_105 {strides = array<i32>} : memref<128x64xf32, #tpu.memory_space<vmem>>, vector<16xf32>,
      %swap3A_114 = arith.index_cast %add3A_103 : i32 to index
      %swap3A_115 = arith.constant 48 : index
      %swap3A_116 = tpu.vector_load %arg7[%swap3A_114, %swap3A_115] {strides = array<i32>} : memref<128x64xf32, #tpu.memory_space<vmem>>, vector<16xf32>,
      tpu.vector_store %arg7[%swap3A_114, %swap3A_115], %broadcast_in_dim3A_105 {strides = array<i32>} : memref<128x64xf32, #tpu.memory_space<vmem>>, vector<16xf32>,
    }
    %scan3A_8 = arith.constant 128 : i32
    %add3A_9 = arith.constant 0 : i32
    %add3A_10 = arith.addi %mul3A_2, %add3A_9 : i32
    "tpu.region"() ({
      %run_scoped3A = tpu.sem_alloc : memref<!tpu.dma_semaphore, #tpu.memory_space<semaphore_mem>>
      %dma_start3A_99 = arith.constant 0 : i32
      %dma_start3A_100 = tpu.memref_slice %arg19[%add3A_10, %dma_start3A_99] : memref<10240x64xf32, #tpu.memory_space<vmem_shared>> -> memref<128x64xf32, #tpu.memory_space<vmem_shared>>
      %dma_start3A_101 = arith.constant 0 : i32
      %dma_start3A_102 = tpu.memref_slice %arg19[%add3A_10, %dma_start3A_101] : memref<10240x64xf32, #tpu.memory_space<vmem_shared>> -> memref<128x64xf32, #tpu.memory_space<vmem_shared>>
      tpu.enqueue_dma source(%arg7 : memref<128x64xf32, #tpu.memory_space<vmem>>) target(%dma_start3A_102 : memref<128x64xf32, #tpu.memory_space<vmem_shared>>) target_semaphore(%run_scoped3A : memref<!tpu.dma_semaphore, #tpu.memory_space<semaphore_mem>>)
      %dma_wait3A_103 = arith.constant 0 : i32
      %dma_wait3A_104 = tpu.memref_slice %arg19[%add3A_10, %dma_wait3A_103] : memref<10240x64xf32, #tpu.memory_space<vmem_shared>> -> memref<128x64xf32, #tpu.memory_space<vmem_shared>>
      %dma_wait3A_105 = arith.constant 0 : i32
      %dma_wait3A_106 = tpu.memref_slice %arg19[%add3A_10, %dma_wait3A_105] : memref<10240x64xf32, #tpu.memory_space<vmem_shared>> -> memref<128x64xf32, #tpu.memory_space<vmem_shared>>
      tpu.wait_dma2 semaphore(%run_scoped3A : memref<!tpu.dma_semaphore, #tpu.memory_space<semaphore_mem>>) src(%arg7 : memref<128x64xf32, #tpu.memory_space<vmem>>) dst(%dma_wait3A_106 : memref<128x64xf32, #tpu.memory_space<vmem_shared>>)
      tpu.yield
    }) : () -> ()
    %add3A_11 = arith.constant 128 : i32
    %add3A_12 = arith.addi %mul3A_2, %add3A_11 : i32
    "tpu.region"() ({
      %run_scoped3A = tpu.sem_alloc : memref<!tpu.dma_semaphore, #tpu.memory_space<semaphore_mem>>
      %dma_start3A_99 = arith.constant 0 : i32
      %dma_start3A_100 = tpu.memref_slice %arg19[%add3A_12, %dma_start3A_99] : memref<10240x64xf32, #tpu.memory_space<vmem_shared>> -> memref<128x64xf32, #tpu.memory_space<vmem_shared>>
      %dma_start3A_101 = arith.constant 0 : i32
      %dma_start3A_102 = tpu.memref_slice %arg19[%add3A_12, %dma_start3A_101] : memref<10240x64xf32, #tpu.memory_space<vmem_shared>> -> memref<128x64xf32, #tpu.memory_space<vmem_shared>>
      tpu.enqueue_dma source(%arg7 : memref<128x64xf32, #tpu.memory_space<vmem>>) target(%dma_start3A_102 : memref<128x64xf32, #tpu.memory_space<vmem_shared>>) target_semaphore(%run_scoped3A : memref<!tpu.dma_semaphore, #tpu.memory_space<semaphore_mem>>)
      %dma_wait3A_103 = arith.constant 0 : i32
      %dma_wait3A_104 = tpu.memref_slice %arg19[%add3A_12, %dma_wait3A_103] : memref<10240x64xf32, #tpu.memory_space<vmem_shared>> -> memref<128x64xf32, #tpu.memory_space<vmem_shared>>
      %dma_wait3A_105 = arith.constant 0 : i32
      %dma_wait3A_106 = tpu.memref_slice %arg19[%add3A_12, %dma_wait3A_105] : memref<10240x64xf32, #tpu.memory_space<vmem_shared>> -> memref<128x64xf32, #tpu.memory_space<vmem_shared>>
      tpu.wait_dma2 semaphore(%run_scoped3A : memref<!tpu.dma_semaphore, #tpu.memory_space<semaphore_mem>>) src(%arg7 : memref<128x64xf32, #tpu.memory_space<vmem>>) dst(%dma_wait3A_106 : memref<128x64xf32, #tpu.memory_space<vmem_shared>>)
      tpu.yield
    }) : () -> ()
    %add3A_13 = arith.constant 256 : i32
    %add3A_14 = arith.addi %mul3A_2, %add3A_13 : i32
    "tpu.region"() ({
      %run_scoped3A = tpu.sem_alloc : memref<!tpu.dma_semaphore, #tpu.memory_space<semaphore_mem>>
      %dma_start3A_99 = arith.constant 0 : i32
      %dma_start3A_100 = tpu.memref_slice %arg19[%add3A_14, %dma_start3A_99] : memref<10240x64xf32, #tpu.memory_space<vmem_shared>> -> memref<128x64xf32, #tpu.memory_space<vmem_shared>>
      %dma_start3A_101 = arith.constant 0 : i32
      %dma_start3A_102 = tpu.memref_slice %arg19[%add3A_14, %dma_start3A_101] : memref<10240x64xf32, #tpu.memory_space<vmem_shared>> -> memref<128x64xf32, #tpu.memory_space<vmem_shared>>
      tpu.enqueue_dma source(%arg7 : memref<128x64xf32, #tpu.memory_space<vmem>>) target(%dma_start3A_102 : memref<128x64xf32, #tpu.memory_space<vmem_shared>>) target_semaphore(%run_scoped3A : memref<!tpu.dma_semaphore, #tpu.memory_space<semaphore_mem>>)
      %dma_wait3A_103 = arith.constant 0 : i32
      %dma_wait3A_104 = tpu.memref_slice %arg19[%add3A_14, %dma_wait3A_103] : memref<10240x64xf32, #tpu.memory_space<vmem_shared>> -> memref<128x64xf32, #tpu.memory_space<vmem_shared>>
      %dma_wait3A_105 = arith.constant 0 : i32
      %dma_wait3A_106 = tpu.memref_slice %arg19[%add3A_14, %dma_wait3A_105] : memref<10240x64xf32, #tpu.memory_space<vmem_shared>> -> memref<128x64xf32, #tpu.memory_space<vmem_shared>>
      tpu.wait_dma2 semaphore(%run_scoped3A : memref<!tpu.dma_semaphore, #tpu.memory_space<semaphore_mem>>) src(%arg7 : memref<128x64xf32, #tpu.memory_space<vmem>>) dst(%dma_wait3A_106 : memref<128x64xf32, #tpu.memory_space<vmem_shared>>)
      tpu.yield
    }) : () -> ()
    %add3A_15 = arith.constant 384 : i32
    %add3A_16 = arith.addi %mul3A_2, %add3A_15 : i32
    "tpu.region"() ({
      %run_scoped3A = tpu.sem_alloc : memref<!tpu.dma_semaphore, #tpu.memory_space<semaphore_mem>>
      %dma_start3A_99 = arith.constant 0 : i32
      %dma_start3A_100 = tpu.memref_slice %arg19[%add3A_16, %dma_start3A_99] : memref<10240x64xf32, #tpu.memory_space<vmem_shared>> -> memref<128x64xf32, #tpu.memory_space<vmem_shared>>
      %dma_start3A_101 = arith.constant 0 : i32
      %dma_start3A_102 = tpu.memref_slice %arg19[%add3A_16, %dma_start3A_101] : memref<10240x64xf32, #tpu.memory_space<vmem_shared>> -> memref<128x64xf32, #tpu.memory_space<vmem_shared>>
      tpu.enqueue_dma source(%arg7 : memref<128x64xf32, #tpu.memory_space<vmem>>) target(%dma_start3A_102 : memref<128x64xf32, #tpu.memory_space<vmem_shared>>) target_semaphore(%run_scoped3A : memref<!tpu.dma_semaphore, #tpu.memory_space<semaphore_mem>>)
      %dma_wait3A_103 = arith.constant 0 : i32
      %dma_wait3A_104 = tpu.memref_slice %arg19[%add3A_16, %dma_wait3A_103] : memref<10240x64xf32, #tpu.memory_space<vmem_shared>> -> memref<128x64xf32, #tpu.memory_space<vmem_shared>>
      %dma_wait3A_105 = arith.constant 0 : i32
      %dma_wait3A_106 = tpu.memref_slice %arg19[%add3A_16, %dma_wait3A_105] : memref<10240x64xf32, #tpu.memory_space<vmem_shared>> -> memref<128x64xf32, #tpu.memory_space<vmem_shared>>
      tpu.wait_dma2 semaphore(%run_scoped3A : memref<!tpu.dma_semaphore, #tpu.memory_space<semaphore_mem>>) src(%arg7 : memref<128x64xf32, #tpu.memory_space<vmem>>) dst(%dma_wait3A_106 : memref<128x64xf32, #tpu.memory_space<vmem_shared>>)
      tpu.yield
    }) : () -> ()
    %add3A_17 = arith.constant 512 : i32
    %add3A_18 = arith.addi %mul3A_2, %add3A_17 : i32
    "tpu.region"() ({
      %run_scoped3A = tpu.sem_alloc : memref<!tpu.dma_semaphore, #tpu.memory_space<semaphore_mem>>
      %dma_start3A_99 = arith.constant 0 : i32
      %dma_start3A_100 = tpu.memref_slice %arg19[%add3A_18, %dma_start3A_99] : memref<10240x64xf32, #tpu.memory_space<vmem_shared>> -> memref<128x64xf32, #tpu.memory_space<vmem_shared>>
      %dma_start3A_101 = arith.constant 0 : i32
      %dma_start3A_102 = tpu.memref_slice %arg19[%add3A_18, %dma_start3A_101] : memref<10240x64xf32, #tpu.memory_space<vmem_shared>> -> memref<128x64xf32, #tpu.memory_space<vmem_shared>>
      tpu.enqueue_dma source(%arg7 : memref<128x64xf32, #tpu.memory_space<vmem>>) target(%dma_start3A_102 : memref<128x64xf32, #tpu.memory_space<vmem_shared>>) target_semaphore(%run_scoped3A : memref<!tpu.dma_semaphore, #tpu.memory_space<semaphore_mem>>)
      %dma_wait3A_103 = arith.constant 0 : i32
      %dma_wait3A_104 = tpu.memref_slice %arg19[%add3A_18, %dma_wait3A_103] : memref<10240x64xf32, #tpu.memory_space<vmem_shared>> -> memref<128x64xf32, #tpu.memory_space<vmem_shared>>
      %dma_wait3A_105 = arith.constant 0 : i32
      %dma_wait3A_106 = tpu.memref_slice %arg19[%add3A_18, %dma_wait3A_105] : memref<10240x64xf32, #tpu.memory_space<vmem_shared>> -> memref<128x64xf32, #tpu.memory_space<vmem_shared>>
      tpu.wait_dma2 semaphore(%run_scoped3A : memref<!tpu.dma_semaphore, #tpu.memory_space<semaphore_mem>>) src(%arg7 : memref<128x64xf32, #tpu.memory_space<vmem>>) dst(%dma_wait3A_106 : memref<128x64xf32, #tpu.memory_space<vmem_shared>>)
      tpu.yield
    }) : () -> ()
    %scan3A_19 = arith.constant 0 : i32
    %scan3A_20 = arith.constant 640 : i32
    %scan3A_21 = arith.addi %scan3A_19, %scan3A_20 : i32
    %scan3A_22 = arith.constant 1 : i32
    scf.for %scan3A_99 = %scan3A_19 to %scan3A_21 step %scan3A_22  : i32 {
      %mul3A_100 = arith.constant 1 : i32
      %mul3A_101 = arith.muli %scan3A_99, %mul3A_100 : i32
      %add3A_102 = arith.constant 0 : i32
      %add3A_103 = arith.addi %add3A_102, %mul3A_101 : i32
      %broadcast_in_dim3A_104 = arith.constant 0.000000e+00 : f32
      %broadcast_in_dim3A_105 = vector.broadcast %broadcast_in_dim3A_104 : f32 to vector<16xf32>
      %mul3A_106 = arith.constant 16 : i32
      %mul3A_107 = arith.muli %add3A_103, %mul3A_106 : i32
      %swap3A = arith.index_cast %mul3A_107 : i32 to index
      %swap3A_108 = tpu.vector_load %arg39[%swap3A] {strides = array<i32>} : memref<10240xf32, #tpu.memory_space<vmem>>, vector<16xf32>,
      tpu.vector_store %arg39[%swap3A], %broadcast_in_dim3A_105 {strides = array<i32>} : memref<10240xf32, #tpu.memory_space<vmem>>, vector<16xf32>,
    }
    %scan3A_23 = arith.constant 640 : i32
    %barrier3A = arith.constant 0 : index
    tpu.barrier barrier_id(%barrier3A)
    %broadcast_in_dim3A = arith.constant 1.000000e+00 : f32
    %broadcast_in_dim3A_24 = vector.broadcast %broadcast_in_dim3A : f32 to vector<16xf32>
    %add3A_25 = arith.constant 0 : i32
    %add3A_26 = arith.addi %mul3A_4, %add3A_25 : i32
    %dma_start3A = tpu.memref_slice %arg3[%add3A_26] : memref<320000xi32, #tpu.memory_space<hbm>> -> memref<128xi32, #tpu.memory_space<hbm>>
    %dma_start3A_27 = tpu.memref_slice %arg3[%add3A_26] : memref<320000xi32, #tpu.memory_space<hbm>> -> memref<128xi32, #tpu.memory_space<hbm>>
    tpu.enqueue_dma source(%dma_start3A_27 : memref<128xi32, #tpu.memory_space<hbm>>) target(%arg11 : memref<128xi32, #tpu.memory_space<vmem>>) target_semaphore(%arg29 : memref<!tpu.dma_semaphore, #tpu.memory_space<semaphore_mem>>)
    %dma_start3A_28 = tpu.memref_slice %arg4[%add3A_26] : memref<320000xi32, #tpu.memory_space<hbm>> -> memref<128xi32, #tpu.memory_space<hbm>>
    %dma_start3A_29 = tpu.memref_slice %arg4[%add3A_26] : memref<320000xi32, #tpu.memory_space<hbm>> -> memref<128xi32, #tpu.memory_space<hbm>>
    tpu.enqueue_dma source(%dma_start3A_29 : memref<128xi32, #tpu.memory_space<hbm>>) target(%arg15 : memref<128xi32, #tpu.memory_space<vmem>>) target_semaphore(%arg33 : memref<!tpu.dma_semaphore, #tpu.memory_space<semaphore_mem>>)
    %add3A_30 = arith.constant 128 : i32
    %add3A_31 = arith.addi %mul3A_4, %add3A_30 : i32
    %dma_start3A_32 = tpu.memref_slice %arg3[%add3A_31] : memref<320000xi32, #tpu.memory_space<hbm>> -> memref<128xi32, #tpu.memory_space<hbm>>
    %dma_start3A_33 = tpu.memref_slice %arg3[%add3A_31] : memref<320000xi32, #tpu.memory_space<hbm>> -> memref<128xi32, #tpu.memory_space<hbm>>
    tpu.enqueue_dma source(%dma_start3A_33 : memref<128xi32, #tpu.memory_space<hbm>>) target(%arg12 : memref<128xi32, #tpu.memory_space<vmem>>) target_semaphore(%arg30 : memref<!tpu.dma_semaphore, #tpu.memory_space<semaphore_mem>>)
    %dma_start3A_34 = tpu.memref_slice %arg4[%add3A_31] : memref<320000xi32, #tpu.memory_space<hbm>> -> memref<128xi32, #tpu.memory_space<hbm>>
    %dma_start3A_35 = tpu.memref_slice %arg4[%add3A_31] : memref<320000xi32, #tpu.memory_space<hbm>> -> memref<128xi32, #tpu.memory_space<hbm>>
    tpu.enqueue_dma source(%dma_start3A_35 : memref<128xi32, #tpu.memory_space<hbm>>) target(%arg16 : memref<128xi32, #tpu.memory_space<vmem>>) target_semaphore(%arg34 : memref<!tpu.dma_semaphore, #tpu.memory_space<semaphore_mem>>)
    %dma_wait3A = arith.constant 0 : i32
    %dma_wait3A_36 = tpu.memref_slice %arg3[%dma_wait3A] : memref<320000xi32, #tpu.memory_space<hbm>> -> memref<128xi32, #tpu.memory_space<hbm>>
    %dma_wait3A_37 = arith.constant 0 : i32
    %dma_wait3A_38 = tpu.memref_slice %arg3[%dma_wait3A_37] : memref<320000xi32, #tpu.memory_space<hbm>> -> memref<128xi32, #tpu.memory_space<hbm>>
    tpu.wait_dma2 semaphore(%arg29 : memref<!tpu.dma_semaphore, #tpu.memory_space<semaphore_mem>>) src(%dma_wait3A_38 : memref<128xi32, #tpu.memory_space<hbm>>) dst(%arg11 : memref<128xi32, #tpu.memory_space<vmem>>)
    %dma_wait3A_39 = arith.constant 0 : i32
    %dma_wait3A_40 = tpu.memref_slice %arg4[%dma_wait3A_39] : memref<320000xi32, #tpu.memory_space<hbm>> -> memref<128xi32, #tpu.memory_space<hbm>>
    %dma_wait3A_41 = arith.constant 0 : i32
    %dma_wait3A_42 = tpu.memref_slice %arg4[%dma_wait3A_41] : memref<320000xi32, #tpu.memory_space<hbm>> -> memref<128xi32, #tpu.memory_space<hbm>>
    tpu.wait_dma2 semaphore(%arg33 : memref<!tpu.dma_semaphore, #tpu.memory_space<semaphore_mem>>) src(%dma_wait3A_42 : memref<128xi32, #tpu.memory_space<hbm>>) dst(%arg15 : memref<128xi32, #tpu.memory_space<vmem>>)
    %dma_start3A_43 = arith.constant 0 : i32
    %dma_start3A_44 = arith.constant 0 : i32
    %dma_start3A_45 = tpu.memref_slice %arg20[%dma_start3A_43, %dma_start3A_44] : memref<10240x64xf32, #tpu.memory_space<vmem_shared>> -> memref<10240x64xf32, #tpu.memory_space<vmem_shared>>
    tpu.enqueue_indirect_dma source(%dma_start3A_45 : memref<10240x64xf32, #tpu.memory_space<vmem_shared>>) target(%arg7 : memref<128x64xf32, #tpu.memory_space<vmem>>) offsets(%arg11 : memref<128xi32, #tpu.memory_space<vmem>>) semaphore(%arg21 : memref<!tpu.dma_semaphore, #tpu.memory_space<semaphore_mem>>)
    %scan3A_46 = arith.constant 0 : i32
    %scan3A_47 = arith.constant 39 : i32
    %scan3A_48 = arith.addi %scan3A_46, %scan3A_47 : i32
    %scan3A_49 = arith.constant 1 : i32
    scf.for %scan3A_99 = %scan3A_46 to %scan3A_48 step %scan3A_49  : i32 {
      %mul3A_100 = arith.constant 1 : i32
      %mul3A_101 = arith.muli %scan3A_99, %mul3A_100 : i32
      %add3A_102 = arith.constant 0 : i32
      %add3A_103 = arith.addi %add3A_102, %mul3A_101 : i32
      %mul3A_104 = arith.constant 4 : i32
      %mul3A_105 = arith.muli %mul3A_104, %add3A_103 : i32
      %add3A_106 = arith.constant 0 : i32
      %add3A_107 = arith.addi %mul3A_105, %add3A_106 : i32
      %ge3A = arith.constant 2 : i32
      %ge3A_108 = arith.cmpi sge, %add3A_107, %ge3A : i32
      %convert_element_type3A = arith.extui %ge3A_108 : i1 to i32
      %cond3A = arith.constant 0 : i32
      %cond3A_109 = arith.cmpi ne, %convert_element_type3A, %cond3A : i32
      scf.if %cond3A_109 {
        %dma_wait3A_280 = arith.constant 0 : i32
        %dma_wait3A_281 = arith.constant 0 : i32
        %dma_wait3A_282 = tpu.memref_slice %arg19[%dma_wait3A_280, %dma_wait3A_281] : memref<10240x64xf32, #tpu.memory_space<vmem_shared>> -> memref<10240x64xf32, #tpu.memory_space<vmem_shared>>
        tpu.wait_indirect_dma semaphore(%arg27 : memref<!tpu.dma_semaphore, #tpu.memory_space<semaphore_mem>>) src(%arg9 : memref<128x64xf32, #tpu.memory_space<vmem>>) dst(%dma_wait3A_282 : memref<10240x64xf32, #tpu.memory_space<vmem_shared>>)
      } else {
      }
      %add3A_110 = arith.constant 2 : i32
      %add3A_111 = arith.addi %add3A_107, %add3A_110 : i32
      %lt3A = arith.constant 156 : i32
      %lt3A_112 = arith.cmpi slt, %add3A_111, %lt3A : i32
      %convert_element_type3A_113 = arith.extui %lt3A_112 : i1 to i32
      %cond3A_114 = arith.constant 0 : i32
      %cond3A_115 = arith.cmpi ne, %convert_element_type3A_113, %cond3A_114 : i32
      scf.if %cond3A_115 {
        %add3A_280 = arith.constant 2 : i32
        %add3A_281 = arith.addi %add3A_107, %add3A_280 : i32
        %mul3A_282 = arith.constant 128 : i32
        %mul3A_283 = arith.muli %add3A_281, %mul3A_282 : i32
        %add3A_284 = arith.addi %mul3A_4, %mul3A_283 : i32
        %dma_start3A_285 = tpu.memref_slice %arg3[%add3A_284] : memref<320000xi32, #tpu.memory_space<hbm>> -> memref<128xi32, #tpu.memory_space<hbm>>
        %dma_start3A_286 = tpu.memref_slice %arg3[%add3A_284] : memref<320000xi32, #tpu.memory_space<hbm>> -> memref<128xi32, #tpu.memory_space<hbm>>
        tpu.enqueue_dma source(%dma_start3A_286 : memref<128xi32, #tpu.memory_space<hbm>>) target(%arg13 : memref<128xi32, #tpu.memory_space<vmem>>) target_semaphore(%arg31 : memref<!tpu.dma_semaphore, #tpu.memory_space<semaphore_mem>>)
        %dma_start3A_287 = tpu.memref_slice %arg4[%add3A_284] : memref<320000xi32, #tpu.memory_space<hbm>> -> memref<128xi32, #tpu.memory_space<hbm>>
        %dma_start3A_288 = tpu.memref_slice %arg4[%add3A_284] : memref<320000xi32, #tpu.memory_space<hbm>> -> memref<128xi32, #tpu.memory_space<hbm>>
        tpu.enqueue_dma source(%dma_start3A_288 : memref<128xi32, #tpu.memory_space<hbm>>) target(%arg17 : memref<128xi32, #tpu.memory_space<vmem>>) target_semaphore(%arg35 : memref<!tpu.dma_semaphore, #tpu.memory_space<semaphore_mem>>)
      } else {
      }
      %add3A_116 = arith.constant 1 : i32
      %add3A_117 = arith.addi %add3A_107, %add3A_116 : i32
      %lt3A_118 = arith.constant 156 : i32
      %lt3A_119 = arith.cmpi slt, %add3A_117, %lt3A_118 : i32
      %convert_element_type3A_120 = arith.extui %lt3A_119 : i1 to i32
      %cond3A_121 = arith.constant 0 : i32
      %cond3A_122 = arith.cmpi ne, %convert_element_type3A_120, %cond3A_121 : i32
      scf.if %cond3A_122 {
        %dma_wait3A_280 = arith.constant 0 : i32
        %dma_wait3A_281 = tpu.memref_slice %arg3[%dma_wait3A_280] : memref<320000xi32, #tpu.memory_space<hbm>> -> memref<128xi32, #tpu.memory_space<hbm>>
        %dma_wait3A_282 = arith.constant 0 : i32
        %dma_wait3A_283 = tpu.memref_slice %arg3[%dma_wait3A_282] : memref<320000xi32, #tpu.memory_space<hbm>> -> memref<128xi32, #tpu.memory_space<hbm>>
        tpu.wait_dma2 semaphore(%arg30 : memref<!tpu.dma_semaphore, #tpu.memory_space<semaphore_mem>>) src(%dma_wait3A_283 : memref<128xi32, #tpu.memory_space<hbm>>) dst(%arg12 : memref<128xi32, #tpu.memory_space<vmem>>)
        %dma_wait3A_284 = arith.constant 0 : i32
        %dma_wait3A_285 = tpu.memref_slice %arg4[%dma_wait3A_284] : memref<320000xi32, #tpu.memory_space<hbm>> -> memref<128xi32, #tpu.memory_space<hbm>>
        %dma_wait3A_286 = arith.constant 0 : i32
        %dma_wait3A_287 = tpu.memref_slice %arg4[%dma_wait3A_286] : memref<320000xi32, #tpu.memory_space<hbm>> -> memref<128xi32, #tpu.memory_space<hbm>>
        tpu.wait_dma2 semaphore(%arg34 : memref<!tpu.dma_semaphore, #tpu.memory_space<semaphore_mem>>) src(%dma_wait3A_287 : memref<128xi32, #tpu.memory_space<hbm>>) dst(%arg16 : memref<128xi32, #tpu.memory_space<vmem>>)
        %dma_start3A_288 = arith.constant 0 : i32
        %dma_start3A_289 = arith.constant 0 : i32
        %dma_start3A_290 = tpu.memref_slice %arg20[%dma_start3A_288, %dma_start3A_289] : memref<10240x64xf32, #tpu.memory_space<vmem_shared>> -> memref<10240x64xf32, #tpu.memory_space<vmem_shared>>
        tpu.enqueue_indirect_dma source(%dma_start3A_290 : memref<10240x64xf32, #tpu.memory_space<vmem_shared>>) target(%arg8 : memref<128x64xf32, #tpu.memory_space<vmem>>) offsets(%arg12 : memref<128xi32, #tpu.memory_space<vmem>>) semaphore(%arg22 : memref<!tpu.dma_semaphore, #tpu.memory_space<semaphore_mem>>)
      } else {
      }
      %dma_wait3A_123 = arith.constant 0 : i32
      %dma_wait3A_124 = arith.constant 0 : i32
      %dma_wait3A_125 = tpu.memref_slice %arg20[%dma_wait3A_123, %dma_wait3A_124] : memref<10240x64xf32, #tpu.memory_space<vmem_shared>> -> memref<10240x64xf32, #tpu.memory_space<vmem_shared>>
      tpu.wait_indirect_dma semaphore(%arg21 : memref<!tpu.dma_semaphore, #tpu.memory_space<semaphore_mem>>) src(%dma_wait3A_125 : memref<10240x64xf32, #tpu.memory_space<vmem_shared>>) dst(%arg7 : memref<128x64xf32, #tpu.memory_space<vmem>>)
      %dma_start3A_126 = arith.constant 0 : i32
      %dma_start3A_127 = arith.constant 0 : i32
      %dma_start3A_128 = tpu.memref_slice %arg19[%dma_start3A_126, %dma_start3A_127] : memref<10240x64xf32, #tpu.memory_space<vmem_shared>> -> memref<10240x64xf32, #tpu.memory_space<vmem_shared>>
      tpu.enqueue_indirect_dma source(%arg7 : memref<128x64xf32, #tpu.memory_space<vmem>>) target(%dma_start3A_128 : memref<10240x64xf32, #tpu.memory_space<vmem_shared>>) offsets(%arg15 : memref<128xi32, #tpu.memory_space<vmem>>) semaphore(%arg25 : memref<!tpu.dma_semaphore, #tpu.memory_space<semaphore_mem>>) {add = true}
      %get3A_129 = arith.constant 0 : index
      %get3A_130 = tpu.vector_load %arg15[%get3A_129] {strides = array<i32>} : memref<128xi32, #tpu.memory_space<vmem>>, vector<16xi32>,
      tpu.vector_store_idx %arg39[%get3A_130], %broadcast_in_dim3A_24 {add = true} : memref<10240xf32, #tpu.memory_space<vmem>>[vector<16xi32>], vector<16xf32>,
      %get3A_131 = arith.constant 16 : index
      %get3A_132 = tpu.vector_load %arg15[%get3A_131] {strides = array<i32>} : memref<128xi32, #tpu.memory_space<vmem>>, vector<16xi32>,
      tpu.vector_store_idx %arg39[%get3A_132], %broadcast_in_dim3A_24 {add = true} : memref<10240xf32, #tpu.memory_space<vmem>>[vector<16xi32>], vector<16xf32>,
      %get3A_133 = arith.constant 32 : index
      %get3A_134 = tpu.vector_load %arg15[%get3A_133] {strides = array<i32>} : memref<128xi32, #tpu.memory_space<vmem>>, vector<16xi32>,
      tpu.vector_store_idx %arg39[%get3A_134], %broadcast_in_dim3A_24 {add = true} : memref<10240xf32, #tpu.memory_space<vmem>>[vector<16xi32>], vector<16xf32>,
      %get3A_135 = arith.constant 48 : index
      %get3A_136 = tpu.vector_load %arg15[%get3A_135] {strides = array<i32>} : memref<128xi32, #tpu.memory_space<vmem>>, vector<16xi32>,
      tpu.vector_store_idx %arg39[%get3A_136], %broadcast_in_dim3A_24 {add = true} : memref<10240xf32, #tpu.memory_space<vmem>>[vector<16xi32>], vector<16xf32>,
      %get3A_137 = arith.constant 64 : index
      %get3A_138 = tpu.vector_load %arg15[%get3A_137] {strides = array<i32>} : memref<128xi32, #tpu.memory_space<vmem>>, vector<16xi32>,
      tpu.vector_store_idx %arg39[%get3A_138], %broadcast_in_dim3A_24 {add = true} : memref<10240xf32, #tpu.memory_space<vmem>>[vector<16xi32>], vector<16xf32>,
      %get3A_139 = arith.constant 80 : index
      %get3A_140 = tpu.vector_load %arg15[%get3A_139] {strides = array<i32>} : memref<128xi32, #tpu.memory_space<vmem>>, vector<16xi32>,
      tpu.vector_store_idx %arg39[%get3A_140], %broadcast_in_dim3A_24 {add = true} : memref<10240xf32, #tpu.memory_space<vmem>>[vector<16xi32>], vector<16xf32>,
      %get3A_141 = arith.constant 96 : index
      %get3A_142 = tpu.vector_load %arg15[%get3A_141] {strides = array<i32>} : memref<128xi32, #tpu.memory_space<vmem>>, vector<16xi32>,
      tpu.vector_store_idx %arg39[%get3A_142], %broadcast_in_dim3A_24 {add = true} : memref<10240xf32, #tpu.memory_space<vmem>>[vector<16xi32>], vector<16xf32>,
      %get3A_143 = arith.constant 112 : index
      %get3A_144 = tpu.vector_load %arg15[%get3A_143] {strides = array<i32>} : memref<128xi32, #tpu.memory_space<vmem>>, vector<16xi32>,
      tpu.vector_store_idx %arg39[%get3A_144], %broadcast_in_dim3A_24 {add = true} : memref<10240xf32, #tpu.memory_space<vmem>>[vector<16xi32>], vector<16xf32>,
      %mul3A_145 = arith.constant 4 : i32
      %mul3A_146 = arith.muli %mul3A_145, %add3A_103 : i32
      %add3A_147 = arith.constant 1 : i32
      %add3A_148 = arith.addi %mul3A_146, %add3A_147 : i32
      %ge3A_149 = arith.constant 2 : i32
      %ge3A_150 = arith.cmpi sge, %add3A_148, %ge3A_149 : i32
      %convert_element_type3A_151 = arith.extui %ge3A_150 : i1 to i32
      %cond3A_152 = arith.constant 0 : i32
      %cond3A_153 = arith.cmpi ne, %convert_element_type3A_151, %cond3A_152 : i32
      scf.if %cond3A_153 {
        %dma_wait3A_280 = arith.constant 0 : i32
        %dma_wait3A_281 = arith.constant 0 : i32
        %dma_wait3A_282 = tpu.memref_slice %arg19[%dma_wait3A_280, %dma_wait3A_281] : memref<10240x64xf32, #tpu.memory_space<vmem_shared>> -> memref<10240x64xf32, #tpu.memory_space<vmem_shared>>
        tpu.wait_indirect_dma semaphore(%arg28 : memref<!tpu.dma_semaphore, #tpu.memory_space<semaphore_mem>>) src(%arg10 : memref<128x64xf32, #tpu.memory_space<vmem>>) dst(%dma_wait3A_282 : memref<10240x64xf32, #tpu.memory_space<vmem_shared>>)
      } else {
      }
      %add3A_154 = arith.constant 2 : i32
      %add3A_155 = arith.addi %add3A_148, %add3A_154 : i32
      %lt3A_156 = arith.constant 156 : i32
      %lt3A_157 = arith.cmpi slt, %add3A_155, %lt3A_156 : i32
      %convert_element_type3A_158 = arith.extui %lt3A_157 : i1 to i32
      %cond3A_159 = arith.constant 0 : i32
      %cond3A_160 = arith.cmpi ne, %convert_element_type3A_158, %cond3A_159 : i32
      scf.if %cond3A_160 {
        %add3A_280 = arith.constant 2 : i32
        %add3A_281 = arith.addi %add3A_148, %add3A_280 : i32
        %mul3A_282 = arith.constant 128 : i32
        %mul3A_283 = arith.muli %add3A_281, %mul3A_282 : i32
        %add3A_284 = arith.addi %mul3A_4, %mul3A_283 : i32
        %dma_start3A_285 = tpu.memref_slice %arg3[%add3A_284] : memref<320000xi32, #tpu.memory_space<hbm>> -> memref<128xi32, #tpu.memory_space<hbm>>
        %dma_start3A_286 = tpu.memref_slice %arg3[%add3A_284] : memref<320000xi32, #tpu.memory_space<hbm>> -> memref<128xi32, #tpu.memory_space<hbm>>
        tpu.enqueue_dma source(%dma_start3A_286 : memref<128xi32, #tpu.memory_space<hbm>>) target(%arg14 : memref<128xi32, #tpu.memory_space<vmem>>) target_semaphore(%arg32 : memref<!tpu.dma_semaphore, #tpu.memory_space<semaphore_mem>>)
        %dma_start3A_287 = tpu.memref_slice %arg4[%add3A_284] : memref<320000xi32, #tpu.memory_space<hbm>> -> memref<128xi32, #tpu.memory_space<hbm>>
        %dma_start3A_288 = tpu.memref_slice %arg4[%add3A_284] : memref<320000xi32, #tpu.memory_space<hbm>> -> memref<128xi32, #tpu.memory_space<hbm>>
        tpu.enqueue_dma source(%dma_start3A_288 : memref<128xi32, #tpu.memory_space<hbm>>) target(%arg18 : memref<128xi32, #tpu.memory_space<vmem>>) target_semaphore(%arg36 : memref<!tpu.dma_semaphore, #tpu.memory_space<semaphore_mem>>)
      } else {
      }
      %add3A_161 = arith.constant 1 : i32
      %add3A_162 = arith.addi %add3A_148, %add3A_161 : i32
      %lt3A_163 = arith.constant 156 : i32
      %lt3A_164 = arith.cmpi slt, %add3A_162, %lt3A_163 : i32
      %convert_element_type3A_165 = arith.extui %lt3A_164 : i1 to i32
      %cond3A_166 = arith.constant 0 : i32
      %cond3A_167 = arith.cmpi ne, %convert_element_type3A_165, %cond3A_166 : i32
      scf.if %cond3A_167 {
        %dma_wait3A_280 = arith.constant 0 : i32
        %dma_wait3A_281 = tpu.memref_slice %arg3[%dma_wait3A_280] : memref<320000xi32, #tpu.memory_space<hbm>> -> memref<128xi32, #tpu.memory_space<hbm>>
        %dma_wait3A_282 = arith.constant 0 : i32
        %dma_wait3A_283 = tpu.memref_slice %arg3[%dma_wait3A_282] : memref<320000xi32, #tpu.memory_space<hbm>> -> memref<128xi32, #tpu.memory_space<hbm>>
        tpu.wait_dma2 semaphore(%arg31 : memref<!tpu.dma_semaphore, #tpu.memory_space<semaphore_mem>>) src(%dma_wait3A_283 : memref<128xi32, #tpu.memory_space<hbm>>) dst(%arg13 : memref<128xi32, #tpu.memory_space<vmem>>)
        %dma_wait3A_284 = arith.constant 0 : i32
        %dma_wait3A_285 = tpu.memref_slice %arg4[%dma_wait3A_284] : memref<320000xi32, #tpu.memory_space<hbm>> -> memref<128xi32, #tpu.memory_space<hbm>>
        %dma_wait3A_286 = arith.constant 0 : i32
        %dma_wait3A_287 = tpu.memref_slice %arg4[%dma_wait3A_286] : memref<320000xi32, #tpu.memory_space<hbm>> -> memref<128xi32, #tpu.memory_space<hbm>>
        tpu.wait_dma2 semaphore(%arg35 : memref<!tpu.dma_semaphore, #tpu.memory_space<semaphore_mem>>) src(%dma_wait3A_287 : memref<128xi32, #tpu.memory_space<hbm>>) dst(%arg17 : memref<128xi32, #tpu.memory_space<vmem>>)
        %dma_start3A_288 = arith.constant 0 : i32
        %dma_start3A_289 = arith.constant 0 : i32
        %dma_start3A_290 = tpu.memref_slice %arg20[%dma_start3A_288, %dma_start3A_289] : memref<10240x64xf32, #tpu.memory_space<vmem_shared>> -> memref<10240x64xf32, #tpu.memory_space<vmem_shared>>
        tpu.enqueue_indirect_dma source(%dma_start3A_290 : memref<10240x64xf32, #tpu.memory_space<vmem_shared>>) target(%arg9 : memref<128x64xf32, #tpu.memory_space<vmem>>) offsets(%arg13 : memref<128xi32, #tpu.memory_space<vmem>>) semaphore(%arg23 : memref<!tpu.dma_semaphore, #tpu.memory_space<semaphore_mem>>)
      } else {
      }
      %dma_wait3A_168 = arith.constant 0 : i32
      %dma_wait3A_169 = arith.constant 0 : i32
      %dma_wait3A_170 = tpu.memref_slice %arg20[%dma_wait3A_168, %dma_wait3A_169] : memref<10240x64xf32, #tpu.memory_space<vmem_shared>> -> memref<10240x64xf32, #tpu.memory_space<vmem_shared>>
      tpu.wait_indirect_dma semaphore(%arg22 : memref<!tpu.dma_semaphore, #tpu.memory_space<semaphore_mem>>) src(%dma_wait3A_170 : memref<10240x64xf32, #tpu.memory_space<vmem_shared>>) dst(%arg8 : memref<128x64xf32, #tpu.memory_space<vmem>>)
      %dma_start3A_171 = arith.constant 0 : i32
      %dma_start3A_172 = arith.constant 0 : i32
      %dma_start3A_173 = tpu.memref_slice %arg19[%dma_start3A_171, %dma_start3A_172] : memref<10240x64xf32, #tpu.memory_space<vmem_shared>> -> memref<10240x64xf32, #tpu.memory_space<vmem_shared>>
      tpu.enqueue_indirect_dma source(%arg8 : memref<128x64xf32, #tpu.memory_space<vmem>>) target(%dma_start3A_173 : memref<10240x64xf32, #tpu.memory_space<vmem_shared>>) offsets(%arg16 : memref<128xi32, #tpu.memory_space<vmem>>) semaphore(%arg26 : memref<!tpu.dma_semaphore, #tpu.memory_space<semaphore_mem>>) {add = true}
      %get3A_174 = arith.constant 0 : index
      %get3A_175 = tpu.vector_load %arg16[%get3A_174] {strides = array<i32>} : memref<128xi32, #tpu.memory_space<vmem>>, vector<16xi32>,
      tpu.vector_store_idx %arg39[%get3A_175], %broadcast_in_dim3A_24 {add = true} : memref<10240xf32, #tpu.memory_space<vmem>>[vector<16xi32>], vector<16xf32>,
      %get3A_176 = arith.constant 16 : index
      %get3A_177 = tpu.vector_load %arg16[%get3A_176] {strides = array<i32>} : memref<128xi32, #tpu.memory_space<vmem>>, vector<16xi32>,
      tpu.vector_store_idx %arg39[%get3A_177], %broadcast_in_dim3A_24 {add = true} : memref<10240xf32, #tpu.memory_space<vmem>>[vector<16xi32>], vector<16xf32>,
      %get3A_178 = arith.constant 32 : index
      %get3A_179 = tpu.vector_load %arg16[%get3A_178] {strides = array<i32>} : memref<128xi32, #tpu.memory_space<vmem>>, vector<16xi32>,
      tpu.vector_store_idx %arg39[%get3A_179], %broadcast_in_dim3A_24 {add = true} : memref<10240xf32, #tpu.memory_space<vmem>>[vector<16xi32>], vector<16xf32>,
      %get3A_180 = arith.constant 48 : index
      %get3A_181 = tpu.vector_load %arg16[%get3A_180] {strides = array<i32>} : memref<128xi32, #tpu.memory_space<vmem>>, vector<16xi32>,
      tpu.vector_store_idx %arg39[%get3A_181], %broadcast_in_dim3A_24 {add = true} : memref<10240xf32, #tpu.memory_space<vmem>>[vector<16xi32>], vector<16xf32>,
      %get3A_182 = arith.constant 64 : index
      %get3A_183 = tpu.vector_load %arg16[%get3A_182] {strides = array<i32>} : memref<128xi32, #tpu.memory_space<vmem>>, vector<16xi32>,
      tpu.vector_store_idx %arg39[%get3A_183], %broadcast_in_dim3A_24 {add = true} : memref<10240xf32, #tpu.memory_space<vmem>>[vector<16xi32>], vector<16xf32>,
      %get3A_184 = arith.constant 80 : index
      %get3A_185 = tpu.vector_load %arg16[%get3A_184] {strides = array<i32>} : memref<128xi32, #tpu.memory_space<vmem>>, vector<16xi32>,
      tpu.vector_store_idx %arg39[%get3A_185], %broadcast_in_dim3A_24 {add = true} : memref<10240xf32, #tpu.memory_space<vmem>>[vector<16xi32>], vector<16xf32>,
      %get3A_186 = arith.constant 96 : index
      %get3A_187 = tpu.vector_load %arg16[%get3A_186] {strides = array<i32>} : memref<128xi32, #tpu.memory_space<vmem>>, vector<16xi32>,
      tpu.vector_store_idx %arg39[%get3A_187], %broadcast_in_dim3A_24 {add = true} : memref<10240xf32, #tpu.memory_space<vmem>>[vector<16xi32>], vector<16xf32>,
      %get3A_188 = arith.constant 112 : index
      %get3A_189 = tpu.vector_load %arg16[%get3A_188] {strides = array<i32>} : memref<128xi32, #tpu.memory_space<vmem>>, vector<16xi32>,
      tpu.vector_store_idx %arg39[%get3A_189], %broadcast_in_dim3A_24 {add = true} : memref<10240xf32, #tpu.memory_space<vmem>>[vector<16xi32>], vector<16xf32>,
      %mul3A_190 = arith.constant 4 : i32
      %mul3A_191 = arith.muli %mul3A_190, %add3A_103 : i32
      %add3A_192 = arith.constant 2 : i32
      %add3A_193 = arith.addi %mul3A_191, %add3A_192 : i32
      %ge3A_194 = arith.constant 2 : i32
      %ge3A_195 = arith.cmpi sge, %add3A_193, %ge3A_194 : i32
      %convert_element_type3A_196 = arith.extui %ge3A_195 : i1 to i32
      %cond3A_197 = arith.constant 0 : i32
      %cond3A_198 = arith.cmpi ne, %convert_element_type3A_196, %cond3A_197 : i32
      scf.if %cond3A_198 {
        %dma_wait3A_280 = arith.constant 0 : i32
        %dma_wait3A_281 = arith.constant 0 : i32
        %dma_wait3A_282 = tpu.memref_slice %arg19[%dma_wait3A_280, %dma_wait3A_281] : memref<10240x64xf32, #tpu.memory_space<vmem_shared>> -> memref<10240x64xf32, #tpu.memory_space<vmem_shared>>
        tpu.wait_indirect_dma semaphore(%arg25 : memref<!tpu.dma_semaphore, #tpu.memory_space<semaphore_mem>>) src(%arg7 : memref<128x64xf32, #tpu.memory_space<vmem>>) dst(%dma_wait3A_282 : memref<10240x64xf32, #tpu.memory_space<vmem_shared>>)
      } else {
      }
      %add3A_199 = arith.constant 2 : i32
      %add3A_200 = arith.addi %add3A_193, %add3A_199 : i32
      %lt3A_201 = arith.constant 156 : i32
      %lt3A_202 = arith.cmpi slt, %add3A_200, %lt3A_201 : i32
      %convert_element_type3A_203 = arith.extui %lt3A_202 : i1 to i32
      %cond3A_204 = arith.constant 0 : i32
      %cond3A_205 = arith.cmpi ne, %convert_element_type3A_203, %cond3A_204 : i32
      scf.if %cond3A_205 {
        %add3A_280 = arith.constant 2 : i32
        %add3A_281 = arith.addi %add3A_193, %add3A_280 : i32
        %mul3A_282 = arith.constant 128 : i32
        %mul3A_283 = arith.muli %add3A_281, %mul3A_282 : i32
        %add3A_284 = arith.addi %mul3A_4, %mul3A_283 : i32
        %dma_start3A_285 = tpu.memref_slice %arg3[%add3A_284] : memref<320000xi32, #tpu.memory_space<hbm>> -> memref<128xi32, #tpu.memory_space<hbm>>
        %dma_start3A_286 = tpu.memref_slice %arg3[%add3A_284] : memref<320000xi32, #tpu.memory_space<hbm>> -> memref<128xi32, #tpu.memory_space<hbm>>
        tpu.enqueue_dma source(%dma_start3A_286 : memref<128xi32, #tpu.memory_space<hbm>>) target(%arg11 : memref<128xi32, #tpu.memory_space<vmem>>) target_semaphore(%arg29 : memref<!tpu.dma_semaphore, #tpu.memory_space<semaphore_mem>>)
        %dma_start3A_287 = tpu.memref_slice %arg4[%add3A_284] : memref<320000xi32, #tpu.memory_space<hbm>> -> memref<128xi32, #tpu.memory_space<hbm>>
        %dma_start3A_288 = tpu.memref_slice %arg4[%add3A_284] : memref<320000xi32, #tpu.memory_space<hbm>> -> memref<128xi32, #tpu.memory_space<hbm>>
        tpu.enqueue_dma source(%dma_start3A_288 : memref<128xi32, #tpu.memory_space<hbm>>) target(%arg15 : memref<128xi32, #tpu.memory_space<vmem>>) target_semaphore(%arg33 : memref<!tpu.dma_semaphore, #tpu.memory_space<semaphore_mem>>)
      } else {
      }
      %add3A_206 = arith.constant 1 : i32
      %add3A_207 = arith.addi %add3A_193, %add3A_206 : i32
      %lt3A_208 = arith.constant 156 : i32
      %lt3A_209 = arith.cmpi slt, %add3A_207, %lt3A_208 : i32
      %convert_element_type3A_210 = arith.extui %lt3A_209 : i1 to i32
      %cond3A_211 = arith.constant 0 : i32
      %cond3A_212 = arith.cmpi ne, %convert_element_type3A_210, %cond3A_211 : i32
      scf.if %cond3A_212 {
        %dma_wait3A_280 = arith.constant 0 : i32
        %dma_wait3A_281 = tpu.memref_slice %arg3[%dma_wait3A_280] : memref<320000xi32, #tpu.memory_space<hbm>> -> memref<128xi32, #tpu.memory_space<hbm>>
        %dma_wait3A_282 = arith.constant 0 : i32
        %dma_wait3A_283 = tpu.memref_slice %arg3[%dma_wait3A_282] : memref<320000xi32, #tpu.memory_space<hbm>> -> memref<128xi32, #tpu.memory_space<hbm>>
        tpu.wait_dma2 semaphore(%arg32 : memref<!tpu.dma_semaphore, #tpu.memory_space<semaphore_mem>>) src(%dma_wait3A_283 : memref<128xi32, #tpu.memory_space<hbm>>) dst(%arg14 : memref<128xi32, #tpu.memory_space<vmem>>)
        %dma_wait3A_284 = arith.constant 0 : i32
        %dma_wait3A_285 = tpu.memref_slice %arg4[%dma_wait3A_284] : memref<320000xi32, #tpu.memory_space<hbm>> -> memref<128xi32, #tpu.memory_space<hbm>>
        %dma_wait3A_286 = arith.constant 0 : i32
        %dma_wait3A_287 = tpu.memref_slice %arg4[%dma_wait3A_286] : memref<320000xi32, #tpu.memory_space<hbm>> -> memref<128xi32, #tpu.memory_space<hbm>>
        tpu.wait_dma2 semaphore(%arg36 : memref<!tpu.dma_semaphore, #tpu.memory_space<semaphore_mem>>) src(%dma_wait3A_287 : memref<128xi32, #tpu.memory_space<hbm>>) dst(%arg18 : memref<128xi32, #tpu.memory_space<vmem>>)
        %dma_start3A_288 = arith.constant 0 : i32
        %dma_start3A_289 = arith.constant 0 : i32
        %dma_start3A_290 = tpu.memref_slice %arg20[%dma_start3A_288, %dma_start3A_289] : memref<10240x64xf32, #tpu.memory_space<vmem_shared>> -> memref<10240x64xf32, #tpu.memory_space<vmem_shared>>
        tpu.enqueue_indirect_dma source(%dma_start3A_290 : memref<10240x64xf32, #tpu.memory_space<vmem_shared>>) target(%arg10 : memref<128x64xf32, #tpu.memory_space<vmem>>) offsets(%arg14 : memref<128xi32, #tpu.memory_space<vmem>>) semaphore(%arg24 : memref<!tpu.dma_semaphore, #tpu.memory_space<semaphore_mem>>)
      } else {
      }
      %dma_wait3A_213 = arith.constant 0 : i32
      %dma_wait3A_214 = arith.constant 0 : i32
      %dma_wait3A_215 = tpu.memref_slice %arg20[%dma_wait3A_213, %dma_wait3A_214] : memref<10240x64xf32, #tpu.memory_space<vmem_shared>> -> memref<10240x64xf32, #tpu.memory_space<vmem_shared>>
      tpu.wait_indirect_dma semaphore(%arg23 : memref<!tpu.dma_semaphore, #tpu.memory_space<semaphore_mem>>) src(%dma_wait3A_215 : memref<10240x64xf32, #tpu.memory_space<vmem_shared>>) dst(%arg9 : memref<128x64xf32, #tpu.memory_space<vmem>>)
      %dma_start3A_216 = arith.constant 0 : i32
      %dma_start3A_217 = arith.constant 0 : i32
      %dma_start3A_218 = tpu.memref_slice %arg19[%dma_start3A_216, %dma_start3A_217] : memref<10240x64xf32, #tpu.memory_space<vmem_shared>> -> memref<10240x64xf32, #tpu.memory_space<vmem_shared>>
      tpu.enqueue_indirect_dma source(%arg9 : memref<128x64xf32, #tpu.memory_space<vmem>>) target(%dma_start3A_218 : memref<10240x64xf32, #tpu.memory_space<vmem_shared>>) offsets(%arg17 : memref<128xi32, #tpu.memory_space<vmem>>) semaphore(%arg27 : memref<!tpu.dma_semaphore, #tpu.memory_space<semaphore_mem>>) {add = true}
      %get3A_219 = arith.constant 0 : index
      %get3A_220 = tpu.vector_load %arg17[%get3A_219] {strides = array<i32>} : memref<128xi32, #tpu.memory_space<vmem>>, vector<16xi32>,
      tpu.vector_store_idx %arg39[%get3A_220], %broadcast_in_dim3A_24 {add = true} : memref<10240xf32, #tpu.memory_space<vmem>>[vector<16xi32>], vector<16xf32>,
      %get3A_221 = arith.constant 16 : index
      %get3A_222 = tpu.vector_load %arg17[%get3A_221] {strides = array<i32>} : memref<128xi32, #tpu.memory_space<vmem>>, vector<16xi32>,
      tpu.vector_store_idx %arg39[%get3A_222], %broadcast_in_dim3A_24 {add = true} : memref<10240xf32, #tpu.memory_space<vmem>>[vector<16xi32>], vector<16xf32>,
      %get3A_223 = arith.constant 32 : index
      %get3A_224 = tpu.vector_load %arg17[%get3A_223] {strides = array<i32>} : memref<128xi32, #tpu.memory_space<vmem>>, vector<16xi32>,
      tpu.vector_store_idx %arg39[%get3A_224], %broadcast_in_dim3A_24 {add = true} : memref<10240xf32, #tpu.memory_space<vmem>>[vector<16xi32>], vector<16xf32>,
      %get3A_225 = arith.constant 48 : index
      %get3A_226 = tpu.vector_load %arg17[%get3A_225] {strides = array<i32>} : memref<128xi32, #tpu.memory_space<vmem>>, vector<16xi32>,
      tpu.vector_store_idx %arg39[%get3A_226], %broadcast_in_dim3A_24 {add = true} : memref<10240xf32, #tpu.memory_space<vmem>>[vector<16xi32>], vector<16xf32>,
      %get3A_227 = arith.constant 64 : index
      %get3A_228 = tpu.vector_load %arg17[%get3A_227] {strides = array<i32>} : memref<128xi32, #tpu.memory_space<vmem>>, vector<16xi32>,
      tpu.vector_store_idx %arg39[%get3A_228], %broadcast_in_dim3A_24 {add = true} : memref<10240xf32, #tpu.memory_space<vmem>>[vector<16xi32>], vector<16xf32>,
      %get3A_229 = arith.constant 80 : index
      %get3A_230 = tpu.vector_load %arg17[%get3A_229] {strides = array<i32>} : memref<128xi32, #tpu.memory_space<vmem>>, vector<16xi32>,
      tpu.vector_store_idx %arg39[%get3A_230], %broadcast_in_dim3A_24 {add = true} : memref<10240xf32, #tpu.memory_space<vmem>>[vector<16xi32>], vector<16xf32>,
      %get3A_231 = arith.constant 96 : index
      %get3A_232 = tpu.vector_load %arg17[%get3A_231] {strides = array<i32>} : memref<128xi32, #tpu.memory_space<vmem>>, vector<16xi32>,
      tpu.vector_store_idx %arg39[%get3A_232], %broadcast_in_dim3A_24 {add = true} : memref<10240xf32, #tpu.memory_space<vmem>>[vector<16xi32>], vector<16xf32>,
      %get3A_233 = arith.constant 112 : index
      %get3A_234 = tpu.vector_load %arg17[%get3A_233] {strides = array<i32>} : memref<128xi32, #tpu.memory_space<vmem>>, vector<16xi32>,
      tpu.vector_store_idx %arg39[%get3A_234], %broadcast_in_dim3A_24 {add = true} : memref<10240xf32, #tpu.memory_space<vmem>>[vector<16xi32>], vector<16xf32>,
      %mul3A_235 = arith.constant 4 : i32
      %mul3A_236 = arith.muli %mul3A_235, %add3A_103 : i32
      %add3A_237 = arith.constant 3 : i32
      %add3A_238 = arith.addi %mul3A_236, %add3A_237 : i32
      %ge3A_239 = arith.constant 2 : i32
      %ge3A_240 = arith.cmpi sge, %add3A_238, %ge3A_239 : i32
      %convert_element_type3A_241 = arith.extui %ge3A_240 : i1 to i32
      %cond3A_242 = arith.constant 0 : i32
      %cond3A_243 = arith.cmpi ne, %convert_element_type3A_241, %cond3A_242 : i32
      scf.if %cond3A_243 {
        %dma_wait3A_280 = arith.constant 0 : i32
        %dma_wait3A_281 = arith.constant 0 : i32
        %dma_wait3A_282 = tpu.memref_slice %arg19[%dma_wait3A_280, %dma_wait3A_281] : memref<10240x64xf32, #tpu.memory_space<vmem_shared>> -> memref<10240x64xf32, #tpu.memory_space<vmem_shared>>
        tpu.wait_indirect_dma semaphore(%arg26 : memref<!tpu.dma_semaphore, #tpu.memory_space<semaphore_mem>>) src(%arg8 : memref<128x64xf32, #tpu.memory_space<vmem>>) dst(%dma_wait3A_282 : memref<10240x64xf32, #tpu.memory_space<vmem_shared>>)
      } else {
      }
      %add3A_244 = arith.constant 2 : i32
      %add3A_245 = arith.addi %add3A_238, %add3A_244 : i32
      %lt3A_246 = arith.constant 156 : i32
      %lt3A_247 = arith.cmpi slt, %add3A_245, %lt3A_246 : i32
      %convert_element_type3A_248 = arith.extui %lt3A_247 : i1 to i32
      %cond3A_249 = arith.constant 0 : i32
      %cond3A_250 = arith.cmpi ne, %convert_element_type3A_248, %cond3A_249 : i32
      scf.if %cond3A_250 {
        %add3A_280 = arith.constant 2 : i32
        %add3A_281 = arith.addi %add3A_238, %add3A_280 : i32
        %mul3A_282 = arith.constant 128 : i32
        %mul3A_283 = arith.muli %add3A_281, %mul3A_282 : i32
        %add3A_284 = arith.addi %mul3A_4, %mul3A_283 : i32
        %dma_start3A_285 = tpu.memref_slice %arg3[%add3A_284] : memref<320000xi32, #tpu.memory_space<hbm>> -> memref<128xi32, #tpu.memory_space<hbm>>
        %dma_start3A_286 = tpu.memref_slice %arg3[%add3A_284] : memref<320000xi32, #tpu.memory_space<hbm>> -> memref<128xi32, #tpu.memory_space<hbm>>
        tpu.enqueue_dma source(%dma_start3A_286 : memref<128xi32, #tpu.memory_space<hbm>>) target(%arg12 : memref<128xi32, #tpu.memory_space<vmem>>) target_semaphore(%arg30 : memref<!tpu.dma_semaphore, #tpu.memory_space<semaphore_mem>>)
        %dma_start3A_287 = tpu.memref_slice %arg4[%add3A_284] : memref<320000xi32, #tpu.memory_space<hbm>> -> memref<128xi32, #tpu.memory_space<hbm>>
        %dma_start3A_288 = tpu.memref_slice %arg4[%add3A_284] : memref<320000xi32, #tpu.memory_space<hbm>> -> memref<128xi32, #tpu.memory_space<hbm>>
        tpu.enqueue_dma source(%dma_start3A_288 : memref<128xi32, #tpu.memory_space<hbm>>) target(%arg16 : memref<128xi32, #tpu.memory_space<vmem>>) target_semaphore(%arg34 : memref<!tpu.dma_semaphore, #tpu.memory_space<semaphore_mem>>)
      } else {
      }
      %add3A_251 = arith.constant 1 : i32
      %add3A_252 = arith.addi %add3A_238, %add3A_251 : i32
      %lt3A_253 = arith.constant 156 : i32
      %lt3A_254 = arith.cmpi slt, %add3A_252, %lt3A_253 : i32
      %convert_element_type3A_255 = arith.extui %lt3A_254 : i1 to i32
      %cond3A_256 = arith.constant 0 : i32
      %cond3A_257 = arith.cmpi ne, %convert_element_type3A_255, %cond3A_256 : i32
      scf.if %cond3A_257 {
        %dma_wait3A_280 = arith.constant 0 : i32
        %dma_wait3A_281 = tpu.memref_slice %arg3[%dma_wait3A_280] : memref<320000xi32, #tpu.memory_space<hbm>> -> memref<128xi32, #tpu.memory_space<hbm>>
        %dma_wait3A_282 = arith.constant 0 : i32
        %dma_wait3A_283 = tpu.memref_slice %arg3[%dma_wait3A_282] : memref<320000xi32, #tpu.memory_space<hbm>> -> memref<128xi32, #tpu.memory_space<hbm>>
        tpu.wait_dma2 semaphore(%arg29 : memref<!tpu.dma_semaphore, #tpu.memory_space<semaphore_mem>>) src(%dma_wait3A_283 : memref<128xi32, #tpu.memory_space<hbm>>) dst(%arg11 : memref<128xi32, #tpu.memory_space<vmem>>)
        %dma_wait3A_284 = arith.constant 0 : i32
        %dma_wait3A_285 = tpu.memref_slice %arg4[%dma_wait3A_284] : memref<320000xi32, #tpu.memory_space<hbm>> -> memref<128xi32, #tpu.memory_space<hbm>>
        %dma_wait3A_286 = arith.constant 0 : i32
        %dma_wait3A_287 = tpu.memref_slice %arg4[%dma_wait3A_286] : memref<320000xi32, #tpu.memory_space<hbm>> -> memref<128xi32, #tpu.memory_space<hbm>>
        tpu.wait_dma2 semaphore(%arg33 : memref<!tpu.dma_semaphore, #tpu.memory_space<semaphore_mem>>) src(%dma_wait3A_287 : memref<128xi32, #tpu.memory_space<hbm>>) dst(%arg15 : memref<128xi32, #tpu.memory_space<vmem>>)
        %dma_start3A_288 = arith.constant 0 : i32
        %dma_start3A_289 = arith.constant 0 : i32
        %dma_start3A_290 = tpu.memref_slice %arg20[%dma_start3A_288, %dma_start3A_289] : memref<10240x64xf32, #tpu.memory_space<vmem_shared>> -> memref<10240x64xf32, #tpu.memory_space<vmem_shared>>
        tpu.enqueue_indirect_dma source(%dma_start3A_290 : memref<10240x64xf32, #tpu.memory_space<vmem_shared>>) target(%arg7 : memref<128x64xf32, #tpu.memory_space<vmem>>) offsets(%arg11 : memref<128xi32, #tpu.memory_space<vmem>>) semaphore(%arg21 : memref<!tpu.dma_semaphore, #tpu.memory_space<semaphore_mem>>)
      } else {
      }
      %dma_wait3A_258 = arith.constant 0 : i32
      %dma_wait3A_259 = arith.constant 0 : i32
      %dma_wait3A_260 = tpu.memref_slice %arg20[%dma_wait3A_258, %dma_wait3A_259] : memref<10240x64xf32, #tpu.memory_space<vmem_shared>> -> memref<10240x64xf32, #tpu.memory_space<vmem_shared>>
      tpu.wait_indirect_dma semaphore(%arg24 : memref<!tpu.dma_semaphore, #tpu.memory_space<semaphore_mem>>) src(%dma_wait3A_260 : memref<10240x64xf32, #tpu.memory_space<vmem_shared>>) dst(%arg10 : memref<128x64xf32, #tpu.memory_space<vmem>>)
      %dma_start3A_261 = arith.constant 0 : i32
      %dma_start3A_262 = arith.constant 0 : i32
      %dma_start3A_263 = tpu.memref_slice %arg19[%dma_start3A_261, %dma_start3A_262] : memref<10240x64xf32, #tpu.memory_space<vmem_shared>> -> memref<10240x64xf32, #tpu.memory_space<vmem_shared>>
      tpu.enqueue_indirect_dma source(%arg10 : memref<128x64xf32, #tpu.memory_space<vmem>>) target(%dma_start3A_263 : memref<10240x64xf32, #tpu.memory_space<vmem_shared>>) offsets(%arg18 : memref<128xi32, #tpu.memory_space<vmem>>) semaphore(%arg28 : memref<!tpu.dma_semaphore, #tpu.memory_space<semaphore_mem>>) {add = true}
      %get3A_264 = arith.constant 0 : index
      %get3A_265 = tpu.vector_load %arg18[%get3A_264] {strides = array<i32>} : memref<128xi32, #tpu.memory_space<vmem>>, vector<16xi32>,
      tpu.vector_store_idx %arg39[%get3A_265], %broadcast_in_dim3A_24 {add = true} : memref<10240xf32, #tpu.memory_space<vmem>>[vector<16xi32>], vector<16xf32>,
      %get3A_266 = arith.constant 16 : index
      %get3A_267 = tpu.vector_load %arg18[%get3A_266] {strides = array<i32>} : memref<128xi32, #tpu.memory_space<vmem>>, vector<16xi32>,
      tpu.vector_store_idx %arg39[%get3A_267], %broadcast_in_dim3A_24 {add = true} : memref<10240xf32, #tpu.memory_space<vmem>>[vector<16xi32>], vector<16xf32>,
      %get3A_268 = arith.constant 32 : index
      %get3A_269 = tpu.vector_load %arg18[%get3A_268] {strides = array<i32>} : memref<128xi32, #tpu.memory_space<vmem>>, vector<16xi32>,
      tpu.vector_store_idx %arg39[%get3A_269], %broadcast_in_dim3A_24 {add = true} : memref<10240xf32, #tpu.memory_space<vmem>>[vector<16xi32>], vector<16xf32>,
      %get3A_270 = arith.constant 48 : index
      %get3A_271 = tpu.vector_load %arg18[%get3A_270] {strides = array<i32>} : memref<128xi32, #tpu.memory_space<vmem>>, vector<16xi32>,
      tpu.vector_store_idx %arg39[%get3A_271], %broadcast_in_dim3A_24 {add = true} : memref<10240xf32, #tpu.memory_space<vmem>>[vector<16xi32>], vector<16xf32>,
      %get3A_272 = arith.constant 64 : index
      %get3A_273 = tpu.vector_load %arg18[%get3A_272] {strides = array<i32>} : memref<128xi32, #tpu.memory_space<vmem>>, vector<16xi32>,
      tpu.vector_store_idx %arg39[%get3A_273], %broadcast_in_dim3A_24 {add = true} : memref<10240xf32, #tpu.memory_space<vmem>>[vector<16xi32>], vector<16xf32>,
      %get3A_274 = arith.constant 80 : index
      %get3A_275 = tpu.vector_load %arg18[%get3A_274] {strides = array<i32>} : memref<128xi32, #tpu.memory_space<vmem>>, vector<16xi32>,
      tpu.vector_store_idx %arg39[%get3A_275], %broadcast_in_dim3A_24 {add = true} : memref<10240xf32, #tpu.memory_space<vmem>>[vector<16xi32>], vector<16xf32>,
      %get3A_276 = arith.constant 96 : index
      %get3A_277 = tpu.vector_load %arg18[%get3A_276] {strides = array<i32>} : memref<128xi32, #tpu.memory_space<vmem>>, vector<16xi32>,
      tpu.vector_store_idx %arg39[%get3A_277], %broadcast_in_dim3A_24 {add = true} : memref<10240xf32, #tpu.memory_space<vmem>>[vector<16xi32>], vector<16xf32>,
      %get3A_278 = arith.constant 112 : index
      %get3A_279 = tpu.vector_load %arg18[%get3A_278] {strides = array<i32>} : memref<128xi32, #tpu.memory_space<vmem>>, vector<16xi32>,
      tpu.vector_store_idx %arg39[%get3A_279], %broadcast_in_dim3A_24 {add = true} : memref<10240xf32, #tpu.memory_space<vmem>>[vector<16xi32>], vector<16xf32>,
    }
    %scan3A_50 = arith.constant 39 : i32
    %dma_wait3A_51 = arith.constant 0 : i32
    %dma_wait3A_52 = arith.constant 0 : i32
    %dma_wait3A_53 = tpu.memref_slice %arg19[%dma_wait3A_51, %dma_wait3A_52] : memref<10240x64xf32, #tpu.memory_space<vmem_shared>> -> memref<10240x64xf32, #tpu.memory_space<vmem_shared>>
    tpu.wait_indirect_dma semaphore(%arg27 : memref<!tpu.dma_semaphore, #tpu.memory_space<semaphore_mem>>) src(%arg9 : memref<128x64xf32, #tpu.memory_space<vmem>>) dst(%dma_wait3A_53 : memref<10240x64xf32, #tpu.memory_space<vmem_shared>>)
    %dma_wait3A_54 = arith.constant 0 : i32
    %dma_wait3A_55 = arith.constant 0 : i32
    %dma_wait3A_56 = tpu.memref_slice %arg19[%dma_wait3A_54, %dma_wait3A_55] : memref<10240x64xf32, #tpu.memory_space<vmem_shared>> -> memref<10240x64xf32, #tpu.memory_space<vmem_shared>>
    tpu.wait_indirect_dma semaphore(%arg28 : memref<!tpu.dma_semaphore, #tpu.memory_space<semaphore_mem>>) src(%arg10 : memref<128x64xf32, #tpu.memory_space<vmem>>) dst(%dma_wait3A_56 : memref<10240x64xf32, #tpu.memory_space<vmem_shared>>)
    %add3A_57 = arith.constant 19968 : i32
    %add3A_58 = arith.addi %mul3A_4, %add3A_57 : i32
    %dma_start3A_59 = tpu.memref_slice %arg3[%add3A_58] : memref<320000xi32, #tpu.memory_space<hbm>> -> memref<32xi32, #tpu.memory_space<hbm>>
    %dma_start3A_60 = tpu.memref_slice %arg3[%add3A_58] : memref<320000xi32, #tpu.memory_space<hbm>> -> memref<32xi32, #tpu.memory_space<hbm>>
    tpu.enqueue_dma source(%dma_start3A_60 : memref<32xi32, #tpu.memory_space<hbm>>) target(%arg37 : memref<32xi32, #tpu.memory_space<vmem>>) target_semaphore(%arg29 : memref<!tpu.dma_semaphore, #tpu.memory_space<semaphore_mem>>)
    %dma_start3A_61 = tpu.memref_slice %arg4[%add3A_58] : memref<320000xi32, #tpu.memory_space<hbm>> -> memref<32xi32, #tpu.memory_space<hbm>>
    %dma_start3A_62 = tpu.memref_slice %arg4[%add3A_58] : memref<320000xi32, #tpu.memory_space<hbm>> -> memref<32xi32, #tpu.memory_space<hbm>>
    tpu.enqueue_dma source(%dma_start3A_62 : memref<32xi32, #tpu.memory_space<hbm>>) target(%arg38 : memref<32xi32, #tpu.memory_space<vmem>>) target_semaphore(%arg33 : memref<!tpu.dma_semaphore, #tpu.memory_space<semaphore_mem>>)
    %dma_wait3A_63 = arith.constant 0 : i32
    %dma_wait3A_64 = tpu.memref_slice %arg3[%dma_wait3A_63] : memref<320000xi32, #tpu.memory_space<hbm>> -> memref<32xi32, #tpu.memory_space<hbm>>
    %dma_wait3A_65 = arith.constant 0 : i32
    %dma_wait3A_66 = tpu.memref_slice %arg3[%dma_wait3A_65] : memref<320000xi32, #tpu.memory_space<hbm>> -> memref<32xi32, #tpu.memory_space<hbm>>
    tpu.wait_dma2 semaphore(%arg29 : memref<!tpu.dma_semaphore, #tpu.memory_space<semaphore_mem>>) src(%dma_wait3A_66 : memref<32xi32, #tpu.memory_space<hbm>>) dst(%arg37 : memref<32xi32, #tpu.memory_space<vmem>>)
    %dma_wait3A_67 = arith.constant 0 : i32
    %dma_wait3A_68 = tpu.memref_slice %arg4[%dma_wait3A_67] : memref<320000xi32, #tpu.memory_space<hbm>> -> memref<32xi32, #tpu.memory_space<hbm>>
    %dma_wait3A_69 = arith.constant 0 : i32
    %dma_wait3A_70 = tpu.memref_slice %arg4[%dma_wait3A_69] : memref<320000xi32, #tpu.memory_space<hbm>> -> memref<32xi32, #tpu.memory_space<hbm>>
    tpu.wait_dma2 semaphore(%arg33 : memref<!tpu.dma_semaphore, #tpu.memory_space<semaphore_mem>>) src(%dma_wait3A_70 : memref<32xi32, #tpu.memory_space<hbm>>) dst(%arg38 : memref<32xi32, #tpu.memory_space<vmem>>)
    %dma_start3A_71 = arith.constant 0 : i32
    %dma_start3A_72 = arith.constant 0 : i32
    %dma_start3A_73 = tpu.memref_slice %arg7[%dma_start3A_71, %dma_start3A_72] : memref<128x64xf32, #tpu.memory_space<vmem>> -> memref<32x64xf32, #tpu.memory_space<vmem>>
    %dma_start3A_74 = arith.constant 0 : i32
    %dma_start3A_75 = arith.constant 0 : i32
    %dma_start3A_76 = tpu.memref_slice %arg20[%dma_start3A_74, %dma_start3A_75] : memref<10240x64xf32, #tpu.memory_space<vmem_shared>> -> memref<10240x64xf32, #tpu.memory_space<vmem_shared>>
    tpu.enqueue_indirect_dma source(%dma_start3A_76 : memref<10240x64xf32, #tpu.memory_space<vmem_shared>>) target(%dma_start3A_73 : memref<32x64xf32, #tpu.memory_space<vmem>>) offsets(%arg37 : memref<32xi32, #tpu.memory_space<vmem>>) semaphore(%arg21 : memref<!tpu.dma_semaphore, #tpu.memory_space<semaphore_mem>>)
    %dma_wait3A_77 = arith.constant 0 : i32
    %dma_wait3A_78 = arith.constant 0 : i32
    %dma_wait3A_79 = tpu.memref_slice %arg7[%dma_wait3A_77, %dma_wait3A_78] : memref<128x64xf32, #tpu.memory_space<vmem>> -> memref<32x64xf32, #tpu.memory_space<vmem>>
    %dma_wait3A_80 = arith.constant 0 : i32
    %dma_wait3A_81 = arith.constant 0 : i32
    %dma_wait3A_82 = tpu.memref_slice %arg20[%dma_wait3A_80, %dma_wait3A_81] : memref<10240x64xf32, #tpu.memory_space<vmem_shared>> -> memref<10240x64xf32, #tpu.memory_space<vmem_shared>>
    tpu.wait_indirect_dma semaphore(%arg21 : memref<!tpu.dma_semaphore, #tpu.memory_space<semaphore_mem>>) src(%dma_wait3A_82 : memref<10240x64xf32, #tpu.memory_space<vmem_shared>>) dst(%dma_wait3A_79 : memref<32x64xf32, #tpu.memory_space<vmem>>)
    "tpu.region"() ({
      %run_scoped3A = tpu.sem_alloc : memref<!tpu.dma_semaphore, #tpu.memory_space<semaphore_mem>>
      %dma_start3A_99 = arith.constant 0 : i32
      %dma_start3A_100 = arith.constant 0 : i32
      %dma_start3A_101 = tpu.memref_slice %arg7[%dma_start3A_99, %dma_start3A_100] : memref<128x64xf32, #tpu.memory_space<vmem>> -> memref<32x64xf32, #tpu.memory_space<vmem>>
      %dma_start3A_102 = arith.constant 0 : i32
      %dma_start3A_103 = arith.constant 0 : i32
      %dma_start3A_104 = tpu.memref_slice %arg19[%dma_start3A_102, %dma_start3A_103] : memref<10240x64xf32, #tpu.memory_space<vmem_shared>> -> memref<10240x64xf32, #tpu.memory_space<vmem_shared>>
      tpu.enqueue_indirect_dma source(%dma_start3A_101 : memref<32x64xf32, #tpu.memory_space<vmem>>) target(%dma_start3A_104 : memref<10240x64xf32, #tpu.memory_space<vmem_shared>>) offsets(%arg38 : memref<32xi32, #tpu.memory_space<vmem>>) semaphore(%run_scoped3A : memref<!tpu.dma_semaphore, #tpu.memory_space<semaphore_mem>>) {add = true}
      %dma_wait3A_105 = arith.constant 0 : i32
      %dma_wait3A_106 = arith.constant 0 : i32
      %dma_wait3A_107 = tpu.memref_slice %arg7[%dma_wait3A_105, %dma_wait3A_106] : memref<128x64xf32, #tpu.memory_space<vmem>> -> memref<32x64xf32, #tpu.memory_space<vmem>>
      %dma_wait3A_108 = arith.constant 0 : i32
      %dma_wait3A_109 = arith.constant 0 : i32
      %dma_wait3A_110 = tpu.memref_slice %arg19[%dma_wait3A_108, %dma_wait3A_109] : memref<10240x64xf32, #tpu.memory_space<vmem_shared>> -> memref<10240x64xf32, #tpu.memory_space<vmem_shared>>
      tpu.wait_indirect_dma semaphore(%run_scoped3A : memref<!tpu.dma_semaphore, #tpu.memory_space<semaphore_mem>>) src(%dma_wait3A_107 : memref<32x64xf32, #tpu.memory_space<vmem>>) dst(%dma_wait3A_110 : memref<10240x64xf32, #tpu.memory_space<vmem_shared>>)
      tpu.yield
    }) : () -> ()
    %get3A = arith.constant 0 : index
    %get3A_83 = tpu.vector_load %arg38[%get3A] {strides = array<i32>} : memref<32xi32, #tpu.memory_space<vmem>>, vector<16xi32>,
    tpu.vector_store_idx %arg39[%get3A_83], %broadcast_in_dim3A_24 {add = true} : memref<10240xf32, #tpu.memory_space<vmem>>[vector<16xi32>], vector<16xf32>,
    %get3A_84 = arith.constant 16 : index
    %get3A_85 = tpu.vector_load %arg38[%get3A_84] {strides = array<i32>} : memref<32xi32, #tpu.memory_space<vmem>>, vector<16xi32>,
    tpu.vector_store_idx %arg39[%get3A_85], %broadcast_in_dim3A_24 {add = true} : memref<10240xf32, #tpu.memory_space<vmem>>[vector<16xi32>], vector<16xf32>,
    %barrier3A_86 = arith.constant 0 : index
    tpu.barrier barrier_id(%barrier3A_86)
    %add3A_87 = arith.constant 0 : i32
    %add3A_88 = arith.addi %mul3A_2, %add3A_87 : i32
    "tpu.region"() ({
      %run_scoped3A = tpu.sem_alloc : memref<!tpu.dma_semaphore, #tpu.memory_space<semaphore_mem>>
      %dma_start3A_99 = arith.constant 0 : i32
      %dma_start3A_100 = tpu.memref_slice %arg5[%arg0, %add3A_88, %dma_start3A_99] : memref<2x10240x64xf32, #tpu.memory_space<hbm>> -> memref<1x128x64xf32, #tpu.memory_space<hbm>>
      %dma_start3A_101 = tpu.memref_squeeze %dma_start3A_100 : memref<1x128x64xf32, #tpu.memory_space<hbm>> -> memref<128x64xf32, #tpu.memory_space<hbm>>
      %dma_start3A_102 = arith.constant 0 : i32
      %dma_start3A_103 = tpu.memref_slice %arg19[%add3A_88, %dma_start3A_102] : memref<10240x64xf32, #tpu.memory_space<vmem_shared>> -> memref<128x64xf32, #tpu.memory_space<vmem_shared>>
      tpu.enqueue_dma source(%dma_start3A_103 : memref<128x64xf32, #tpu.memory_space<vmem_shared>>) target(%dma_start3A_101 : memref<128x64xf32, #tpu.memory_space<hbm>>) target_semaphore(%run_scoped3A : memref<!tpu.dma_semaphore, #tpu.memory_space<semaphore_mem>>)
      %dma_wait3A_104 = arith.constant 0 : i32
      %dma_wait3A_105 = tpu.memref_slice %arg5[%arg0, %add3A_88, %dma_wait3A_104] : memref<2x10240x64xf32, #tpu.memory_space<hbm>> -> memref<1x128x64xf32, #tpu.memory_space<hbm>>
      %dma_wait3A_106 = tpu.memref_squeeze %dma_wait3A_105 : memref<1x128x64xf32, #tpu.memory_space<hbm>> -> memref<128x64xf32, #tpu.memory_space<hbm>>
      %dma_wait3A_107 = arith.constant 0 : i32
      %dma_wait3A_108 = tpu.memref_slice %arg19[%add3A_88, %dma_wait3A_107] : memref<10240x64xf32, #tpu.memory_space<vmem_shared>> -> memref<128x64xf32, #tpu.memory_space<vmem_shared>>
      tpu.wait_dma2 semaphore(%run_scoped3A : memref<!tpu.dma_semaphore, #tpu.memory_space<semaphore_mem>>) src(%dma_wait3A_108 : memref<128x64xf32, #tpu.memory_space<vmem_shared>>) dst(%dma_wait3A_106 : memref<128x64xf32, #tpu.memory_space<hbm>>)
      tpu.yield
    }) : () -> ()
    %add3A_89 = arith.constant 128 : i32
    %add3A_90 = arith.addi %mul3A_2, %add3A_89 : i32
    "tpu.region"() ({
      %run_scoped3A = tpu.sem_alloc : memref<!tpu.dma_semaphore, #tpu.memory_space<semaphore_mem>>
      %dma_start3A_99 = arith.constant 0 : i32
      %dma_start3A_100 = tpu.memref_slice %arg5[%arg0, %add3A_90, %dma_start3A_99] : memref<2x10240x64xf32, #tpu.memory_space<hbm>> -> memref<1x128x64xf32, #tpu.memory_space<hbm>>
      %dma_start3A_101 = tpu.memref_squeeze %dma_start3A_100 : memref<1x128x64xf32, #tpu.memory_space<hbm>> -> memref<128x64xf32, #tpu.memory_space<hbm>>
      %dma_start3A_102 = arith.constant 0 : i32
      %dma_start3A_103 = tpu.memref_slice %arg19[%add3A_90, %dma_start3A_102] : memref<10240x64xf32, #tpu.memory_space<vmem_shared>> -> memref<128x64xf32, #tpu.memory_space<vmem_shared>>
      tpu.enqueue_dma source(%dma_start3A_103 : memref<128x64xf32, #tpu.memory_space<vmem_shared>>) target(%dma_start3A_101 : memref<128x64xf32, #tpu.memory_space<hbm>>) target_semaphore(%run_scoped3A : memref<!tpu.dma_semaphore, #tpu.memory_space<semaphore_mem>>)
      %dma_wait3A_104 = arith.constant 0 : i32
      %dma_wait3A_105 = tpu.memref_slice %arg5[%arg0, %add3A_90, %dma_wait3A_104] : memref<2x10240x64xf32, #tpu.memory_space<hbm>> -> memref<1x128x64xf32, #tpu.memory_space<hbm>>
      %dma_wait3A_106 = tpu.memref_squeeze %dma_wait3A_105 : memref<1x128x64xf32, #tpu.memory_space<hbm>> -> memref<128x64xf32, #tpu.memory_space<hbm>>
      %dma_wait3A_107 = arith.constant 0 : i32
      %dma_wait3A_108 = tpu.memref_slice %arg19[%add3A_90, %dma_wait3A_107] : memref<10240x64xf32, #tpu.memory_space<vmem_shared>> -> memref<128x64xf32, #tpu.memory_space<vmem_shared>>
      tpu.wait_dma2 semaphore(%run_scoped3A : memref<!tpu.dma_semaphore, #tpu.memory_space<semaphore_mem>>) src(%dma_wait3A_108 : memref<128x64xf32, #tpu.memory_space<vmem_shared>>) dst(%dma_wait3A_106 : memref<128x64xf32, #tpu.memory_space<hbm>>)
      tpu.yield
    }) : () -> ()
    %add3A_91 = arith.constant 256 : i32
    %add3A_92 = arith.addi %mul3A_2, %add3A_91 : i32
    "tpu.region"() ({
      %run_scoped3A = tpu.sem_alloc : memref<!tpu.dma_semaphore, #tpu.memory_space<semaphore_mem>>
      %dma_start3A_99 = arith.constant 0 : i32
      %dma_start3A_100 = tpu.memref_slice %arg5[%arg0, %add3A_92, %dma_start3A_99] : memref<2x10240x64xf32, #tpu.memory_space<hbm>> -> memref<1x128x64xf32, #tpu.memory_space<hbm>>
      %dma_start3A_101 = tpu.memref_squeeze %dma_start3A_100 : memref<1x128x64xf32, #tpu.memory_space<hbm>> -> memref<128x64xf32, #tpu.memory_space<hbm>>
      %dma_start3A_102 = arith.constant 0 : i32
      %dma_start3A_103 = tpu.memref_slice %arg19[%add3A_92, %dma_start3A_102] : memref<10240x64xf32, #tpu.memory_space<vmem_shared>> -> memref<128x64xf32, #tpu.memory_space<vmem_shared>>
      tpu.enqueue_dma source(%dma_start3A_103 : memref<128x64xf32, #tpu.memory_space<vmem_shared>>) target(%dma_start3A_101 : memref<128x64xf32, #tpu.memory_space<hbm>>) target_semaphore(%run_scoped3A : memref<!tpu.dma_semaphore, #tpu.memory_space<semaphore_mem>>)
      %dma_wait3A_104 = arith.constant 0 : i32
      %dma_wait3A_105 = tpu.memref_slice %arg5[%arg0, %add3A_92, %dma_wait3A_104] : memref<2x10240x64xf32, #tpu.memory_space<hbm>> -> memref<1x128x64xf32, #tpu.memory_space<hbm>>
      %dma_wait3A_106 = tpu.memref_squeeze %dma_wait3A_105 : memref<1x128x64xf32, #tpu.memory_space<hbm>> -> memref<128x64xf32, #tpu.memory_space<hbm>>
      %dma_wait3A_107 = arith.constant 0 : i32
      %dma_wait3A_108 = tpu.memref_slice %arg19[%add3A_92, %dma_wait3A_107] : memref<10240x64xf32, #tpu.memory_space<vmem_shared>> -> memref<128x64xf32, #tpu.memory_space<vmem_shared>>
      tpu.wait_dma2 semaphore(%run_scoped3A : memref<!tpu.dma_semaphore, #tpu.memory_space<semaphore_mem>>) src(%dma_wait3A_108 : memref<128x64xf32, #tpu.memory_space<vmem_shared>>) dst(%dma_wait3A_106 : memref<128x64xf32, #tpu.memory_space<hbm>>)
      tpu.yield
    }) : () -> ()
    %add3A_93 = arith.constant 384 : i32
    %add3A_94 = arith.addi %mul3A_2, %add3A_93 : i32
    "tpu.region"() ({
      %run_scoped3A = tpu.sem_alloc : memref<!tpu.dma_semaphore, #tpu.memory_space<semaphore_mem>>
      %dma_start3A_99 = arith.constant 0 : i32
      %dma_start3A_100 = tpu.memref_slice %arg5[%arg0, %add3A_94, %dma_start3A_99] : memref<2x10240x64xf32, #tpu.memory_space<hbm>> -> memref<1x128x64xf32, #tpu.memory_space<hbm>>
      %dma_start3A_101 = tpu.memref_squeeze %dma_start3A_100 : memref<1x128x64xf32, #tpu.memory_space<hbm>> -> memref<128x64xf32, #tpu.memory_space<hbm>>
      %dma_start3A_102 = arith.constant 0 : i32
      %dma_start3A_103 = tpu.memref_slice %arg19[%add3A_94, %dma_start3A_102] : memref<10240x64xf32, #tpu.memory_space<vmem_shared>> -> memref<128x64xf32, #tpu.memory_space<vmem_shared>>
      tpu.enqueue_dma source(%dma_start3A_103 : memref<128x64xf32, #tpu.memory_space<vmem_shared>>) target(%dma_start3A_101 : memref<128x64xf32, #tpu.memory_space<hbm>>) target_semaphore(%run_scoped3A : memref<!tpu.dma_semaphore, #tpu.memory_space<semaphore_mem>>)
      %dma_wait3A_104 = arith.constant 0 : i32
      %dma_wait3A_105 = tpu.memref_slice %arg5[%arg0, %add3A_94, %dma_wait3A_104] : memref<2x10240x64xf32, #tpu.memory_space<hbm>> -> memref<1x128x64xf32, #tpu.memory_space<hbm>>
      %dma_wait3A_106 = tpu.memref_squeeze %dma_wait3A_105 : memref<1x128x64xf32, #tpu.memory_space<hbm>> -> memref<128x64xf32, #tpu.memory_space<hbm>>
      %dma_wait3A_107 = arith.constant 0 : i32
      %dma_wait3A_108 = tpu.memref_slice %arg19[%add3A_94, %dma_wait3A_107] : memref<10240x64xf32, #tpu.memory_space<vmem_shared>> -> memref<128x64xf32, #tpu.memory_space<vmem_shared>>
      tpu.wait_dma2 semaphore(%run_scoped3A : memref<!tpu.dma_semaphore, #tpu.memory_space<semaphore_mem>>) src(%dma_wait3A_108 : memref<128x64xf32, #tpu.memory_space<vmem_shared>>) dst(%dma_wait3A_106 : memref<128x64xf32, #tpu.memory_space<hbm>>)
      tpu.yield
    }) : () -> ()
    %add3A_95 = arith.constant 512 : i32
    %add3A_96 = arith.addi %mul3A_2, %add3A_95 : i32
    "tpu.region"() ({
      %run_scoped3A = tpu.sem_alloc : memref<!tpu.dma_semaphore, #tpu.memory_space<semaphore_mem>>
      %dma_start3A_99 = arith.constant 0 : i32
      %dma_start3A_100 = tpu.memref_slice %arg5[%arg0, %add3A_96, %dma_start3A_99] : memref<2x10240x64xf32, #tpu.memory_space<hbm>> -> memref<1x128x64xf32, #tpu.memory_space<hbm>>
      %dma_start3A_101 = tpu.memref_squeeze %dma_start3A_100 : memref<1x128x64xf32, #tpu.memory_space<hbm>> -> memref<128x64xf32, #tpu.memory_space<hbm>>
      %dma_start3A_102 = arith.constant 0 : i32
      %dma_start3A_103 = tpu.memref_slice %arg19[%add3A_96, %dma_start3A_102] : memref<10240x64xf32, #tpu.memory_space<vmem_shared>> -> memref<128x64xf32, #tpu.memory_space<vmem_shared>>
      tpu.enqueue_dma source(%dma_start3A_103 : memref<128x64xf32, #tpu.memory_space<vmem_shared>>) target(%dma_start3A_101 : memref<128x64xf32, #tpu.memory_space<hbm>>) target_semaphore(%run_scoped3A : memref<!tpu.dma_semaphore, #tpu.memory_space<semaphore_mem>>)
      %dma_wait3A_104 = arith.constant 0 : i32
      %dma_wait3A_105 = tpu.memref_slice %arg5[%arg0, %add3A_96, %dma_wait3A_104] : memref<2x10240x64xf32, #tpu.memory_space<hbm>> -> memref<1x128x64xf32, #tpu.memory_space<hbm>>
      %dma_wait3A_106 = tpu.memref_squeeze %dma_wait3A_105 : memref<1x128x64xf32, #tpu.memory_space<hbm>> -> memref<128x64xf32, #tpu.memory_space<hbm>>
      %dma_wait3A_107 = arith.constant 0 : i32
      %dma_wait3A_108 = tpu.memref_slice %arg19[%add3A_96, %dma_wait3A_107] : memref<10240x64xf32, #tpu.memory_space<vmem_shared>> -> memref<128x64xf32, #tpu.memory_space<vmem_shared>>
      tpu.wait_dma2 semaphore(%run_scoped3A : memref<!tpu.dma_semaphore, #tpu.memory_space<semaphore_mem>>) src(%dma_wait3A_108 : memref<128x64xf32, #tpu.memory_space<vmem_shared>>) dst(%dma_wait3A_106 : memref<128x64xf32, #tpu.memory_space<hbm>>)
      tpu.yield
    }) : () -> ()
    %mul3A_97 = arith.constant 10240 : i32
    %mul3A_98 = arith.muli %add3A, %mul3A_97 : i32
    "tpu.region"() ({
      %run_scoped3A = tpu.sem_alloc : memref<!tpu.dma_semaphore, #tpu.memory_space<semaphore_mem>>
      %dma_start3A_99 = tpu.memref_slice %arg6[%mul3A_98] : memref<327680xf32, #tpu.memory_space<hbm>> -> memref<10240xf32, #tpu.memory_space<hbm>>
      %dma_start3A_100 = tpu.memref_slice %arg6[%mul3A_98] : memref<327680xf32, #tpu.memory_space<hbm>> -> memref<10240xf32, #tpu.memory_space<hbm>>
      tpu.enqueue_dma source(%arg39 : memref<10240xf32, #tpu.memory_space<vmem>>) target(%dma_start3A_100 : memref<10240xf32, #tpu.memory_space<hbm>>) target_semaphore(%run_scoped3A : memref<!tpu.dma_semaphore, #tpu.memory_space<semaphore_mem>>)
      %dma_wait3A_101 = tpu.memref_slice %arg6[%mul3A_98] : memref<327680xf32, #tpu.memory_space<hbm>> -> memref<10240xf32, #tpu.memory_space<hbm>>
      %dma_wait3A_102 = tpu.memref_slice %arg6[%mul3A_98] : memref<327680xf32, #tpu.memory_space<hbm>> -> memref<10240xf32, #tpu.memory_space<hbm>>
      tpu.wait_dma2 semaphore(%run_scoped3A : memref<!tpu.dma_semaphore, #tpu.memory_space<semaphore_mem>>) src(%arg39 : memref<10240xf32, #tpu.memory_space<vmem>>) dst(%dma_wait3A_102 : memref<10240xf32, #tpu.memory_space<hbm>>)
      tpu.yield
    }) : () -> ()
    return
  }
}

#map = affine_map<(d0, d1) -> (0, 0, 0)>
#map1 = affine_map<(d0, d1) -> (0)>
module attributes {stable_mosaic.version = 14 : i64} {
  func.func @body(%arg0: i32, %arg1: i32, %arg2: memref<2x10240x64xf32, #tpu.memory_space<hbm>>, %arg3: memref<320000xi32, #tpu.memory_space<hbm>>, %arg4: memref<320000xi32, #tpu.memory_space<hbm>>, %arg5: memref<2x10240x64xf32, #tpu.memory_space<hbm>>, %arg6: memref<128x64xf32, #tpu.memory_space<vmem>>, %arg7: memref<128x64xf32, #tpu.memory_space<vmem>>, %arg8: memref<128x64xf32, #tpu.memory_space<vmem>>, %arg9: memref<128x64xf32, #tpu.memory_space<vmem>>, %arg10: memref<128xi32, #tpu.memory_space<vmem>>, %arg11: memref<128xi32, #tpu.memory_space<vmem>>, %arg12: memref<128xi32, #tpu.memory_space<vmem>>, %arg13: memref<128xi32, #tpu.memory_space<vmem>>, %arg14: memref<128xi32, #tpu.memory_space<vmem>>, %arg15: memref<128xi32, #tpu.memory_space<vmem>>, %arg16: memref<128xi32, #tpu.memory_space<vmem>>, %arg17: memref<128xi32, #tpu.memory_space<vmem>>, %arg18: memref<10240x64xf32, #tpu.memory_space<vmem_shared>>, %arg19: memref<10240x64xf32, #tpu.memory_space<vmem_shared>>, %arg20: memref<!tpu.dma_semaphore, #tpu.memory_space<semaphore_mem>>, %arg21: memref<!tpu.dma_semaphore, #tpu.memory_space<semaphore_mem>>, %arg22: memref<!tpu.dma_semaphore, #tpu.memory_space<semaphore_mem>>, %arg23: memref<!tpu.dma_semaphore, #tpu.memory_space<semaphore_mem>>, %arg24: memref<!tpu.dma_semaphore, #tpu.memory_space<semaphore_mem>>, %arg25: memref<!tpu.dma_semaphore, #tpu.memory_space<semaphore_mem>>, %arg26: memref<!tpu.dma_semaphore, #tpu.memory_space<semaphore_mem>>, %arg27: memref<!tpu.dma_semaphore, #tpu.memory_space<semaphore_mem>>, %arg28: memref<!tpu.dma_semaphore, #tpu.memory_space<semaphore_mem>>, %arg29: memref<!tpu.dma_semaphore, #tpu.memory_space<semaphore_mem>>, %arg30: memref<!tpu.dma_semaphore, #tpu.memory_space<semaphore_mem>>, %arg31: memref<!tpu.dma_semaphore, #tpu.memory_space<semaphore_mem>>, %arg32: memref<!tpu.dma_semaphore, #tpu.memory_space<semaphore_mem>>, %arg33: memref<!tpu.dma_semaphore, #tpu.memory_space<semaphore_mem>>, %arg34: memref<!tpu.dma_semaphore, #tpu.memory_space<semaphore_mem>>, %arg35: memref<!tpu.dma_semaphore, #tpu.memory_space<semaphore_mem>>, %arg36: memref<32xi32, #tpu.memory_space<vmem>>, %arg37: memref<32xi32, #tpu.memory_space<vmem>>) attributes {dimension_semantics = [#tpu.dimension_semantics<core_parallel>, #tpu.dimension_semantics<subcore_parallel>], iteration_bounds = array<i64: 2, 16>, scalar_prefetch = 0 : i64, scratch_operands = 32 : i64, tpu.core_type = #tpu.core_type<sc_vector_subcore>, window_params = [{transform_indices = #map}, {transform_indices = #map1}, {transform_indices = #map1}, {transform_indices = #map}]} {
    %mul3A = arith.constant 16 : i32
    %mul3A_0 = arith.muli %arg0, %mul3A : i32
    %add3A = arith.addi %mul3A_0, %arg1 : i32
    %mul3A_1 = arith.constant 640 : i32
    %mul3A_2 = arith.muli %arg1, %mul3A_1 : i32
    %mul3A_3 = arith.constant 20000 : i32
    %mul3A_4 = arith.muli %arg1, %mul3A_3 : i32
    "tpu.region"() ({
      %run_scoped3A = tpu.sem_alloc : memref<!tpu.dma_semaphore, #tpu.memory_space<semaphore_mem>>
      %dma_start3A_89 = arith.constant 0 : i32
      %dma_start3A_90 = tpu.memref_slice %arg19[%mul3A_2, %dma_start3A_89] : memref<10240x64xf32, #tpu.memory_space<vmem_shared>> -> memref<640x64xf32, #tpu.memory_space<vmem_shared>>
      %dma_start3A_91 = arith.constant 0 : i32
      %dma_start3A_92 = tpu.memref_slice %arg2[%arg0, %mul3A_2, %dma_start3A_91] : memref<2x10240x64xf32, #tpu.memory_space<hbm>> -> memref<1x640x64xf32, #tpu.memory_space<hbm>>
      %dma_start3A_93 = tpu.memref_squeeze %dma_start3A_92 : memref<1x640x64xf32, #tpu.memory_space<hbm>> -> memref<640x64xf32, #tpu.memory_space<hbm>>
      tpu.enqueue_dma source(%dma_start3A_93 : memref<640x64xf32, #tpu.memory_space<hbm>>) target(%dma_start3A_90 : memref<640x64xf32, #tpu.memory_space<vmem_shared>>) target_semaphore(%run_scoped3A : memref<!tpu.dma_semaphore, #tpu.memory_space<semaphore_mem>>)
      %dma_wait3A_94 = arith.constant 0 : i32
      %dma_wait3A_95 = tpu.memref_slice %arg19[%mul3A_2, %dma_wait3A_94] : memref<10240x64xf32, #tpu.memory_space<vmem_shared>> -> memref<640x64xf32, #tpu.memory_space<vmem_shared>>
      %dma_wait3A_96 = arith.constant 0 : i32
      %dma_wait3A_97 = tpu.memref_slice %arg2[%arg0, %mul3A_2, %dma_wait3A_96] : memref<2x10240x64xf32, #tpu.memory_space<hbm>> -> memref<1x640x64xf32, #tpu.memory_space<hbm>>
      %dma_wait3A_98 = tpu.memref_squeeze %dma_wait3A_97 : memref<1x640x64xf32, #tpu.memory_space<hbm>> -> memref<640x64xf32, #tpu.memory_space<hbm>>
      tpu.wait_dma2 semaphore(%run_scoped3A : memref<!tpu.dma_semaphore, #tpu.memory_space<semaphore_mem>>) src(%dma_wait3A_98 : memref<640x64xf32, #tpu.memory_space<hbm>>) dst(%dma_wait3A_95 : memref<640x64xf32, #tpu.memory_space<vmem_shared>>)
      tpu.yield
    }) : () -> ()
    %scan3A = arith.constant 0 : i32
    %scan3A_5 = arith.constant 128 : i32
    %scan3A_6 = arith.addi %scan3A, %scan3A_5 : i32
    %scan3A_7 = arith.constant 1 : i32
    scf.for %scan3A_89 = %scan3A to %scan3A_6 step %scan3A_7  : i32 {
      %mul3A_90 = arith.constant 1 : i32
      %mul3A_91 = arith.muli %scan3A_89, %mul3A_90 : i32
      %add3A_92 = arith.constant 0 : i32
      %add3A_93 = arith.addi %add3A_92, %mul3A_91 : i32
      %broadcast_in_dim3A_94 = arith.constant 0.000000e+00 : f32
      %broadcast_in_dim3A_95 = vector.broadcast %broadcast_in_dim3A_94 : f32 to vector<16xf32>
      %swap3A = arith.index_cast %add3A_93 : i32 to index
      %swap3A_96 = arith.constant 0 : index
      %swap3A_97 = tpu.vector_load %arg6[%swap3A, %swap3A_96] {strides = array<i32>} : memref<128x64xf32, #tpu.memory_space<vmem>>, vector<16xf32>,
      tpu.vector_store %arg6[%swap3A, %swap3A_96], %broadcast_in_dim3A_95 {strides = array<i32>} : memref<128x64xf32, #tpu.memory_space<vmem>>, vector<16xf32>,
      %swap3A_98 = arith.index_cast %add3A_93 : i32 to index
      %swap3A_99 = arith.constant 16 : index
      %swap3A_100 = tpu.vector_load %arg6[%swap3A_98, %swap3A_99] {strides = array<i32>} : memref<128x64xf32, #tpu.memory_space<vmem>>, vector<16xf32>,
      tpu.vector_store %arg6[%swap3A_98, %swap3A_99], %broadcast_in_dim3A_95 {strides = array<i32>} : memref<128x64xf32, #tpu.memory_space<vmem>>, vector<16xf32>,
      %swap3A_101 = arith.index_cast %add3A_93 : i32 to index
      %swap3A_102 = arith.constant 32 : index
      %swap3A_103 = tpu.vector_load %arg6[%swap3A_101, %swap3A_102] {strides = array<i32>} : memref<128x64xf32, #tpu.memory_space<vmem>>, vector<16xf32>,
      tpu.vector_store %arg6[%swap3A_101, %swap3A_102], %broadcast_in_dim3A_95 {strides = array<i32>} : memref<128x64xf32, #tpu.memory_space<vmem>>, vector<16xf32>,
      %swap3A_104 = arith.index_cast %add3A_93 : i32 to index
      %swap3A_105 = arith.constant 48 : index
      %swap3A_106 = tpu.vector_load %arg6[%swap3A_104, %swap3A_105] {strides = array<i32>} : memref<128x64xf32, #tpu.memory_space<vmem>>, vector<16xf32>,
      tpu.vector_store %arg6[%swap3A_104, %swap3A_105], %broadcast_in_dim3A_95 {strides = array<i32>} : memref<128x64xf32, #tpu.memory_space<vmem>>, vector<16xf32>,
    }
    %scan3A_8 = arith.constant 128 : i32
    %add3A_9 = arith.constant 0 : i32
    %add3A_10 = arith.addi %mul3A_2, %add3A_9 : i32
    "tpu.region"() ({
      %run_scoped3A = tpu.sem_alloc : memref<!tpu.dma_semaphore, #tpu.memory_space<semaphore_mem>>
      %dma_start3A_89 = arith.constant 0 : i32
      %dma_start3A_90 = tpu.memref_slice %arg18[%add3A_10, %dma_start3A_89] : memref<10240x64xf32, #tpu.memory_space<vmem_shared>> -> memref<128x64xf32, #tpu.memory_space<vmem_shared>>
      %dma_start3A_91 = arith.constant 0 : i32
      %dma_start3A_92 = tpu.memref_slice %arg18[%add3A_10, %dma_start3A_91] : memref<10240x64xf32, #tpu.memory_space<vmem_shared>> -> memref<128x64xf32, #tpu.memory_space<vmem_shared>>
      tpu.enqueue_dma source(%arg6 : memref<128x64xf32, #tpu.memory_space<vmem>>) target(%dma_start3A_92 : memref<128x64xf32, #tpu.memory_space<vmem_shared>>) target_semaphore(%run_scoped3A : memref<!tpu.dma_semaphore, #tpu.memory_space<semaphore_mem>>)
      %dma_wait3A_93 = arith.constant 0 : i32
      %dma_wait3A_94 = tpu.memref_slice %arg18[%add3A_10, %dma_wait3A_93] : memref<10240x64xf32, #tpu.memory_space<vmem_shared>> -> memref<128x64xf32, #tpu.memory_space<vmem_shared>>
      %dma_wait3A_95 = arith.constant 0 : i32
      %dma_wait3A_96 = tpu.memref_slice %arg18[%add3A_10, %dma_wait3A_95] : memref<10240x64xf32, #tpu.memory_space<vmem_shared>> -> memref<128x64xf32, #tpu.memory_space<vmem_shared>>
      tpu.wait_dma2 semaphore(%run_scoped3A : memref<!tpu.dma_semaphore, #tpu.memory_space<semaphore_mem>>) src(%arg6 : memref<128x64xf32, #tpu.memory_space<vmem>>) dst(%dma_wait3A_96 : memref<128x64xf32, #tpu.memory_space<vmem_shared>>)
      tpu.yield
    }) : () -> ()
    %add3A_11 = arith.constant 128 : i32
    %add3A_12 = arith.addi %mul3A_2, %add3A_11 : i32
    "tpu.region"() ({
      %run_scoped3A = tpu.sem_alloc : memref<!tpu.dma_semaphore, #tpu.memory_space<semaphore_mem>>
      %dma_start3A_89 = arith.constant 0 : i32
      %dma_start3A_90 = tpu.memref_slice %arg18[%add3A_12, %dma_start3A_89] : memref<10240x64xf32, #tpu.memory_space<vmem_shared>> -> memref<128x64xf32, #tpu.memory_space<vmem_shared>>
      %dma_start3A_91 = arith.constant 0 : i32
      %dma_start3A_92 = tpu.memref_slice %arg18[%add3A_12, %dma_start3A_91] : memref<10240x64xf32, #tpu.memory_space<vmem_shared>> -> memref<128x64xf32, #tpu.memory_space<vmem_shared>>
      tpu.enqueue_dma source(%arg6 : memref<128x64xf32, #tpu.memory_space<vmem>>) target(%dma_start3A_92 : memref<128x64xf32, #tpu.memory_space<vmem_shared>>) target_semaphore(%run_scoped3A : memref<!tpu.dma_semaphore, #tpu.memory_space<semaphore_mem>>)
      %dma_wait3A_93 = arith.constant 0 : i32
      %dma_wait3A_94 = tpu.memref_slice %arg18[%add3A_12, %dma_wait3A_93] : memref<10240x64xf32, #tpu.memory_space<vmem_shared>> -> memref<128x64xf32, #tpu.memory_space<vmem_shared>>
      %dma_wait3A_95 = arith.constant 0 : i32
      %dma_wait3A_96 = tpu.memref_slice %arg18[%add3A_12, %dma_wait3A_95] : memref<10240x64xf32, #tpu.memory_space<vmem_shared>> -> memref<128x64xf32, #tpu.memory_space<vmem_shared>>
      tpu.wait_dma2 semaphore(%run_scoped3A : memref<!tpu.dma_semaphore, #tpu.memory_space<semaphore_mem>>) src(%arg6 : memref<128x64xf32, #tpu.memory_space<vmem>>) dst(%dma_wait3A_96 : memref<128x64xf32, #tpu.memory_space<vmem_shared>>)
      tpu.yield
    }) : () -> ()
    %add3A_13 = arith.constant 256 : i32
    %add3A_14 = arith.addi %mul3A_2, %add3A_13 : i32
    "tpu.region"() ({
      %run_scoped3A = tpu.sem_alloc : memref<!tpu.dma_semaphore, #tpu.memory_space<semaphore_mem>>
      %dma_start3A_89 = arith.constant 0 : i32
      %dma_start3A_90 = tpu.memref_slice %arg18[%add3A_14, %dma_start3A_89] : memref<10240x64xf32, #tpu.memory_space<vmem_shared>> -> memref<128x64xf32, #tpu.memory_space<vmem_shared>>
      %dma_start3A_91 = arith.constant 0 : i32
      %dma_start3A_92 = tpu.memref_slice %arg18[%add3A_14, %dma_start3A_91] : memref<10240x64xf32, #tpu.memory_space<vmem_shared>> -> memref<128x64xf32, #tpu.memory_space<vmem_shared>>
      tpu.enqueue_dma source(%arg6 : memref<128x64xf32, #tpu.memory_space<vmem>>) target(%dma_start3A_92 : memref<128x64xf32, #tpu.memory_space<vmem_shared>>) target_semaphore(%run_scoped3A : memref<!tpu.dma_semaphore, #tpu.memory_space<semaphore_mem>>)
      %dma_wait3A_93 = arith.constant 0 : i32
      %dma_wait3A_94 = tpu.memref_slice %arg18[%add3A_14, %dma_wait3A_93] : memref<10240x64xf32, #tpu.memory_space<vmem_shared>> -> memref<128x64xf32, #tpu.memory_space<vmem_shared>>
      %dma_wait3A_95 = arith.constant 0 : i32
      %dma_wait3A_96 = tpu.memref_slice %arg18[%add3A_14, %dma_wait3A_95] : memref<10240x64xf32, #tpu.memory_space<vmem_shared>> -> memref<128x64xf32, #tpu.memory_space<vmem_shared>>
      tpu.wait_dma2 semaphore(%run_scoped3A : memref<!tpu.dma_semaphore, #tpu.memory_space<semaphore_mem>>) src(%arg6 : memref<128x64xf32, #tpu.memory_space<vmem>>) dst(%dma_wait3A_96 : memref<128x64xf32, #tpu.memory_space<vmem_shared>>)
      tpu.yield
    }) : () -> ()
    %add3A_15 = arith.constant 384 : i32
    %add3A_16 = arith.addi %mul3A_2, %add3A_15 : i32
    "tpu.region"() ({
      %run_scoped3A = tpu.sem_alloc : memref<!tpu.dma_semaphore, #tpu.memory_space<semaphore_mem>>
      %dma_start3A_89 = arith.constant 0 : i32
      %dma_start3A_90 = tpu.memref_slice %arg18[%add3A_16, %dma_start3A_89] : memref<10240x64xf32, #tpu.memory_space<vmem_shared>> -> memref<128x64xf32, #tpu.memory_space<vmem_shared>>
      %dma_start3A_91 = arith.constant 0 : i32
      %dma_start3A_92 = tpu.memref_slice %arg18[%add3A_16, %dma_start3A_91] : memref<10240x64xf32, #tpu.memory_space<vmem_shared>> -> memref<128x64xf32, #tpu.memory_space<vmem_shared>>
      tpu.enqueue_dma source(%arg6 : memref<128x64xf32, #tpu.memory_space<vmem>>) target(%dma_start3A_92 : memref<128x64xf32, #tpu.memory_space<vmem_shared>>) target_semaphore(%run_scoped3A : memref<!tpu.dma_semaphore, #tpu.memory_space<semaphore_mem>>)
      %dma_wait3A_93 = arith.constant 0 : i32
      %dma_wait3A_94 = tpu.memref_slice %arg18[%add3A_16, %dma_wait3A_93] : memref<10240x64xf32, #tpu.memory_space<vmem_shared>> -> memref<128x64xf32, #tpu.memory_space<vmem_shared>>
      %dma_wait3A_95 = arith.constant 0 : i32
      %dma_wait3A_96 = tpu.memref_slice %arg18[%add3A_16, %dma_wait3A_95] : memref<10240x64xf32, #tpu.memory_space<vmem_shared>> -> memref<128x64xf32, #tpu.memory_space<vmem_shared>>
      tpu.wait_dma2 semaphore(%run_scoped3A : memref<!tpu.dma_semaphore, #tpu.memory_space<semaphore_mem>>) src(%arg6 : memref<128x64xf32, #tpu.memory_space<vmem>>) dst(%dma_wait3A_96 : memref<128x64xf32, #tpu.memory_space<vmem_shared>>)
      tpu.yield
    }) : () -> ()
    %add3A_17 = arith.constant 512 : i32
    %add3A_18 = arith.addi %mul3A_2, %add3A_17 : i32
    "tpu.region"() ({
      %run_scoped3A = tpu.sem_alloc : memref<!tpu.dma_semaphore, #tpu.memory_space<semaphore_mem>>
      %dma_start3A_89 = arith.constant 0 : i32
      %dma_start3A_90 = tpu.memref_slice %arg18[%add3A_18, %dma_start3A_89] : memref<10240x64xf32, #tpu.memory_space<vmem_shared>> -> memref<128x64xf32, #tpu.memory_space<vmem_shared>>
      %dma_start3A_91 = arith.constant 0 : i32
      %dma_start3A_92 = tpu.memref_slice %arg18[%add3A_18, %dma_start3A_91] : memref<10240x64xf32, #tpu.memory_space<vmem_shared>> -> memref<128x64xf32, #tpu.memory_space<vmem_shared>>
      tpu.enqueue_dma source(%arg6 : memref<128x64xf32, #tpu.memory_space<vmem>>) target(%dma_start3A_92 : memref<128x64xf32, #tpu.memory_space<vmem_shared>>) target_semaphore(%run_scoped3A : memref<!tpu.dma_semaphore, #tpu.memory_space<semaphore_mem>>)
      %dma_wait3A_93 = arith.constant 0 : i32
      %dma_wait3A_94 = tpu.memref_slice %arg18[%add3A_18, %dma_wait3A_93] : memref<10240x64xf32, #tpu.memory_space<vmem_shared>> -> memref<128x64xf32, #tpu.memory_space<vmem_shared>>
      %dma_wait3A_95 = arith.constant 0 : i32
      %dma_wait3A_96 = tpu.memref_slice %arg18[%add3A_18, %dma_wait3A_95] : memref<10240x64xf32, #tpu.memory_space<vmem_shared>> -> memref<128x64xf32, #tpu.memory_space<vmem_shared>>
      tpu.wait_dma2 semaphore(%run_scoped3A : memref<!tpu.dma_semaphore, #tpu.memory_space<semaphore_mem>>) src(%arg6 : memref<128x64xf32, #tpu.memory_space<vmem>>) dst(%dma_wait3A_96 : memref<128x64xf32, #tpu.memory_space<vmem_shared>>)
      tpu.yield
    }) : () -> ()
    %barrier3A = arith.constant 0 : index
    tpu.barrier barrier_id(%barrier3A)
    %broadcast_in_dim3A = arith.constant 1.000000e+00 : f32
    %broadcast_in_dim3A_19 = vector.broadcast %broadcast_in_dim3A : f32 to vector<16xf32>
    %add3A_20 = arith.constant 0 : i32
    %add3A_21 = arith.addi %mul3A_4, %add3A_20 : i32
    %dma_start3A = tpu.memref_slice %arg3[%add3A_21] : memref<320000xi32, #tpu.memory_space<hbm>> -> memref<128xi32, #tpu.memory_space<hbm>>
    %dma_start3A_22 = tpu.memref_slice %arg3[%add3A_21] : memref<320000xi32, #tpu.memory_space<hbm>> -> memref<128xi32, #tpu.memory_space<hbm>>
    tpu.enqueue_dma source(%dma_start3A_22 : memref<128xi32, #tpu.memory_space<hbm>>) target(%arg10 : memref<128xi32, #tpu.memory_space<vmem>>) target_semaphore(%arg28 : memref<!tpu.dma_semaphore, #tpu.memory_space<semaphore_mem>>)
    %dma_start3A_23 = tpu.memref_slice %arg4[%add3A_21] : memref<320000xi32, #tpu.memory_space<hbm>> -> memref<128xi32, #tpu.memory_space<hbm>>
    %dma_start3A_24 = tpu.memref_slice %arg4[%add3A_21] : memref<320000xi32, #tpu.memory_space<hbm>> -> memref<128xi32, #tpu.memory_space<hbm>>
    tpu.enqueue_dma source(%dma_start3A_24 : memref<128xi32, #tpu.memory_space<hbm>>) target(%arg14 : memref<128xi32, #tpu.memory_space<vmem>>) target_semaphore(%arg32 : memref<!tpu.dma_semaphore, #tpu.memory_space<semaphore_mem>>)
    %add3A_25 = arith.constant 128 : i32
    %add3A_26 = arith.addi %mul3A_4, %add3A_25 : i32
    %dma_start3A_27 = tpu.memref_slice %arg3[%add3A_26] : memref<320000xi32, #tpu.memory_space<hbm>> -> memref<128xi32, #tpu.memory_space<hbm>>
    %dma_start3A_28 = tpu.memref_slice %arg3[%add3A_26] : memref<320000xi32, #tpu.memory_space<hbm>> -> memref<128xi32, #tpu.memory_space<hbm>>
    tpu.enqueue_dma source(%dma_start3A_28 : memref<128xi32, #tpu.memory_space<hbm>>) target(%arg11 : memref<128xi32, #tpu.memory_space<vmem>>) target_semaphore(%arg29 : memref<!tpu.dma_semaphore, #tpu.memory_space<semaphore_mem>>)
    %dma_start3A_29 = tpu.memref_slice %arg4[%add3A_26] : memref<320000xi32, #tpu.memory_space<hbm>> -> memref<128xi32, #tpu.memory_space<hbm>>
    %dma_start3A_30 = tpu.memref_slice %arg4[%add3A_26] : memref<320000xi32, #tpu.memory_space<hbm>> -> memref<128xi32, #tpu.memory_space<hbm>>
    tpu.enqueue_dma source(%dma_start3A_30 : memref<128xi32, #tpu.memory_space<hbm>>) target(%arg15 : memref<128xi32, #tpu.memory_space<vmem>>) target_semaphore(%arg33 : memref<!tpu.dma_semaphore, #tpu.memory_space<semaphore_mem>>)
    %dma_wait3A = arith.constant 0 : i32
    %dma_wait3A_31 = tpu.memref_slice %arg3[%dma_wait3A] : memref<320000xi32, #tpu.memory_space<hbm>> -> memref<128xi32, #tpu.memory_space<hbm>>
    %dma_wait3A_32 = arith.constant 0 : i32
    %dma_wait3A_33 = tpu.memref_slice %arg3[%dma_wait3A_32] : memref<320000xi32, #tpu.memory_space<hbm>> -> memref<128xi32, #tpu.memory_space<hbm>>
    tpu.wait_dma2 semaphore(%arg28 : memref<!tpu.dma_semaphore, #tpu.memory_space<semaphore_mem>>) src(%dma_wait3A_33 : memref<128xi32, #tpu.memory_space<hbm>>) dst(%arg10 : memref<128xi32, #tpu.memory_space<vmem>>)
    %dma_wait3A_34 = arith.constant 0 : i32
    %dma_wait3A_35 = tpu.memref_slice %arg4[%dma_wait3A_34] : memref<320000xi32, #tpu.memory_space<hbm>> -> memref<128xi32, #tpu.memory_space<hbm>>
    %dma_wait3A_36 = arith.constant 0 : i32
    %dma_wait3A_37 = tpu.memref_slice %arg4[%dma_wait3A_36] : memref<320000xi32, #tpu.memory_space<hbm>> -> memref<128xi32, #tpu.memory_space<hbm>>
    tpu.wait_dma2 semaphore(%arg32 : memref<!tpu.dma_semaphore, #tpu.memory_space<semaphore_mem>>) src(%dma_wait3A_37 : memref<128xi32, #tpu.memory_space<hbm>>) dst(%arg14 : memref<128xi32, #tpu.memory_space<vmem>>)
    %dma_start3A_38 = arith.constant 0 : i32
    %dma_start3A_39 = arith.constant 0 : i32
    %dma_start3A_40 = tpu.memref_slice %arg19[%dma_start3A_38, %dma_start3A_39] : memref<10240x64xf32, #tpu.memory_space<vmem_shared>> -> memref<10240x64xf32, #tpu.memory_space<vmem_shared>>
    tpu.enqueue_indirect_dma source(%dma_start3A_40 : memref<10240x64xf32, #tpu.memory_space<vmem_shared>>) target(%arg6 : memref<128x64xf32, #tpu.memory_space<vmem>>) offsets(%arg10 : memref<128xi32, #tpu.memory_space<vmem>>) semaphore(%arg20 : memref<!tpu.dma_semaphore, #tpu.memory_space<semaphore_mem>>)
    %scan3A_41 = arith.constant 0 : i32
    %scan3A_42 = arith.constant 39 : i32
    %scan3A_43 = arith.addi %scan3A_41, %scan3A_42 : i32
    %scan3A_44 = arith.constant 1 : i32
    scf.for %scan3A_89 = %scan3A_41 to %scan3A_43 step %scan3A_44  : i32 {
      %mul3A_90 = arith.constant 1 : i32
      %mul3A_91 = arith.muli %scan3A_89, %mul3A_90 : i32
      %add3A_92 = arith.constant 0 : i32
      %add3A_93 = arith.addi %add3A_92, %mul3A_91 : i32
      %mul3A_94 = arith.constant 4 : i32
      %mul3A_95 = arith.muli %mul3A_94, %add3A_93 : i32
      %add3A_96 = arith.constant 0 : i32
      %add3A_97 = arith.addi %mul3A_95, %add3A_96 : i32
      %ge3A = arith.constant 2 : i32
      %ge3A_98 = arith.cmpi sge, %add3A_97, %ge3A : i32
      %convert_element_type3A = arith.extui %ge3A_98 : i1 to i32
      %cond3A = arith.constant 0 : i32
      %cond3A_99 = arith.cmpi ne, %convert_element_type3A, %cond3A : i32
      scf.if %cond3A_99 {
        %dma_wait3A_206 = arith.constant 0 : i32
        %dma_wait3A_207 = arith.constant 0 : i32
        %dma_wait3A_208 = tpu.memref_slice %arg18[%dma_wait3A_206, %dma_wait3A_207] : memref<10240x64xf32, #tpu.memory_space<vmem_shared>> -> memref<10240x64xf32, #tpu.memory_space<vmem_shared>>
        tpu.wait_indirect_dma semaphore(%arg26 : memref<!tpu.dma_semaphore, #tpu.memory_space<semaphore_mem>>) src(%arg8 : memref<128x64xf32, #tpu.memory_space<vmem>>) dst(%dma_wait3A_208 : memref<10240x64xf32, #tpu.memory_space<vmem_shared>>)
      } else {
      }
      %add3A_100 = arith.constant 2 : i32
      %add3A_101 = arith.addi %add3A_97, %add3A_100 : i32
      %lt3A = arith.constant 156 : i32
      %lt3A_102 = arith.cmpi slt, %add3A_101, %lt3A : i32
      %convert_element_type3A_103 = arith.extui %lt3A_102 : i1 to i32
      %cond3A_104 = arith.constant 0 : i32
      %cond3A_105 = arith.cmpi ne, %convert_element_type3A_103, %cond3A_104 : i32
      scf.if %cond3A_105 {
        %add3A_206 = arith.constant 2 : i32
        %add3A_207 = arith.addi %add3A_97, %add3A_206 : i32
        %mul3A_208 = arith.constant 128 : i32
        %mul3A_209 = arith.muli %add3A_207, %mul3A_208 : i32
        %add3A_210 = arith.addi %mul3A_4, %mul3A_209 : i32
        %dma_start3A_211 = tpu.memref_slice %arg3[%add3A_210] : memref<320000xi32, #tpu.memory_space<hbm>> -> memref<128xi32, #tpu.memory_space<hbm>>
        %dma_start3A_212 = tpu.memref_slice %arg3[%add3A_210] : memref<320000xi32, #tpu.memory_space<hbm>> -> memref<128xi32, #tpu.memory_space<hbm>>
        tpu.enqueue_dma source(%dma_start3A_212 : memref<128xi32, #tpu.memory_space<hbm>>) target(%arg12 : memref<128xi32, #tpu.memory_space<vmem>>) target_semaphore(%arg30 : memref<!tpu.dma_semaphore, #tpu.memory_space<semaphore_mem>>)
        %dma_start3A_213 = tpu.memref_slice %arg4[%add3A_210] : memref<320000xi32, #tpu.memory_space<hbm>> -> memref<128xi32, #tpu.memory_space<hbm>>
        %dma_start3A_214 = tpu.memref_slice %arg4[%add3A_210] : memref<320000xi32, #tpu.memory_space<hbm>> -> memref<128xi32, #tpu.memory_space<hbm>>
        tpu.enqueue_dma source(%dma_start3A_214 : memref<128xi32, #tpu.memory_space<hbm>>) target(%arg16 : memref<128xi32, #tpu.memory_space<vmem>>) target_semaphore(%arg34 : memref<!tpu.dma_semaphore, #tpu.memory_space<semaphore_mem>>)
      } else {
      }
      %add3A_106 = arith.constant 1 : i32
      %add3A_107 = arith.addi %add3A_97, %add3A_106 : i32
      %lt3A_108 = arith.constant 156 : i32
      %lt3A_109 = arith.cmpi slt, %add3A_107, %lt3A_108 : i32
      %convert_element_type3A_110 = arith.extui %lt3A_109 : i1 to i32
      %cond3A_111 = arith.constant 0 : i32
      %cond3A_112 = arith.cmpi ne, %convert_element_type3A_110, %cond3A_111 : i32
      scf.if %cond3A_112 {
        %dma_wait3A_206 = arith.constant 0 : i32
        %dma_wait3A_207 = tpu.memref_slice %arg3[%dma_wait3A_206] : memref<320000xi32, #tpu.memory_space<hbm>> -> memref<128xi32, #tpu.memory_space<hbm>>
        %dma_wait3A_208 = arith.constant 0 : i32
        %dma_wait3A_209 = tpu.memref_slice %arg3[%dma_wait3A_208] : memref<320000xi32, #tpu.memory_space<hbm>> -> memref<128xi32, #tpu.memory_space<hbm>>
        tpu.wait_dma2 semaphore(%arg29 : memref<!tpu.dma_semaphore, #tpu.memory_space<semaphore_mem>>) src(%dma_wait3A_209 : memref<128xi32, #tpu.memory_space<hbm>>) dst(%arg11 : memref<128xi32, #tpu.memory_space<vmem>>)
        %dma_wait3A_210 = arith.constant 0 : i32
        %dma_wait3A_211 = tpu.memref_slice %arg4[%dma_wait3A_210] : memref<320000xi32, #tpu.memory_space<hbm>> -> memref<128xi32, #tpu.memory_space<hbm>>
        %dma_wait3A_212 = arith.constant 0 : i32
        %dma_wait3A_213 = tpu.memref_slice %arg4[%dma_wait3A_212] : memref<320000xi32, #tpu.memory_space<hbm>> -> memref<128xi32, #tpu.memory_space<hbm>>
        tpu.wait_dma2 semaphore(%arg33 : memref<!tpu.dma_semaphore, #tpu.memory_space<semaphore_mem>>) src(%dma_wait3A_213 : memref<128xi32, #tpu.memory_space<hbm>>) dst(%arg15 : memref<128xi32, #tpu.memory_space<vmem>>)
        %dma_start3A_214 = arith.constant 0 : i32
        %dma_start3A_215 = arith.constant 0 : i32
        %dma_start3A_216 = tpu.memref_slice %arg19[%dma_start3A_214, %dma_start3A_215] : memref<10240x64xf32, #tpu.memory_space<vmem_shared>> -> memref<10240x64xf32, #tpu.memory_space<vmem_shared>>
        tpu.enqueue_indirect_dma source(%dma_start3A_216 : memref<10240x64xf32, #tpu.memory_space<vmem_shared>>) target(%arg7 : memref<128x64xf32, #tpu.memory_space<vmem>>) offsets(%arg11 : memref<128xi32, #tpu.memory_space<vmem>>) semaphore(%arg21 : memref<!tpu.dma_semaphore, #tpu.memory_space<semaphore_mem>>)
      } else {
      }
      %dma_wait3A_113 = arith.constant 0 : i32
      %dma_wait3A_114 = arith.constant 0 : i32
      %dma_wait3A_115 = tpu.memref_slice %arg19[%dma_wait3A_113, %dma_wait3A_114] : memref<10240x64xf32, #tpu.memory_space<vmem_shared>> -> memref<10240x64xf32, #tpu.memory_space<vmem_shared>>
      tpu.wait_indirect_dma semaphore(%arg20 : memref<!tpu.dma_semaphore, #tpu.memory_space<semaphore_mem>>) src(%dma_wait3A_115 : memref<10240x64xf32, #tpu.memory_space<vmem_shared>>) dst(%arg6 : memref<128x64xf32, #tpu.memory_space<vmem>>)
      %dma_start3A_116 = arith.constant 0 : i32
      %dma_start3A_117 = arith.constant 0 : i32
      %dma_start3A_118 = tpu.memref_slice %arg18[%dma_start3A_116, %dma_start3A_117] : memref<10240x64xf32, #tpu.memory_space<vmem_shared>> -> memref<10240x64xf32, #tpu.memory_space<vmem_shared>>
      tpu.enqueue_indirect_dma source(%arg6 : memref<128x64xf32, #tpu.memory_space<vmem>>) target(%dma_start3A_118 : memref<10240x64xf32, #tpu.memory_space<vmem_shared>>) offsets(%arg14 : memref<128xi32, #tpu.memory_space<vmem>>) semaphore(%arg24 : memref<!tpu.dma_semaphore, #tpu.memory_space<semaphore_mem>>) {add = true}
      %mul3A_119 = arith.constant 4 : i32
      %mul3A_120 = arith.muli %mul3A_119, %add3A_93 : i32
      %add3A_121 = arith.constant 1 : i32
      %add3A_122 = arith.addi %mul3A_120, %add3A_121 : i32
      %ge3A_123 = arith.constant 2 : i32
      %ge3A_124 = arith.cmpi sge, %add3A_122, %ge3A_123 : i32
      %convert_element_type3A_125 = arith.extui %ge3A_124 : i1 to i32
      %cond3A_126 = arith.constant 0 : i32
      %cond3A_127 = arith.cmpi ne, %convert_element_type3A_125, %cond3A_126 : i32
      scf.if %cond3A_127 {
        %dma_wait3A_206 = arith.constant 0 : i32
        %dma_wait3A_207 = arith.constant 0 : i32
        %dma_wait3A_208 = tpu.memref_slice %arg18[%dma_wait3A_206, %dma_wait3A_207] : memref<10240x64xf32, #tpu.memory_space<vmem_shared>> -> memref<10240x64xf32, #tpu.memory_space<vmem_shared>>
        tpu.wait_indirect_dma semaphore(%arg27 : memref<!tpu.dma_semaphore, #tpu.memory_space<semaphore_mem>>) src(%arg9 : memref<128x64xf32, #tpu.memory_space<vmem>>) dst(%dma_wait3A_208 : memref<10240x64xf32, #tpu.memory_space<vmem_shared>>)
      } else {
      }
      %add3A_128 = arith.constant 2 : i32
      %add3A_129 = arith.addi %add3A_122, %add3A_128 : i32
      %lt3A_130 = arith.constant 156 : i32
      %lt3A_131 = arith.cmpi slt, %add3A_129, %lt3A_130 : i32
      %convert_element_type3A_132 = arith.extui %lt3A_131 : i1 to i32
      %cond3A_133 = arith.constant 0 : i32
      %cond3A_134 = arith.cmpi ne, %convert_element_type3A_132, %cond3A_133 : i32
      scf.if %cond3A_134 {
        %add3A_206 = arith.constant 2 : i32
        %add3A_207 = arith.addi %add3A_122, %add3A_206 : i32
        %mul3A_208 = arith.constant 128 : i32
        %mul3A_209 = arith.muli %add3A_207, %mul3A_208 : i32
        %add3A_210 = arith.addi %mul3A_4, %mul3A_209 : i32
        %dma_start3A_211 = tpu.memref_slice %arg3[%add3A_210] : memref<320000xi32, #tpu.memory_space<hbm>> -> memref<128xi32, #tpu.memory_space<hbm>>
        %dma_start3A_212 = tpu.memref_slice %arg3[%add3A_210] : memref<320000xi32, #tpu.memory_space<hbm>> -> memref<128xi32, #tpu.memory_space<hbm>>
        tpu.enqueue_dma source(%dma_start3A_212 : memref<128xi32, #tpu.memory_space<hbm>>) target(%arg13 : memref<128xi32, #tpu.memory_space<vmem>>) target_semaphore(%arg31 : memref<!tpu.dma_semaphore, #tpu.memory_space<semaphore_mem>>)
        %dma_start3A_213 = tpu.memref_slice %arg4[%add3A_210] : memref<320000xi32, #tpu.memory_space<hbm>> -> memref<128xi32, #tpu.memory_space<hbm>>
        %dma_start3A_214 = tpu.memref_slice %arg4[%add3A_210] : memref<320000xi32, #tpu.memory_space<hbm>> -> memref<128xi32, #tpu.memory_space<hbm>>
        tpu.enqueue_dma source(%dma_start3A_214 : memref<128xi32, #tpu.memory_space<hbm>>) target(%arg17 : memref<128xi32, #tpu.memory_space<vmem>>) target_semaphore(%arg35 : memref<!tpu.dma_semaphore, #tpu.memory_space<semaphore_mem>>)
      } else {
      }
      %add3A_135 = arith.constant 1 : i32
      %add3A_136 = arith.addi %add3A_122, %add3A_135 : i32
      %lt3A_137 = arith.constant 156 : i32
      %lt3A_138 = arith.cmpi slt, %add3A_136, %lt3A_137 : i32
      %convert_element_type3A_139 = arith.extui %lt3A_138 : i1 to i32
      %cond3A_140 = arith.constant 0 : i32
      %cond3A_141 = arith.cmpi ne, %convert_element_type3A_139, %cond3A_140 : i32
      scf.if %cond3A_141 {
        %dma_wait3A_206 = arith.constant 0 : i32
        %dma_wait3A_207 = tpu.memref_slice %arg3[%dma_wait3A_206] : memref<320000xi32, #tpu.memory_space<hbm>> -> memref<128xi32, #tpu.memory_space<hbm>>
        %dma_wait3A_208 = arith.constant 0 : i32
        %dma_wait3A_209 = tpu.memref_slice %arg3[%dma_wait3A_208] : memref<320000xi32, #tpu.memory_space<hbm>> -> memref<128xi32, #tpu.memory_space<hbm>>
        tpu.wait_dma2 semaphore(%arg30 : memref<!tpu.dma_semaphore, #tpu.memory_space<semaphore_mem>>) src(%dma_wait3A_209 : memref<128xi32, #tpu.memory_space<hbm>>) dst(%arg12 : memref<128xi32, #tpu.memory_space<vmem>>)
        %dma_wait3A_210 = arith.constant 0 : i32
        %dma_wait3A_211 = tpu.memref_slice %arg4[%dma_wait3A_210] : memref<320000xi32, #tpu.memory_space<hbm>> -> memref<128xi32, #tpu.memory_space<hbm>>
        %dma_wait3A_212 = arith.constant 0 : i32
        %dma_wait3A_213 = tpu.memref_slice %arg4[%dma_wait3A_212] : memref<320000xi32, #tpu.memory_space<hbm>> -> memref<128xi32, #tpu.memory_space<hbm>>
        tpu.wait_dma2 semaphore(%arg34 : memref<!tpu.dma_semaphore, #tpu.memory_space<semaphore_mem>>) src(%dma_wait3A_213 : memref<128xi32, #tpu.memory_space<hbm>>) dst(%arg16 : memref<128xi32, #tpu.memory_space<vmem>>)
        %dma_start3A_214 = arith.constant 0 : i32
        %dma_start3A_215 = arith.constant 0 : i32
        %dma_start3A_216 = tpu.memref_slice %arg19[%dma_start3A_214, %dma_start3A_215] : memref<10240x64xf32, #tpu.memory_space<vmem_shared>> -> memref<10240x64xf32, #tpu.memory_space<vmem_shared>>
        tpu.enqueue_indirect_dma source(%dma_start3A_216 : memref<10240x64xf32, #tpu.memory_space<vmem_shared>>) target(%arg8 : memref<128x64xf32, #tpu.memory_space<vmem>>) offsets(%arg12 : memref<128xi32, #tpu.memory_space<vmem>>) semaphore(%arg22 : memref<!tpu.dma_semaphore, #tpu.memory_space<semaphore_mem>>)
      } else {
      }
      %dma_wait3A_142 = arith.constant 0 : i32
      %dma_wait3A_143 = arith.constant 0 : i32
      %dma_wait3A_144 = tpu.memref_slice %arg19[%dma_wait3A_142, %dma_wait3A_143] : memref<10240x64xf32, #tpu.memory_space<vmem_shared>> -> memref<10240x64xf32, #tpu.memory_space<vmem_shared>>
      tpu.wait_indirect_dma semaphore(%arg21 : memref<!tpu.dma_semaphore, #tpu.memory_space<semaphore_mem>>) src(%dma_wait3A_144 : memref<10240x64xf32, #tpu.memory_space<vmem_shared>>) dst(%arg7 : memref<128x64xf32, #tpu.memory_space<vmem>>)
      %dma_start3A_145 = arith.constant 0 : i32
      %dma_start3A_146 = arith.constant 0 : i32
      %dma_start3A_147 = tpu.memref_slice %arg18[%dma_start3A_145, %dma_start3A_146] : memref<10240x64xf32, #tpu.memory_space<vmem_shared>> -> memref<10240x64xf32, #tpu.memory_space<vmem_shared>>
      tpu.enqueue_indirect_dma source(%arg7 : memref<128x64xf32, #tpu.memory_space<vmem>>) target(%dma_start3A_147 : memref<10240x64xf32, #tpu.memory_space<vmem_shared>>) offsets(%arg15 : memref<128xi32, #tpu.memory_space<vmem>>) semaphore(%arg25 : memref<!tpu.dma_semaphore, #tpu.memory_space<semaphore_mem>>) {add = true}
      %mul3A_148 = arith.constant 4 : i32
      %mul3A_149 = arith.muli %mul3A_148, %add3A_93 : i32
      %add3A_150 = arith.constant 2 : i32
      %add3A_151 = arith.addi %mul3A_149, %add3A_150 : i32
      %ge3A_152 = arith.constant 2 : i32
      %ge3A_153 = arith.cmpi sge, %add3A_151, %ge3A_152 : i32
      %convert_element_type3A_154 = arith.extui %ge3A_153 : i1 to i32
      %cond3A_155 = arith.constant 0 : i32
      %cond3A_156 = arith.cmpi ne, %convert_element_type3A_154, %cond3A_155 : i32
      scf.if %cond3A_156 {
        %dma_wait3A_206 = arith.constant 0 : i32
        %dma_wait3A_207 = arith.constant 0 : i32
        %dma_wait3A_208 = tpu.memref_slice %arg18[%dma_wait3A_206, %dma_wait3A_207] : memref<10240x64xf32, #tpu.memory_space<vmem_shared>> -> memref<10240x64xf32, #tpu.memory_space<vmem_shared>>
        tpu.wait_indirect_dma semaphore(%arg24 : memref<!tpu.dma_semaphore, #tpu.memory_space<semaphore_mem>>) src(%arg6 : memref<128x64xf32, #tpu.memory_space<vmem>>) dst(%dma_wait3A_208 : memref<10240x64xf32, #tpu.memory_space<vmem_shared>>)
      } else {
      }
      %add3A_157 = arith.constant 2 : i32
      %add3A_158 = arith.addi %add3A_151, %add3A_157 : i32
      %lt3A_159 = arith.constant 156 : i32
      %lt3A_160 = arith.cmpi slt, %add3A_158, %lt3A_159 : i32
      %convert_element_type3A_161 = arith.extui %lt3A_160 : i1 to i32
      %cond3A_162 = arith.constant 0 : i32
      %cond3A_163 = arith.cmpi ne, %convert_element_type3A_161, %cond3A_162 : i32
      scf.if %cond3A_163 {
        %add3A_206 = arith.constant 2 : i32
        %add3A_207 = arith.addi %add3A_151, %add3A_206 : i32
        %mul3A_208 = arith.constant 128 : i32
        %mul3A_209 = arith.muli %add3A_207, %mul3A_208 : i32
        %add3A_210 = arith.addi %mul3A_4, %mul3A_209 : i32
        %dma_start3A_211 = tpu.memref_slice %arg3[%add3A_210] : memref<320000xi32, #tpu.memory_space<hbm>> -> memref<128xi32, #tpu.memory_space<hbm>>
        %dma_start3A_212 = tpu.memref_slice %arg3[%add3A_210] : memref<320000xi32, #tpu.memory_space<hbm>> -> memref<128xi32, #tpu.memory_space<hbm>>
        tpu.enqueue_dma source(%dma_start3A_212 : memref<128xi32, #tpu.memory_space<hbm>>) target(%arg10 : memref<128xi32, #tpu.memory_space<vmem>>) target_semaphore(%arg28 : memref<!tpu.dma_semaphore, #tpu.memory_space<semaphore_mem>>)
        %dma_start3A_213 = tpu.memref_slice %arg4[%add3A_210] : memref<320000xi32, #tpu.memory_space<hbm>> -> memref<128xi32, #tpu.memory_space<hbm>>
        %dma_start3A_214 = tpu.memref_slice %arg4[%add3A_210] : memref<320000xi32, #tpu.memory_space<hbm>> -> memref<128xi32, #tpu.memory_space<hbm>>
        tpu.enqueue_dma source(%dma_start3A_214 : memref<128xi32, #tpu.memory_space<hbm>>) target(%arg14 : memref<128xi32, #tpu.memory_space<vmem>>) target_semaphore(%arg32 : memref<!tpu.dma_semaphore, #tpu.memory_space<semaphore_mem>>)
      } else {
      }
      %add3A_164 = arith.constant 1 : i32
      %add3A_165 = arith.addi %add3A_151, %add3A_164 : i32
      %lt3A_166 = arith.constant 156 : i32
      %lt3A_167 = arith.cmpi slt, %add3A_165, %lt3A_166 : i32
      %convert_element_type3A_168 = arith.extui %lt3A_167 : i1 to i32
      %cond3A_169 = arith.constant 0 : i32
      %cond3A_170 = arith.cmpi ne, %convert_element_type3A_168, %cond3A_169 : i32
      scf.if %cond3A_170 {
        %dma_wait3A_206 = arith.constant 0 : i32
        %dma_wait3A_207 = tpu.memref_slice %arg3[%dma_wait3A_206] : memref<320000xi32, #tpu.memory_space<hbm>> -> memref<128xi32, #tpu.memory_space<hbm>>
        %dma_wait3A_208 = arith.constant 0 : i32
        %dma_wait3A_209 = tpu.memref_slice %arg3[%dma_wait3A_208] : memref<320000xi32, #tpu.memory_space<hbm>> -> memref<128xi32, #tpu.memory_space<hbm>>
        tpu.wait_dma2 semaphore(%arg31 : memref<!tpu.dma_semaphore, #tpu.memory_space<semaphore_mem>>) src(%dma_wait3A_209 : memref<128xi32, #tpu.memory_space<hbm>>) dst(%arg13 : memref<128xi32, #tpu.memory_space<vmem>>)
        %dma_wait3A_210 = arith.constant 0 : i32
        %dma_wait3A_211 = tpu.memref_slice %arg4[%dma_wait3A_210] : memref<320000xi32, #tpu.memory_space<hbm>> -> memref<128xi32, #tpu.memory_space<hbm>>
        %dma_wait3A_212 = arith.constant 0 : i32
        %dma_wait3A_213 = tpu.memref_slice %arg4[%dma_wait3A_212] : memref<320000xi32, #tpu.memory_space<hbm>> -> memref<128xi32, #tpu.memory_space<hbm>>
        tpu.wait_dma2 semaphore(%arg35 : memref<!tpu.dma_semaphore, #tpu.memory_space<semaphore_mem>>) src(%dma_wait3A_213 : memref<128xi32, #tpu.memory_space<hbm>>) dst(%arg17 : memref<128xi32, #tpu.memory_space<vmem>>)
        %dma_start3A_214 = arith.constant 0 : i32
        %dma_start3A_215 = arith.constant 0 : i32
        %dma_start3A_216 = tpu.memref_slice %arg19[%dma_start3A_214, %dma_start3A_215] : memref<10240x64xf32, #tpu.memory_space<vmem_shared>> -> memref<10240x64xf32, #tpu.memory_space<vmem_shared>>
        tpu.enqueue_indirect_dma source(%dma_start3A_216 : memref<10240x64xf32, #tpu.memory_space<vmem_shared>>) target(%arg9 : memref<128x64xf32, #tpu.memory_space<vmem>>) offsets(%arg13 : memref<128xi32, #tpu.memory_space<vmem>>) semaphore(%arg23 : memref<!tpu.dma_semaphore, #tpu.memory_space<semaphore_mem>>)
      } else {
      }
      %dma_wait3A_171 = arith.constant 0 : i32
      %dma_wait3A_172 = arith.constant 0 : i32
      %dma_wait3A_173 = tpu.memref_slice %arg19[%dma_wait3A_171, %dma_wait3A_172] : memref<10240x64xf32, #tpu.memory_space<vmem_shared>> -> memref<10240x64xf32, #tpu.memory_space<vmem_shared>>
      tpu.wait_indirect_dma semaphore(%arg22 : memref<!tpu.dma_semaphore, #tpu.memory_space<semaphore_mem>>) src(%dma_wait3A_173 : memref<10240x64xf32, #tpu.memory_space<vmem_shared>>) dst(%arg8 : memref<128x64xf32, #tpu.memory_space<vmem>>)
      %dma_start3A_174 = arith.constant 0 : i32
      %dma_start3A_175 = arith.constant 0 : i32
      %dma_start3A_176 = tpu.memref_slice %arg18[%dma_start3A_174, %dma_start3A_175] : memref<10240x64xf32, #tpu.memory_space<vmem_shared>> -> memref<10240x64xf32, #tpu.memory_space<vmem_shared>>
      tpu.enqueue_indirect_dma source(%arg8 : memref<128x64xf32, #tpu.memory_space<vmem>>) target(%dma_start3A_176 : memref<10240x64xf32, #tpu.memory_space<vmem_shared>>) offsets(%arg16 : memref<128xi32, #tpu.memory_space<vmem>>) semaphore(%arg26 : memref<!tpu.dma_semaphore, #tpu.memory_space<semaphore_mem>>) {add = true}
      %mul3A_177 = arith.constant 4 : i32
      %mul3A_178 = arith.muli %mul3A_177, %add3A_93 : i32
      %add3A_179 = arith.constant 3 : i32
      %add3A_180 = arith.addi %mul3A_178, %add3A_179 : i32
      %ge3A_181 = arith.constant 2 : i32
      %ge3A_182 = arith.cmpi sge, %add3A_180, %ge3A_181 : i32
      %convert_element_type3A_183 = arith.extui %ge3A_182 : i1 to i32
      %cond3A_184 = arith.constant 0 : i32
      %cond3A_185 = arith.cmpi ne, %convert_element_type3A_183, %cond3A_184 : i32
      scf.if %cond3A_185 {
        %dma_wait3A_206 = arith.constant 0 : i32
        %dma_wait3A_207 = arith.constant 0 : i32
        %dma_wait3A_208 = tpu.memref_slice %arg18[%dma_wait3A_206, %dma_wait3A_207] : memref<10240x64xf32, #tpu.memory_space<vmem_shared>> -> memref<10240x64xf32, #tpu.memory_space<vmem_shared>>
        tpu.wait_indirect_dma semaphore(%arg25 : memref<!tpu.dma_semaphore, #tpu.memory_space<semaphore_mem>>) src(%arg7 : memref<128x64xf32, #tpu.memory_space<vmem>>) dst(%dma_wait3A_208 : memref<10240x64xf32, #tpu.memory_space<vmem_shared>>)
      } else {
      }
      %add3A_186 = arith.constant 2 : i32
      %add3A_187 = arith.addi %add3A_180, %add3A_186 : i32
      %lt3A_188 = arith.constant 156 : i32
      %lt3A_189 = arith.cmpi slt, %add3A_187, %lt3A_188 : i32
      %convert_element_type3A_190 = arith.extui %lt3A_189 : i1 to i32
      %cond3A_191 = arith.constant 0 : i32
      %cond3A_192 = arith.cmpi ne, %convert_element_type3A_190, %cond3A_191 : i32
      scf.if %cond3A_192 {
        %add3A_206 = arith.constant 2 : i32
        %add3A_207 = arith.addi %add3A_180, %add3A_206 : i32
        %mul3A_208 = arith.constant 128 : i32
        %mul3A_209 = arith.muli %add3A_207, %mul3A_208 : i32
        %add3A_210 = arith.addi %mul3A_4, %mul3A_209 : i32
        %dma_start3A_211 = tpu.memref_slice %arg3[%add3A_210] : memref<320000xi32, #tpu.memory_space<hbm>> -> memref<128xi32, #tpu.memory_space<hbm>>
        %dma_start3A_212 = tpu.memref_slice %arg3[%add3A_210] : memref<320000xi32, #tpu.memory_space<hbm>> -> memref<128xi32, #tpu.memory_space<hbm>>
        tpu.enqueue_dma source(%dma_start3A_212 : memref<128xi32, #tpu.memory_space<hbm>>) target(%arg11 : memref<128xi32, #tpu.memory_space<vmem>>) target_semaphore(%arg29 : memref<!tpu.dma_semaphore, #tpu.memory_space<semaphore_mem>>)
        %dma_start3A_213 = tpu.memref_slice %arg4[%add3A_210] : memref<320000xi32, #tpu.memory_space<hbm>> -> memref<128xi32, #tpu.memory_space<hbm>>
        %dma_start3A_214 = tpu.memref_slice %arg4[%add3A_210] : memref<320000xi32, #tpu.memory_space<hbm>> -> memref<128xi32, #tpu.memory_space<hbm>>
        tpu.enqueue_dma source(%dma_start3A_214 : memref<128xi32, #tpu.memory_space<hbm>>) target(%arg15 : memref<128xi32, #tpu.memory_space<vmem>>) target_semaphore(%arg33 : memref<!tpu.dma_semaphore, #tpu.memory_space<semaphore_mem>>)
      } else {
      }
      %add3A_193 = arith.constant 1 : i32
      %add3A_194 = arith.addi %add3A_180, %add3A_193 : i32
      %lt3A_195 = arith.constant 156 : i32
      %lt3A_196 = arith.cmpi slt, %add3A_194, %lt3A_195 : i32
      %convert_element_type3A_197 = arith.extui %lt3A_196 : i1 to i32
      %cond3A_198 = arith.constant 0 : i32
      %cond3A_199 = arith.cmpi ne, %convert_element_type3A_197, %cond3A_198 : i32
      scf.if %cond3A_199 {
        %dma_wait3A_206 = arith.constant 0 : i32
        %dma_wait3A_207 = tpu.memref_slice %arg3[%dma_wait3A_206] : memref<320000xi32, #tpu.memory_space<hbm>> -> memref<128xi32, #tpu.memory_space<hbm>>
        %dma_wait3A_208 = arith.constant 0 : i32
        %dma_wait3A_209 = tpu.memref_slice %arg3[%dma_wait3A_208] : memref<320000xi32, #tpu.memory_space<hbm>> -> memref<128xi32, #tpu.memory_space<hbm>>
        tpu.wait_dma2 semaphore(%arg28 : memref<!tpu.dma_semaphore, #tpu.memory_space<semaphore_mem>>) src(%dma_wait3A_209 : memref<128xi32, #tpu.memory_space<hbm>>) dst(%arg10 : memref<128xi32, #tpu.memory_space<vmem>>)
        %dma_wait3A_210 = arith.constant 0 : i32
        %dma_wait3A_211 = tpu.memref_slice %arg4[%dma_wait3A_210] : memref<320000xi32, #tpu.memory_space<hbm>> -> memref<128xi32, #tpu.memory_space<hbm>>
        %dma_wait3A_212 = arith.constant 0 : i32
        %dma_wait3A_213 = tpu.memref_slice %arg4[%dma_wait3A_212] : memref<320000xi32, #tpu.memory_space<hbm>> -> memref<128xi32, #tpu.memory_space<hbm>>
        tpu.wait_dma2 semaphore(%arg32 : memref<!tpu.dma_semaphore, #tpu.memory_space<semaphore_mem>>) src(%dma_wait3A_213 : memref<128xi32, #tpu.memory_space<hbm>>) dst(%arg14 : memref<128xi32, #tpu.memory_space<vmem>>)
        %dma_start3A_214 = arith.constant 0 : i32
        %dma_start3A_215 = arith.constant 0 : i32
        %dma_start3A_216 = tpu.memref_slice %arg19[%dma_start3A_214, %dma_start3A_215] : memref<10240x64xf32, #tpu.memory_space<vmem_shared>> -> memref<10240x64xf32, #tpu.memory_space<vmem_shared>>
        tpu.enqueue_indirect_dma source(%dma_start3A_216 : memref<10240x64xf32, #tpu.memory_space<vmem_shared>>) target(%arg6 : memref<128x64xf32, #tpu.memory_space<vmem>>) offsets(%arg10 : memref<128xi32, #tpu.memory_space<vmem>>) semaphore(%arg20 : memref<!tpu.dma_semaphore, #tpu.memory_space<semaphore_mem>>)
      } else {
      }
      %dma_wait3A_200 = arith.constant 0 : i32
      %dma_wait3A_201 = arith.constant 0 : i32
      %dma_wait3A_202 = tpu.memref_slice %arg19[%dma_wait3A_200, %dma_wait3A_201] : memref<10240x64xf32, #tpu.memory_space<vmem_shared>> -> memref<10240x64xf32, #tpu.memory_space<vmem_shared>>
      tpu.wait_indirect_dma semaphore(%arg23 : memref<!tpu.dma_semaphore, #tpu.memory_space<semaphore_mem>>) src(%dma_wait3A_202 : memref<10240x64xf32, #tpu.memory_space<vmem_shared>>) dst(%arg9 : memref<128x64xf32, #tpu.memory_space<vmem>>)
      %dma_start3A_203 = arith.constant 0 : i32
      %dma_start3A_204 = arith.constant 0 : i32
      %dma_start3A_205 = tpu.memref_slice %arg18[%dma_start3A_203, %dma_start3A_204] : memref<10240x64xf32, #tpu.memory_space<vmem_shared>> -> memref<10240x64xf32, #tpu.memory_space<vmem_shared>>
      tpu.enqueue_indirect_dma source(%arg9 : memref<128x64xf32, #tpu.memory_space<vmem>>) target(%dma_start3A_205 : memref<10240x64xf32, #tpu.memory_space<vmem_shared>>) offsets(%arg17 : memref<128xi32, #tpu.memory_space<vmem>>) semaphore(%arg27 : memref<!tpu.dma_semaphore, #tpu.memory_space<semaphore_mem>>) {add = true}
    }
    %scan3A_45 = arith.constant 39 : i32
    %dma_wait3A_46 = arith.constant 0 : i32
    %dma_wait3A_47 = arith.constant 0 : i32
    %dma_wait3A_48 = tpu.memref_slice %arg18[%dma_wait3A_46, %dma_wait3A_47] : memref<10240x64xf32, #tpu.memory_space<vmem_shared>> -> memref<10240x64xf32, #tpu.memory_space<vmem_shared>>
    tpu.wait_indirect_dma semaphore(%arg26 : memref<!tpu.dma_semaphore, #tpu.memory_space<semaphore_mem>>) src(%arg8 : memref<128x64xf32, #tpu.memory_space<vmem>>) dst(%dma_wait3A_48 : memref<10240x64xf32, #tpu.memory_space<vmem_shared>>)
    %dma_wait3A_49 = arith.constant 0 : i32
    %dma_wait3A_50 = arith.constant 0 : i32
    %dma_wait3A_51 = tpu.memref_slice %arg18[%dma_wait3A_49, %dma_wait3A_50] : memref<10240x64xf32, #tpu.memory_space<vmem_shared>> -> memref<10240x64xf32, #tpu.memory_space<vmem_shared>>
    tpu.wait_indirect_dma semaphore(%arg27 : memref<!tpu.dma_semaphore, #tpu.memory_space<semaphore_mem>>) src(%arg9 : memref<128x64xf32, #tpu.memory_space<vmem>>) dst(%dma_wait3A_51 : memref<10240x64xf32, #tpu.memory_space<vmem_shared>>)
    %add3A_52 = arith.constant 19968 : i32
    %add3A_53 = arith.addi %mul3A_4, %add3A_52 : i32
    %dma_start3A_54 = tpu.memref_slice %arg3[%add3A_53] : memref<320000xi32, #tpu.memory_space<hbm>> -> memref<32xi32, #tpu.memory_space<hbm>>
    %dma_start3A_55 = tpu.memref_slice %arg3[%add3A_53] : memref<320000xi32, #tpu.memory_space<hbm>> -> memref<32xi32, #tpu.memory_space<hbm>>
    tpu.enqueue_dma source(%dma_start3A_55 : memref<32xi32, #tpu.memory_space<hbm>>) target(%arg36 : memref<32xi32, #tpu.memory_space<vmem>>) target_semaphore(%arg28 : memref<!tpu.dma_semaphore, #tpu.memory_space<semaphore_mem>>)
    %dma_start3A_56 = tpu.memref_slice %arg4[%add3A_53] : memref<320000xi32, #tpu.memory_space<hbm>> -> memref<32xi32, #tpu.memory_space<hbm>>
    %dma_start3A_57 = tpu.memref_slice %arg4[%add3A_53] : memref<320000xi32, #tpu.memory_space<hbm>> -> memref<32xi32, #tpu.memory_space<hbm>>
    tpu.enqueue_dma source(%dma_start3A_57 : memref<32xi32, #tpu.memory_space<hbm>>) target(%arg37 : memref<32xi32, #tpu.memory_space<vmem>>) target_semaphore(%arg32 : memref<!tpu.dma_semaphore, #tpu.memory_space<semaphore_mem>>)
    %dma_wait3A_58 = arith.constant 0 : i32
    %dma_wait3A_59 = tpu.memref_slice %arg3[%dma_wait3A_58] : memref<320000xi32, #tpu.memory_space<hbm>> -> memref<32xi32, #tpu.memory_space<hbm>>
    %dma_wait3A_60 = arith.constant 0 : i32
    %dma_wait3A_61 = tpu.memref_slice %arg3[%dma_wait3A_60] : memref<320000xi32, #tpu.memory_space<hbm>> -> memref<32xi32, #tpu.memory_space<hbm>>
    tpu.wait_dma2 semaphore(%arg28 : memref<!tpu.dma_semaphore, #tpu.memory_space<semaphore_mem>>) src(%dma_wait3A_61 : memref<32xi32, #tpu.memory_space<hbm>>) dst(%arg36 : memref<32xi32, #tpu.memory_space<vmem>>)
    %dma_wait3A_62 = arith.constant 0 : i32
    %dma_wait3A_63 = tpu.memref_slice %arg4[%dma_wait3A_62] : memref<320000xi32, #tpu.memory_space<hbm>> -> memref<32xi32, #tpu.memory_space<hbm>>
    %dma_wait3A_64 = arith.constant 0 : i32
    %dma_wait3A_65 = tpu.memref_slice %arg4[%dma_wait3A_64] : memref<320000xi32, #tpu.memory_space<hbm>> -> memref<32xi32, #tpu.memory_space<hbm>>
    tpu.wait_dma2 semaphore(%arg32 : memref<!tpu.dma_semaphore, #tpu.memory_space<semaphore_mem>>) src(%dma_wait3A_65 : memref<32xi32, #tpu.memory_space<hbm>>) dst(%arg37 : memref<32xi32, #tpu.memory_space<vmem>>)
    %dma_start3A_66 = arith.constant 0 : i32
    %dma_start3A_67 = arith.constant 0 : i32
    %dma_start3A_68 = tpu.memref_slice %arg6[%dma_start3A_66, %dma_start3A_67] : memref<128x64xf32, #tpu.memory_space<vmem>> -> memref<32x64xf32, #tpu.memory_space<vmem>>
    %dma_start3A_69 = arith.constant 0 : i32
    %dma_start3A_70 = arith.constant 0 : i32
    %dma_start3A_71 = tpu.memref_slice %arg19[%dma_start3A_69, %dma_start3A_70] : memref<10240x64xf32, #tpu.memory_space<vmem_shared>> -> memref<10240x64xf32, #tpu.memory_space<vmem_shared>>
    tpu.enqueue_indirect_dma source(%dma_start3A_71 : memref<10240x64xf32, #tpu.memory_space<vmem_shared>>) target(%dma_start3A_68 : memref<32x64xf32, #tpu.memory_space<vmem>>) offsets(%arg36 : memref<32xi32, #tpu.memory_space<vmem>>) semaphore(%arg20 : memref<!tpu.dma_semaphore, #tpu.memory_space<semaphore_mem>>)
    %dma_wait3A_72 = arith.constant 0 : i32
    %dma_wait3A_73 = arith.constant 0 : i32
    %dma_wait3A_74 = tpu.memref_slice %arg6[%dma_wait3A_72, %dma_wait3A_73] : memref<128x64xf32, #tpu.memory_space<vmem>> -> memref<32x64xf32, #tpu.memory_space<vmem>>
    %dma_wait3A_75 = arith.constant 0 : i32
    %dma_wait3A_76 = arith.constant 0 : i32
    %dma_wait3A_77 = tpu.memref_slice %arg19[%dma_wait3A_75, %dma_wait3A_76] : memref<10240x64xf32, #tpu.memory_space<vmem_shared>> -> memref<10240x64xf32, #tpu.memory_space<vmem_shared>>
    tpu.wait_indirect_dma semaphore(%arg20 : memref<!tpu.dma_semaphore, #tpu.memory_space<semaphore_mem>>) src(%dma_wait3A_77 : memref<10240x64xf32, #tpu.memory_space<vmem_shared>>) dst(%dma_wait3A_74 : memref<32x64xf32, #tpu.memory_space<vmem>>)
    "tpu.region"() ({
      %run_scoped3A = tpu.sem_alloc : memref<!tpu.dma_semaphore, #tpu.memory_space<semaphore_mem>>
      %dma_start3A_89 = arith.constant 0 : i32
      %dma_start3A_90 = arith.constant 0 : i32
      %dma_start3A_91 = tpu.memref_slice %arg6[%dma_start3A_89, %dma_start3A_90] : memref<128x64xf32, #tpu.memory_space<vmem>> -> memref<32x64xf32, #tpu.memory_space<vmem>>
      %dma_start3A_92 = arith.constant 0 : i32
      %dma_start3A_93 = arith.constant 0 : i32
      %dma_start3A_94 = tpu.memref_slice %arg18[%dma_start3A_92, %dma_start3A_93] : memref<10240x64xf32, #tpu.memory_space<vmem_shared>> -> memref<10240x64xf32, #tpu.memory_space<vmem_shared>>
      tpu.enqueue_indirect_dma source(%dma_start3A_91 : memref<32x64xf32, #tpu.memory_space<vmem>>) target(%dma_start3A_94 : memref<10240x64xf32, #tpu.memory_space<vmem_shared>>) offsets(%arg37 : memref<32xi32, #tpu.memory_space<vmem>>) semaphore(%run_scoped3A : memref<!tpu.dma_semaphore, #tpu.memory_space<semaphore_mem>>) {add = true}
      %dma_wait3A_95 = arith.constant 0 : i32
      %dma_wait3A_96 = arith.constant 0 : i32
      %dma_wait3A_97 = tpu.memref_slice %arg6[%dma_wait3A_95, %dma_wait3A_96] : memref<128x64xf32, #tpu.memory_space<vmem>> -> memref<32x64xf32, #tpu.memory_space<vmem>>
      %dma_wait3A_98 = arith.constant 0 : i32
      %dma_wait3A_99 = arith.constant 0 : i32
      %dma_wait3A_100 = tpu.memref_slice %arg18[%dma_wait3A_98, %dma_wait3A_99] : memref<10240x64xf32, #tpu.memory_space<vmem_shared>> -> memref<10240x64xf32, #tpu.memory_space<vmem_shared>>
      tpu.wait_indirect_dma semaphore(%run_scoped3A : memref<!tpu.dma_semaphore, #tpu.memory_space<semaphore_mem>>) src(%dma_wait3A_97 : memref<32x64xf32, #tpu.memory_space<vmem>>) dst(%dma_wait3A_100 : memref<10240x64xf32, #tpu.memory_space<vmem_shared>>)
      tpu.yield
    }) : () -> ()
    %barrier3A_78 = arith.constant 0 : index
    tpu.barrier barrier_id(%barrier3A_78)
    %add3A_79 = arith.constant 0 : i32
    %add3A_80 = arith.addi %mul3A_2, %add3A_79 : i32
    "tpu.region"() ({
      %run_scoped3A = tpu.sem_alloc : memref<!tpu.dma_semaphore, #tpu.memory_space<semaphore_mem>>
      %dma_start3A_89 = arith.constant 0 : i32
      %dma_start3A_90 = tpu.memref_slice %arg5[%arg0, %add3A_80, %dma_start3A_89] : memref<2x10240x64xf32, #tpu.memory_space<hbm>> -> memref<1x128x64xf32, #tpu.memory_space<hbm>>
      %dma_start3A_91 = tpu.memref_squeeze %dma_start3A_90 : memref<1x128x64xf32, #tpu.memory_space<hbm>> -> memref<128x64xf32, #tpu.memory_space<hbm>>
      %dma_start3A_92 = arith.constant 0 : i32
      %dma_start3A_93 = tpu.memref_slice %arg18[%add3A_80, %dma_start3A_92] : memref<10240x64xf32, #tpu.memory_space<vmem_shared>> -> memref<128x64xf32, #tpu.memory_space<vmem_shared>>
      tpu.enqueue_dma source(%dma_start3A_93 : memref<128x64xf32, #tpu.memory_space<vmem_shared>>) target(%dma_start3A_91 : memref<128x64xf32, #tpu.memory_space<hbm>>) target_semaphore(%run_scoped3A : memref<!tpu.dma_semaphore, #tpu.memory_space<semaphore_mem>>)
      %dma_wait3A_94 = arith.constant 0 : i32
      %dma_wait3A_95 = tpu.memref_slice %arg5[%arg0, %add3A_80, %dma_wait3A_94] : memref<2x10240x64xf32, #tpu.memory_space<hbm>> -> memref<1x128x64xf32, #tpu.memory_space<hbm>>
      %dma_wait3A_96 = tpu.memref_squeeze %dma_wait3A_95 : memref<1x128x64xf32, #tpu.memory_space<hbm>> -> memref<128x64xf32, #tpu.memory_space<hbm>>
      %dma_wait3A_97 = arith.constant 0 : i32
      %dma_wait3A_98 = tpu.memref_slice %arg18[%add3A_80, %dma_wait3A_97] : memref<10240x64xf32, #tpu.memory_space<vmem_shared>> -> memref<128x64xf32, #tpu.memory_space<vmem_shared>>
      tpu.wait_dma2 semaphore(%run_scoped3A : memref<!tpu.dma_semaphore, #tpu.memory_space<semaphore_mem>>) src(%dma_wait3A_98 : memref<128x64xf32, #tpu.memory_space<vmem_shared>>) dst(%dma_wait3A_96 : memref<128x64xf32, #tpu.memory_space<hbm>>)
      tpu.yield
    }) : () -> ()
    %add3A_81 = arith.constant 128 : i32
    %add3A_82 = arith.addi %mul3A_2, %add3A_81 : i32
    "tpu.region"() ({
      %run_scoped3A = tpu.sem_alloc : memref<!tpu.dma_semaphore, #tpu.memory_space<semaphore_mem>>
      %dma_start3A_89 = arith.constant 0 : i32
      %dma_start3A_90 = tpu.memref_slice %arg5[%arg0, %add3A_82, %dma_start3A_89] : memref<2x10240x64xf32, #tpu.memory_space<hbm>> -> memref<1x128x64xf32, #tpu.memory_space<hbm>>
      %dma_start3A_91 = tpu.memref_squeeze %dma_start3A_90 : memref<1x128x64xf32, #tpu.memory_space<hbm>> -> memref<128x64xf32, #tpu.memory_space<hbm>>
      %dma_start3A_92 = arith.constant 0 : i32
      %dma_start3A_93 = tpu.memref_slice %arg18[%add3A_82, %dma_start3A_92] : memref<10240x64xf32, #tpu.memory_space<vmem_shared>> -> memref<128x64xf32, #tpu.memory_space<vmem_shared>>
      tpu.enqueue_dma source(%dma_start3A_93 : memref<128x64xf32, #tpu.memory_space<vmem_shared>>) target(%dma_start3A_91 : memref<128x64xf32, #tpu.memory_space<hbm>>) target_semaphore(%run_scoped3A : memref<!tpu.dma_semaphore, #tpu.memory_space<semaphore_mem>>)
      %dma_wait3A_94 = arith.constant 0 : i32
      %dma_wait3A_95 = tpu.memref_slice %arg5[%arg0, %add3A_82, %dma_wait3A_94] : memref<2x10240x64xf32, #tpu.memory_space<hbm>> -> memref<1x128x64xf32, #tpu.memory_space<hbm>>
      %dma_wait3A_96 = tpu.memref_squeeze %dma_wait3A_95 : memref<1x128x64xf32, #tpu.memory_space<hbm>> -> memref<128x64xf32, #tpu.memory_space<hbm>>
      %dma_wait3A_97 = arith.constant 0 : i32
      %dma_wait3A_98 = tpu.memref_slice %arg18[%add3A_82, %dma_wait3A_97] : memref<10240x64xf32, #tpu.memory_space<vmem_shared>> -> memref<128x64xf32, #tpu.memory_space<vmem_shared>>
      tpu.wait_dma2 semaphore(%run_scoped3A : memref<!tpu.dma_semaphore, #tpu.memory_space<semaphore_mem>>) src(%dma_wait3A_98 : memref<128x64xf32, #tpu.memory_space<vmem_shared>>) dst(%dma_wait3A_96 : memref<128x64xf32, #tpu.memory_space<hbm>>)
      tpu.yield
    }) : () -> ()
    %add3A_83 = arith.constant 256 : i32
    %add3A_84 = arith.addi %mul3A_2, %add3A_83 : i32
    "tpu.region"() ({
      %run_scoped3A = tpu.sem_alloc : memref<!tpu.dma_semaphore, #tpu.memory_space<semaphore_mem>>
      %dma_start3A_89 = arith.constant 0 : i32
      %dma_start3A_90 = tpu.memref_slice %arg5[%arg0, %add3A_84, %dma_start3A_89] : memref<2x10240x64xf32, #tpu.memory_space<hbm>> -> memref<1x128x64xf32, #tpu.memory_space<hbm>>
      %dma_start3A_91 = tpu.memref_squeeze %dma_start3A_90 : memref<1x128x64xf32, #tpu.memory_space<hbm>> -> memref<128x64xf32, #tpu.memory_space<hbm>>
      %dma_start3A_92 = arith.constant 0 : i32
      %dma_start3A_93 = tpu.memref_slice %arg18[%add3A_84, %dma_start3A_92] : memref<10240x64xf32, #tpu.memory_space<vmem_shared>> -> memref<128x64xf32, #tpu.memory_space<vmem_shared>>
      tpu.enqueue_dma source(%dma_start3A_93 : memref<128x64xf32, #tpu.memory_space<vmem_shared>>) target(%dma_start3A_91 : memref<128x64xf32, #tpu.memory_space<hbm>>) target_semaphore(%run_scoped3A : memref<!tpu.dma_semaphore, #tpu.memory_space<semaphore_mem>>)
      %dma_wait3A_94 = arith.constant 0 : i32
      %dma_wait3A_95 = tpu.memref_slice %arg5[%arg0, %add3A_84, %dma_wait3A_94] : memref<2x10240x64xf32, #tpu.memory_space<hbm>> -> memref<1x128x64xf32, #tpu.memory_space<hbm>>
      %dma_wait3A_96 = tpu.memref_squeeze %dma_wait3A_95 : memref<1x128x64xf32, #tpu.memory_space<hbm>> -> memref<128x64xf32, #tpu.memory_space<hbm>>
      %dma_wait3A_97 = arith.constant 0 : i32
      %dma_wait3A_98 = tpu.memref_slice %arg18[%add3A_84, %dma_wait3A_97] : memref<10240x64xf32, #tpu.memory_space<vmem_shared>> -> memref<128x64xf32, #tpu.memory_space<vmem_shared>>
      tpu.wait_dma2 semaphore(%run_scoped3A : memref<!tpu.dma_semaphore, #tpu.memory_space<semaphore_mem>>) src(%dma_wait3A_98 : memref<128x64xf32, #tpu.memory_space<vmem_shared>>) dst(%dma_wait3A_96 : memref<128x64xf32, #tpu.memory_space<hbm>>)
      tpu.yield
    }) : () -> ()
    %add3A_85 = arith.constant 384 : i32
    %add3A_86 = arith.addi %mul3A_2, %add3A_85 : i32
    "tpu.region"() ({
      %run_scoped3A = tpu.sem_alloc : memref<!tpu.dma_semaphore, #tpu.memory_space<semaphore_mem>>
      %dma_start3A_89 = arith.constant 0 : i32
      %dma_start3A_90 = tpu.memref_slice %arg5[%arg0, %add3A_86, %dma_start3A_89] : memref<2x10240x64xf32, #tpu.memory_space<hbm>> -> memref<1x128x64xf32, #tpu.memory_space<hbm>>
      %dma_start3A_91 = tpu.memref_squeeze %dma_start3A_90 : memref<1x128x64xf32, #tpu.memory_space<hbm>> -> memref<128x64xf32, #tpu.memory_space<hbm>>
      %dma_start3A_92 = arith.constant 0 : i32
      %dma_start3A_93 = tpu.memref_slice %arg18[%add3A_86, %dma_start3A_92] : memref<10240x64xf32, #tpu.memory_space<vmem_shared>> -> memref<128x64xf32, #tpu.memory_space<vmem_shared>>
      tpu.enqueue_dma source(%dma_start3A_93 : memref<128x64xf32, #tpu.memory_space<vmem_shared>>) target(%dma_start3A_91 : memref<128x64xf32, #tpu.memory_space<hbm>>) target_semaphore(%run_scoped3A : memref<!tpu.dma_semaphore, #tpu.memory_space<semaphore_mem>>)
      %dma_wait3A_94 = arith.constant 0 : i32
      %dma_wait3A_95 = tpu.memref_slice %arg5[%arg0, %add3A_86, %dma_wait3A_94] : memref<2x10240x64xf32, #tpu.memory_space<hbm>> -> memref<1x128x64xf32, #tpu.memory_space<hbm>>
      %dma_wait3A_96 = tpu.memref_squeeze %dma_wait3A_95 : memref<1x128x64xf32, #tpu.memory_space<hbm>> -> memref<128x64xf32, #tpu.memory_space<hbm>>
      %dma_wait3A_97 = arith.constant 0 : i32
      %dma_wait3A_98 = tpu.memref_slice %arg18[%add3A_86, %dma_wait3A_97] : memref<10240x64xf32, #tpu.memory_space<vmem_shared>> -> memref<128x64xf32, #tpu.memory_space<vmem_shared>>
      tpu.wait_dma2 semaphore(%run_scoped3A : memref<!tpu.dma_semaphore, #tpu.memory_space<semaphore_mem>>) src(%dma_wait3A_98 : memref<128x64xf32, #tpu.memory_space<vmem_shared>>) dst(%dma_wait3A_96 : memref<128x64xf32, #tpu.memory_space<hbm>>)
      tpu.yield
    }) : () -> ()
    %add3A_87 = arith.constant 512 : i32
    %add3A_88 = arith.addi %mul3A_2, %add3A_87 : i32
    "tpu.region"() ({
      %run_scoped3A = tpu.sem_alloc : memref<!tpu.dma_semaphore, #tpu.memory_space<semaphore_mem>>
      %dma_start3A_89 = arith.constant 0 : i32
      %dma_start3A_90 = tpu.memref_slice %arg5[%arg0, %add3A_88, %dma_start3A_89] : memref<2x10240x64xf32, #tpu.memory_space<hbm>> -> memref<1x128x64xf32, #tpu.memory_space<hbm>>
      %dma_start3A_91 = tpu.memref_squeeze %dma_start3A_90 : memref<1x128x64xf32, #tpu.memory_space<hbm>> -> memref<128x64xf32, #tpu.memory_space<hbm>>
      %dma_start3A_92 = arith.constant 0 : i32
      %dma_start3A_93 = tpu.memref_slice %arg18[%add3A_88, %dma_start3A_92] : memref<10240x64xf32, #tpu.memory_space<vmem_shared>> -> memref<128x64xf32, #tpu.memory_space<vmem_shared>>
      tpu.enqueue_dma source(%dma_start3A_93 : memref<128x64xf32, #tpu.memory_space<vmem_shared>>) target(%dma_start3A_91 : memref<128x64xf32, #tpu.memory_space<hbm>>) target_semaphore(%run_scoped3A : memref<!tpu.dma_semaphore, #tpu.memory_space<semaphore_mem>>)
      %dma_wait3A_94 = arith.constant 0 : i32
      %dma_wait3A_95 = tpu.memref_slice %arg5[%arg0, %add3A_88, %dma_wait3A_94] : memref<2x10240x64xf32, #tpu.memory_space<hbm>> -> memref<1x128x64xf32, #tpu.memory_space<hbm>>
      %dma_wait3A_96 = tpu.memref_squeeze %dma_wait3A_95 : memref<1x128x64xf32, #tpu.memory_space<hbm>> -> memref<128x64xf32, #tpu.memory_space<hbm>>
      %dma_wait3A_97 = arith.constant 0 : i32
      %dma_wait3A_98 = tpu.memref_slice %arg18[%add3A_88, %dma_wait3A_97] : memref<10240x64xf32, #tpu.memory_space<vmem_shared>> -> memref<128x64xf32, #tpu.memory_space<vmem_shared>>
      tpu.wait_dma2 semaphore(%run_scoped3A : memref<!tpu.dma_semaphore, #tpu.memory_space<semaphore_mem>>) src(%dma_wait3A_98 : memref<128x64xf32, #tpu.memory_space<vmem_shared>>) dst(%dma_wait3A_96 : memref<128x64xf32, #tpu.memory_space<hbm>>)
      tpu.yield
    }) : () -> ()
    return
  }
}

module attributes {stable_mosaic.version = 14 : i64} {
  func.func @_mm_body(%arg0: i32, %arg1: memref<10240x128xf32, #tpu.memory_space<vmem>>, %arg2: memref<128x128xf32, #tpu.memory_space<vmem>>, %arg3: memref<2x10240x64xf32, #tpu.memory_space<vmem>>) attributes {dimension_semantics = [#tpu.dimension_semantics<arbitrary>], iteration_bounds = array<i64: 1>, scalar_prefetch = 0 : i64, scratch_operands = 0 : i64, tpu.core_type = #tpu.core_type<tc>, window_params = [{transform_indices = @transform_0, window_bounds = array<i64: 10240, 128>}, {pipeline_mode = #tpu.pipeline_mode<synchronous>, transform_indices = @transform_1, window_bounds = array<i64: 128, 128>}, {transform_indices = @transform_2, window_bounds = array<i64: 2, 10240, 64>}]} {
    %get3A = arith.constant 0 : index
    %get3A_0 = arith.constant 0 : index
    %get3A_1 = vector.load %arg1[%get3A, %get3A_0] : memref<10240x128xf32, #tpu.memory_space<vmem>>, vector<10240x128xf32>
    %get3A_2 = arith.constant 0 : index
    %get3A_3 = arith.constant 0 : index
    %get3A_4 = vector.load %arg2[%get3A_2, %get3A_3] : memref<128x128xf32, #tpu.memory_space<vmem>>, vector<128x128xf32>
    %dot_general3A = arith.constant dense<0.000000e+00> : vector<10240x128xf32>
    %dot_general3A_5 = tpu.matmul %get3A_1, %get3A_4, %dot_general3A {dimension_numbers = #tpu.dot_dimension_numbers<[1], [0], [0], [1], [0, 0, 1, 1], [], []>, transpose_lhs_hint = false} : vector<10240x128xf32>, vector<128x128xf32>, vector<10240x128xf32> -> vector<10240x128xf32>
    %slice3A = vector.extract_strided_slice %dot_general3A_5 {offsets = [0, 0], sizes = [10240, 64], strides = [1, 1]} : vector<10240x128xf32> to vector<10240x64xf32>
    %slice3A_6 = vector.extract_strided_slice %dot_general3A_5 {offsets = [0, 64], sizes = [10240, 64], strides = [1, 1]} : vector<10240x128xf32> to vector<10240x64xf32>
    %stack3A = vector.shape_cast %slice3A : vector<10240x64xf32> to vector<1x10240x64xf32>
    %stack3A_7 = vector.shape_cast %slice3A_6 : vector<10240x64xf32> to vector<1x10240x64xf32>
    %stack3A_8 = tpu.concatenate %stack3A, %stack3A_7 in 0 : vector<1x10240x64xf32>, vector<1x10240x64xf32> -> vector<2x10240x64xf32>
    %swap3A = arith.constant 0 : index
    %swap3A_9 = arith.constant 0 : index
    %swap3A_10 = arith.constant 0 : index
    %swap3A_11 = vector.load %arg3[%swap3A, %swap3A_9, %swap3A_10] : memref<2x10240x64xf32, #tpu.memory_space<vmem>>, vector<2x10240x64xf32>
    tpu.vector_store %arg3[%swap3A, %swap3A_9, %swap3A_10], %stack3A_8 {strides = array<i32>} : memref<2x10240x64xf32, #tpu.memory_space<vmem>>, vector<2x10240x64xf32>,
    return
  }
  func.func @transform_0(%arg0: i32) -> (i32, i32) {
    %c0_i32 = arith.constant 0 : i32
    %c0_i32_0 = arith.constant 0 : i32
    return %arg0, %c0_i32 : i32, i32
  }
  func.func @transform_1(%arg0: i32) -> (i32, i32) {
    %c0_i32 = arith.constant 0 : i32
    %c0_i32_0 = arith.constant 0 : i32
    %c0_i32_1 = arith.constant 0 : i32
    return %c0_i32, %c0_i32_0 : i32, i32
  }
  func.func @transform_2(%arg0: i32) -> (i32, i32, i32) {
    %c0_i32 = arith.constant 0 : i32
    %c0_i32_0 = arith.constant 0 : i32
    %c0_i32_1 = arith.constant 0 : i32
    return %c0_i32, %arg0, %c0_i32_0 : i32, i32, i32
  }
}

module attributes {stable_mosaic.version = 14 : i64} {
  func.func @_layer_body(%arg0: i32, %arg1: memref<2x10240x64xf32, #tpu.memory_space<vmem>>, %arg2: memref<32x10240xf32, #tpu.memory_space<vmem>>, %arg3: memref<1x128xf32, #tpu.memory_space<vmem>>, %arg4: memref<128x128xf32, #tpu.memory_space<vmem>>, %arg5: memref<2x10240x64xf32, #tpu.memory_space<vmem>>) attributes {dimension_semantics = [#tpu.dimension_semantics<arbitrary>], iteration_bounds = array<i64: 1>, scalar_prefetch = 0 : i64, scratch_operands = 0 : i64, tpu.core_type = #tpu.core_type<tc>, window_params = [{transform_indices = @transform_0, window_bounds = array<i64: 2, 10240, 64>}, {transform_indices = @transform_1, window_bounds = array<i64: 32, 10240>}, {pipeline_mode = #tpu.pipeline_mode<synchronous>, transform_indices = @transform_2, window_bounds = array<i64: 1, 128>}, {pipeline_mode = #tpu.pipeline_mode<synchronous>, transform_indices = @transform_3, window_bounds = array<i64: 128, 128>}, {transform_indices = @transform_4, window_bounds = array<i64: 2, 10240, 64>}]} {
    %get3A = arith.constant 0 : index
    %get3A_0 = arith.constant 0 : index
    %get3A_1 = arith.constant 0 : index
    %get3A_2 = vector.load %arg1[%get3A, %get3A_0, %get3A_1] : memref<2x10240x64xf32, #tpu.memory_space<vmem>>, vector<1x10240x64xf32>
    %get3A_3 = vector.shape_cast %get3A_2 : vector<1x10240x64xf32> to vector<10240x64xf32>
    %get3A_4 = arith.constant 1 : index
    %get3A_5 = arith.constant 0 : index
    %get3A_6 = arith.constant 0 : index
    %get3A_7 = vector.load %arg1[%get3A_4, %get3A_5, %get3A_6] : memref<2x10240x64xf32, #tpu.memory_space<vmem>>, vector<1x10240x64xf32>
    %get3A_8 = vector.shape_cast %get3A_7 : vector<1x10240x64xf32> to vector<10240x64xf32>
    %concatenate3A = tpu.concatenate %get3A_3, %get3A_8 in 1 : vector<10240x64xf32>, vector<10240x64xf32> -> vector<10240x128xf32>
    %get3A_9 = arith.constant 0 : index
    %get3A_10 = arith.constant 0 : index
    %get3A_11 = vector.load %arg2[%get3A_9, %get3A_10] : memref<32x10240xf32, #tpu.memory_space<vmem>>, vector<32x10240xf32>
    %reduce_sum3A = arith.constant dense<0.000000e+00> : vector<10240xf32>
    %reduce_sum3A_12 = vector.multi_reduction <add>, %get3A_11, %reduce_sum3A [0] : vector<32x10240xf32> to vector<10240xf32>
    %mul3A = arith.constant 5.000000e-01 : f32
    %mul3A_13 = vector.broadcast %mul3A : f32 to vector<10240xf32>
    %mul3A_14 = arith.mulf %mul3A_13, %reduce_sum3A_12 : vector<10240xf32>
    %max3A = arith.constant 1.000000e+00 : f32
    %max3A_15 = vector.broadcast %max3A : f32 to vector<10240xf32>
    %max3A_16 = arith.maximumf %mul3A_14, %max3A_15 : vector<10240xf32>
    %broadcast_in_dim3A = vector.shape_cast %max3A_16 : vector<10240xf32> to vector<10240x1xf32>
    %div3A = vector.broadcast %broadcast_in_dim3A : vector<10240x1xf32> to vector<10240x128xf32>
    %div3A_17 = arith.divf %concatenate3A, %div3A : vector<10240x128xf32>
    %get3A_18 = arith.constant 0 : index
    %get3A_19 = arith.constant 0 : index
    %get3A_20 = vector.load %arg3[%get3A_18, %get3A_19] : memref<1x128xf32, #tpu.memory_space<vmem>>, vector<1x128xf32>
    %add3A = vector.broadcast %get3A_20 : vector<1x128xf32> to vector<10240x128xf32>
    %add3A_21 = arith.addf %div3A_17, %add3A : vector<10240x128xf32>
    %max3A_22 = arith.constant 0.000000e+00 : f32
    %max3A_23 = vector.broadcast %max3A_22 : f32 to vector<10240x128xf32>
    %max3A_24 = arith.maximumf %add3A_21, %max3A_23 : vector<10240x128xf32>
    %get3A_25 = arith.constant 0 : index
    %get3A_26 = arith.constant 0 : index
    %get3A_27 = vector.load %arg4[%get3A_25, %get3A_26] : memref<128x128xf32, #tpu.memory_space<vmem>>, vector<128x128xf32>
    %dot_general3A = arith.constant dense<0.000000e+00> : vector<10240x128xf32>
    %dot_general3A_28 = tpu.matmul %max3A_24, %get3A_27, %dot_general3A {dimension_numbers = #tpu.dot_dimension_numbers<[1], [0], [0], [1], [0, 0, 1, 1], [], []>, transpose_lhs_hint = false} : vector<10240x128xf32>, vector<128x128xf32>, vector<10240x128xf32> -> vector<10240x128xf32>
    %slice3A = vector.extract_strided_slice %dot_general3A_28 {offsets = [0, 0], sizes = [10240, 64], strides = [1, 1]} : vector<10240x128xf32> to vector<10240x64xf32>
    %slice3A_29 = vector.extract_strided_slice %dot_general3A_28 {offsets = [0, 64], sizes = [10240, 64], strides = [1, 1]} : vector<10240x128xf32> to vector<10240x64xf32>
    %stack3A = vector.shape_cast %slice3A : vector<10240x64xf32> to vector<1x10240x64xf32>
    %stack3A_30 = vector.shape_cast %slice3A_29 : vector<10240x64xf32> to vector<1x10240x64xf32>
    %stack3A_31 = tpu.concatenate %stack3A, %stack3A_30 in 0 : vector<1x10240x64xf32>, vector<1x10240x64xf32> -> vector<2x10240x64xf32>
    %swap3A = arith.constant 0 : index
    %swap3A_32 = arith.constant 0 : index
    %swap3A_33 = arith.constant 0 : index
    %swap3A_34 = vector.load %arg5[%swap3A, %swap3A_32, %swap3A_33] : memref<2x10240x64xf32, #tpu.memory_space<vmem>>, vector<2x10240x64xf32>
    tpu.vector_store %arg5[%swap3A, %swap3A_32, %swap3A_33], %stack3A_31 {strides = array<i32>} : memref<2x10240x64xf32, #tpu.memory_space<vmem>>, vector<2x10240x64xf32>,
    return
  }
  func.func @transform_0(%arg0: i32) -> (i32, i32, i32) {
    %c0_i32 = arith.constant 0 : i32
    %c0_i32_0 = arith.constant 0 : i32
    %c0_i32_1 = arith.constant 0 : i32
    return %c0_i32, %arg0, %c0_i32_0 : i32, i32, i32
  }
  func.func @transform_1(%arg0: i32) -> (i32, i32) {
    %c0_i32 = arith.constant 0 : i32
    %c0_i32_0 = arith.constant 0 : i32
    return %c0_i32, %arg0 : i32, i32
  }
  func.func @transform_2(%arg0: i32) -> (i32, i32) {
    %c0_i32 = arith.constant 0 : i32
    %c0_i32_0 = arith.constant 0 : i32
    %c0_i32_1 = arith.constant 0 : i32
    return %c0_i32, %c0_i32_0 : i32, i32
  }
  func.func @transform_3(%arg0: i32) -> (i32, i32) {
    %c0_i32 = arith.constant 0 : i32
    %c0_i32_0 = arith.constant 0 : i32
    %c0_i32_1 = arith.constant 0 : i32
    return %c0_i32, %c0_i32_0 : i32, i32
  }
  func.func @transform_4(%arg0: i32) -> (i32, i32, i32) {
    %c0_i32 = arith.constant 0 : i32
    %c0_i32_0 = arith.constant 0 : i32
    %c0_i32_1 = arith.constant 0 : i32
    return %c0_i32, %arg0, %c0_i32_0 : i32, i32, i32
  }
}

module attributes {stable_mosaic.version = 14 : i64} {
  func.func @_head_body(%arg0: i32, %arg1: memref<2x10240x64xf32, #tpu.memory_space<vmem>>, %arg2: memref<32x10240xf32, #tpu.memory_space<vmem>>, %arg3: memref<1x128xf32, #tpu.memory_space<vmem>>, %arg4: memref<128x128xf32, #tpu.memory_space<vmem>>, %arg5: memref<1x128xf32, #tpu.memory_space<vmem>>, %arg6: memref<10240x128xf32, #tpu.memory_space<vmem>>) attributes {dimension_semantics = [#tpu.dimension_semantics<arbitrary>], iteration_bounds = array<i64: 1>, scalar_prefetch = 0 : i64, scratch_operands = 0 : i64, tpu.core_type = #tpu.core_type<tc>, window_params = [{transform_indices = @transform_0, window_bounds = array<i64: 2, 10240, 64>}, {transform_indices = @transform_1, window_bounds = array<i64: 32, 10240>}, {pipeline_mode = #tpu.pipeline_mode<synchronous>, transform_indices = @transform_2, window_bounds = array<i64: 1, 128>}, {pipeline_mode = #tpu.pipeline_mode<synchronous>, transform_indices = @transform_3, window_bounds = array<i64: 128, 128>}, {pipeline_mode = #tpu.pipeline_mode<synchronous>, transform_indices = @transform_4, window_bounds = array<i64: 1, 128>}, {transform_indices = @transform_5, window_bounds = array<i64: 10240, 128>}]} {
    %get3A = arith.constant 0 : index
    %get3A_0 = arith.constant 0 : index
    %get3A_1 = arith.constant 0 : index
    %get3A_2 = vector.load %arg1[%get3A, %get3A_0, %get3A_1] : memref<2x10240x64xf32, #tpu.memory_space<vmem>>, vector<1x10240x64xf32>
    %get3A_3 = vector.shape_cast %get3A_2 : vector<1x10240x64xf32> to vector<10240x64xf32>
    %get3A_4 = arith.constant 1 : index
    %get3A_5 = arith.constant 0 : index
    %get3A_6 = arith.constant 0 : index
    %get3A_7 = vector.load %arg1[%get3A_4, %get3A_5, %get3A_6] : memref<2x10240x64xf32, #tpu.memory_space<vmem>>, vector<1x10240x64xf32>
    %get3A_8 = vector.shape_cast %get3A_7 : vector<1x10240x64xf32> to vector<10240x64xf32>
    %concatenate3A = tpu.concatenate %get3A_3, %get3A_8 in 1 : vector<10240x64xf32>, vector<10240x64xf32> -> vector<10240x128xf32>
    %get3A_9 = arith.constant 0 : index
    %get3A_10 = arith.constant 0 : index
    %get3A_11 = vector.load %arg2[%get3A_9, %get3A_10] : memref<32x10240xf32, #tpu.memory_space<vmem>>, vector<32x10240xf32>
    %reduce_sum3A = arith.constant dense<0.000000e+00> : vector<10240xf32>
    %reduce_sum3A_12 = vector.multi_reduction <add>, %get3A_11, %reduce_sum3A [0] : vector<32x10240xf32> to vector<10240xf32>
    %mul3A = arith.constant 5.000000e-01 : f32
    %mul3A_13 = vector.broadcast %mul3A : f32 to vector<10240xf32>
    %mul3A_14 = arith.mulf %mul3A_13, %reduce_sum3A_12 : vector<10240xf32>
    %max3A = arith.constant 1.000000e+00 : f32
    %max3A_15 = vector.broadcast %max3A : f32 to vector<10240xf32>
    %max3A_16 = arith.maximumf %mul3A_14, %max3A_15 : vector<10240xf32>
    %broadcast_in_dim3A = vector.shape_cast %max3A_16 : vector<10240xf32> to vector<10240x1xf32>
    %div3A = vector.broadcast %broadcast_in_dim3A : vector<10240x1xf32> to vector<10240x128xf32>
    %div3A_17 = arith.divf %concatenate3A, %div3A : vector<10240x128xf32>
    %get3A_18 = arith.constant 0 : index
    %get3A_19 = arith.constant 0 : index
    %get3A_20 = vector.load %arg3[%get3A_18, %get3A_19] : memref<1x128xf32, #tpu.memory_space<vmem>>, vector<1x128xf32>
    %add3A = vector.broadcast %get3A_20 : vector<1x128xf32> to vector<10240x128xf32>
    %add3A_21 = arith.addf %div3A_17, %add3A : vector<10240x128xf32>
    %max3A_22 = arith.constant 0.000000e+00 : f32
    %max3A_23 = vector.broadcast %max3A_22 : f32 to vector<10240x128xf32>
    %max3A_24 = arith.maximumf %add3A_21, %max3A_23 : vector<10240x128xf32>
    %mul3A_25 = arith.mulf %max3A_24, %max3A_24 : vector<10240x128xf32>
    %reduce_sum3A_26 = arith.constant dense<0.000000e+00> : vector<10240xf32>
    %reduce_sum3A_27 = vector.multi_reduction <add>, %mul3A_25, %reduce_sum3A_26 [1] : vector<10240x128xf32> to vector<10240xf32>
    %broadcast_in_dim3A_28 = vector.shape_cast %reduce_sum3A_27 : vector<10240xf32> to vector<10240x1xf32>
    %sqrt3A = math.sqrt %broadcast_in_dim3A_28 : vector<10240x1xf32>
    %max3A_29 = arith.constant 9.99999996E-13 : f32
    %max3A_30 = vector.broadcast %max3A_29 : f32 to vector<10240x1xf32>
    %max3A_31 = arith.maximumf %sqrt3A, %max3A_30 : vector<10240x1xf32>
    %div3A_32 = vector.broadcast %max3A_31 : vector<10240x1xf32> to vector<10240x128xf32>
    %div3A_33 = arith.divf %max3A_24, %div3A_32 : vector<10240x128xf32>
    %get3A_34 = arith.constant 0 : index
    %get3A_35 = arith.constant 0 : index
    %get3A_36 = vector.load %arg4[%get3A_34, %get3A_35] : memref<128x128xf32, #tpu.memory_space<vmem>>, vector<128x128xf32>
    %dot_general3A = arith.constant dense<0.000000e+00> : vector<10240x128xf32>
    %dot_general3A_37 = tpu.matmul %div3A_33, %get3A_36, %dot_general3A {dimension_numbers = #tpu.dot_dimension_numbers<[1], [0], [0], [1], [0, 0, 1, 1], [], []>, transpose_lhs_hint = false} : vector<10240x128xf32>, vector<128x128xf32>, vector<10240x128xf32> -> vector<10240x128xf32>
    %get3A_38 = arith.constant 0 : index
    %get3A_39 = arith.constant 0 : index
    %get3A_40 = vector.load %arg5[%get3A_38, %get3A_39] : memref<1x128xf32, #tpu.memory_space<vmem>>, vector<1x128xf32>
    %add3A_41 = vector.broadcast %get3A_40 : vector<1x128xf32> to vector<10240x128xf32>
    %add3A_42 = arith.addf %dot_general3A_37, %add3A_41 : vector<10240x128xf32>
    %swap3A = arith.constant 0 : index
    %swap3A_43 = arith.constant 0 : index
    %swap3A_44 = vector.load %arg6[%swap3A, %swap3A_43] : memref<10240x128xf32, #tpu.memory_space<vmem>>, vector<10240x128xf32>
    tpu.vector_store %arg6[%swap3A, %swap3A_43], %add3A_42 {strides = array<i32>} : memref<10240x128xf32, #tpu.memory_space<vmem>>, vector<10240x128xf32>,
    return
  }
  func.func @transform_0(%arg0: i32) -> (i32, i32, i32) {
    %c0_i32 = arith.constant 0 : i32
    %c0_i32_0 = arith.constant 0 : i32
    %c0_i32_1 = arith.constant 0 : i32
    return %c0_i32, %arg0, %c0_i32_0 : i32, i32, i32
  }
  func.func @transform_1(%arg0: i32) -> (i32, i32) {
    %c0_i32 = arith.constant 0 : i32
    %c0_i32_0 = arith.constant 0 : i32
    return %c0_i32, %arg0 : i32, i32
  }
  func.func @transform_2(%arg0: i32) -> (i32, i32) {
    %c0_i32 = arith.constant 0 : i32
    %c0_i32_0 = arith.constant 0 : i32
    %c0_i32_1 = arith.constant 0 : i32
    return %c0_i32, %c0_i32_0 : i32, i32
  }
  func.func @transform_3(%arg0: i32) -> (i32, i32) {
    %c0_i32 = arith.constant 0 : i32
    %c0_i32_0 = arith.constant 0 : i32
    %c0_i32_1 = arith.constant 0 : i32
    return %c0_i32, %c0_i32_0 : i32, i32
  }
  func.func @transform_4(%arg0: i32) -> (i32, i32) {
    %c0_i32 = arith.constant 0 : i32
    %c0_i32_0 = arith.constant 0 : i32
    %c0_i32_1 = arith.constant 0 : i32
    return %c0_i32, %c0_i32_0 : i32, i32
  }
  func.func @transform_5(%arg0: i32) -> (i32, i32) {
    %c0_i32 = arith.constant 0 : i32
    %c0_i32_0 = arith.constant 0 : i32
    return %arg0, %c0_i32 : i32, i32
  }
}

</mosaic_0001>

<sc_bundles>
// kernel: kernel.11.cloned.1.call-start
scs
__scs_entry_jumppad:
0x0: {  	(pc) =	sbr.rel $0x88, $3  }
0x1: {  	(tag) =	ssettag $0x0;
	lr =	simm.s32 $0x1  }
0x2: {  	[smem:$0x3F98] =	sst lr;
	_ =	strace $0xD0000000  }
0x3: {  	_ = 	snop  }
0x4: {  	_ = 	snop  }
0x5: {  	_ = 	snop  }
0x6: {  	_ = 	snop  }
0x7: {  	_ = 	snop  }
__scs_overlays_trampoline_lowered:
0x8: {  	[smem:$0x3FA7] =	sst s0  }
0x9: {  	[smem:$0x3FA8] =	sst s1  }
0xa: {  	[smem:$0x3FA9] =	sst s2  }
0xb: {  	[smem:$0x3FAA] =	sst s3  }
0xc: {  	[smem:$0x3FAB] =	sst s4  }
0xd: {  	[smem:$0x3FAC] =	sst s5  }
0xe: {  	[smem:$0x3FAD] =	sst s6  }
0xf: {  	[smem:$0x3FAE] =	sst s7  }
0x10: {  	[smem:$0x3FAF] =	sst s8  }
0x11: {  	[smem:$0x3FB0] =	sst s9;
	s0 =	simm.s32 @!p0 $0x0  }
0x12: {  	s1 =	sld [smem:$0x3F96];
	s0 =	simm.s32 @p0 $0x1  }
0x13: {  	[smem:$0x3FB1] =	sst s0;
	s0 =	simm.s32 @!p1 $0x0  }
0x14: {  	s2 =	sld [smem:$0x3F95];
	s0 =	simm.s32 @p1 $0x1  }
0x15: {  	[smem:$0x3FB2] =	sst s0;
	s0 =	simm.s32 @!p2 $0x0  }
0x16: {  	s3 =	sld [smem:$0x3FDB];
	s0 =	simm.s32 @p2 $0x1  }
0x17: {  	s4 =	simm.s32 $0x1BF5;
	[smem:$0x3FB4] =	sst s0  }
0x18: {  	s0 =	sld [smem:$0x3F97];
	_ =	swait.ge [sflag:s4], $0x0  }
0x19: {  	s7 =	sld [smem:$0x3F98]  }
0x1a: {  	s8 =	sadd.s32 $0xFFFFE003, lr  }
0x1b: {  	s9 =	sadd.s32 $0xFFFFFEF7, lr;
	s5 =	simm.s32 $0xFFFFFFFF;
	p2 =	slt.u32 s8, $0xFFFFF086  }
0x1c: {  	p1 =	slt.u32 s9, $0xF7A;
	s5 =	simm.s32 @!p2 $0x0  }
0x1d: {  	s5 =	simm.s32 @p1 $0x1;
	p0 =	seq.s32 s7, s2  }
0x1e: {  	s7 =	smul.u32 @!p0 $0xF7A, s2;
	p2 =	seq.s32 @!p0 s5, $0x0  }
0x1f: {  	s9 =	smul.u32 $0xF7A, s1;
	s8 =	simm.s32 @!p0 $0x1BF5;
	p2 =	por !p2, p0  }
0x20: {  	[sflag:s8] =	ssyncset.s32 @!p0 $0xFFFFF086;
	s6 =	sadd.s32 @!p0 s3, s7;
	s7 =	simm.s32 @!p0 $0x108  }
0x21: {  	s3 =	sadd.s32 s3, s9;
	s6 =	sadd.s32 @!p0 $0x88, s6;
	s7 =	simm.s32 @p2 $0x1082  }
0x22: {  	[simem:s7], [sflag:s8] =	dma.local @!p0 [hbm:s6], $0xF7A  }
0x23: {  	s9 =	sor.u32 $0xD0000000, s2;
	s6 =	simm.s32 $0x108;
	_ =	swait.ge @!p0 [sflag:s8], $0x0  }
0x24: {  	s3 =	sadd.s32 $0x88, s3;
	s6 =	simm.s32 @!p1 $0x1082;
	[sflag:s4] =	ssyncset.s32 $0xFFFFF086  }
0x25: {  	[simem:s6], [sflag:s4] =	dma.local [hbm:s3], $0xF7A  }
0x26: {  	[smem:$0x3F98] =	sst s1;
	(tag) =	ssettag s2;
	_ =	strace s9  }
0x27: {  	s1 =	sld [smem:$0x3FA8]  }
0x28: {  	s2 =	sld [smem:$0x3FA9]  }
0x29: {  	s4 =	sld [smem:$0x3FAB]  }
0x2a: {  	p0 =	seq.s32 s5, $0x0;
	s5 =	sld [smem:$0x3FAC]  }
0x2b: {  	s6 =	sld [smem:$0x3FAD]  }
0x2c: {  	s7 =	sld [smem:$0x3FAE]  }
0x2d: {  	s3 =	simm.s32 $0x108;
	s8 =	sld [smem:$0x3FAF]  }
0x2e: {  	s3 =	simm.s32 @!p0 $0x1082;
	s9 =	sld [smem:$0x3FB0]  }
0x2f: {  	lr =	sadd.s32 s0, s3;
	s0 =	sld [smem:$0x3FA7]  }
0x30: {  	s3 =	sld [smem:$0x3FAA]  }
0x31: {  	[smem:$0x3FB3] =	sst s10  }
0x32: {  	s10 =	sld [smem:$0x3FB1];
	_ =	sdelay $0x3  }
0x33: {  	p0 =	seq.s32 s10, $0x1;
	s10 =	sld [smem:$0x3FB3];
	_ =	sdelay $0x3  }
0x34: {  	[smem:$0x3FB3] =	sst s10  }
0x35: {  	s10 =	sld [smem:$0x3FB2];
	_ =	sdelay $0x3  }
0x36: {  	p1 =	seq.s32 s10, $0x1;
	s10 =	sld [smem:$0x3FB3];
	_ =	sdelay $0x3  }
0x37: {  	[smem:$0x3FB3] =	sst s10  }
0x38: {  	s10 =	sld [smem:$0x3FB4]  }
0x39: {  	_ = 	snop;
	(pc) =	sbr.ind lr, $3  }
0x3a: {  	_ = 	snop  }
0x3b: {  	_ = 	snop  }
0x3c: {  	p2 =	seq.s32 s10, $0x1;
	s10 =	sld [smem:$0x3FB3]  }
0x3d: {  	_ =	shalt  }
0x3e: {  	_ =	shalt  }
0x3f: {  	_ =	shalt  }
0x40: {  	_ =	shalt  }
0x41: {  	_ =	shalt  }
0x42: {  	_ =	shalt  }
0x43: {  	_ =	shalt  }
0x44: {  	_ =	shalt  }
0x45: {  	_ =	shalt  }
0x46: {  	_ =	shalt  }
0x47: {  	_ =	shalt  }
0x48: {  	_ =	shalt  }
0x49: {  	_ =	shalt  }
0x4a: {  	_ =	shalt  }
0x4b: {  	_ =	shalt  }
0x4c: {  	_ =	shalt  }
0x4d: {  	_ =	shalt  }
0x4e: {  	_ =	shalt  }
0x4f: {  	_ =	shalt  }
0x50: {  	_ =	shalt  }
0x51: {  	_ =	shalt  }
0x52: {  	_ =	shalt  }
0x53: {  	_ =	shalt  }
0x54: {  	_ =	shalt  }
0x55: {  	_ =	shalt  }
0x56: {  	_ =	shalt  }
0x57: {  	_ =	shalt  }
0x58: {  	_ =	shalt  }
0x59: {  	_ =	shalt  }
0x5a: {  	_ =	shalt  }
0x5b: {  	_ =	shalt  }
0x5c: {  	_ =	shalt  }
0x5d: {  	_ =	shalt  }
0x5e: {  	_ =	shalt  }
0x5f: {  	_ =	shalt  }
0x60: {  	_ =	shalt  }
0x61: {  	_ =	shalt  }
0x62: {  	_ =	shalt  }
0x63: {  	_ =	shalt  }
0x64: {  	_ =	shalt  }
0x65: {  	_ =	shalt  }
0x66: {  	_ =	shalt  }
0x67: {  	_ =	shalt  }
0x68: {  	_ =	shalt  }
0x69: {  	_ =	shalt  }
0x6a: {  	_ =	shalt  }
0x6b: {  	_ =	shalt  }
0x6c: {  	_ =	shalt  }
0x6d: {  	_ =	shalt  }
0x6e: {  	_ =	shalt  }
0x6f: {  	_ =	shalt  }
0x70: {  	_ =	shalt  }
0x71: {  	_ =	shalt  }
0x72: {  	_ =	shalt  }
0x73: {  	_ =	shalt  }
0x74: {  	_ =	shalt  }
0x75: {  	_ =	shalt  }
0x76: {  	_ =	shalt  }
0x77: {  	_ =	shalt  }
0x78: {  	_ =	shalt  }
0x79: {  	_ =	shalt  }
0x7a: {  	_ =	shalt  }
0x7b: {  	_ =	shalt  }
0x7c: {  	_ =	shalt  }
0x7d: {  	_ =	shalt  }
0x7e: {  	_ =	shalt  }
0x7f: {  	_ =	shalt  }
0x80: {  	_ =	shalt  }
0x81: {  	_ =	shalt  }
0x82: {  	_ =	shalt  }
0x83: {  	_ =	shalt  }
0x84: {  	_ =	shalt  }
0x85: {  	_ =	shalt  }
0x86: {  	_ =	shalt  }
0x87: {  	_ =	shalt  }
.Lfunc_end0:
.L_simem_size_0:
called_computation.1_lowered:
.L_overlay_start_0:
0x88: {  	s2 =	sld [smem:$0x3FD9]  }
0x89: {  	s3 =	sld [smem:$0x3FFE];
	_ =	sdelay $0x1  }
0x8a: {  	s1 =	srdreg.scid  }
0x8b: {  	s0 =	sand.u32 $0x1, s1  }
0x8c: {  	s16 =	sshll.u32 s0, $0xA;
	s2 =	sadd.s32 s3, s2  }
0x8d: {  	s2 =	sadd.s32 s2, s16  }
0x8e: {  	[smem:$0x3FBF] =	sst s2  }
0x8f: {  	_ = 	snop  }
0x90: {  	(tm) =	ssettm $0x1  }
0x91: {  	s17 =	sld [smem:$0x3FFB];
	_ =	sdelay $0x3  }
0x92: {  	_ =	strace s17  }
0x93: {  	s2 =	sld [smem:$0x3FFC];
	_ =	sdelay $0x3  }
0x94: {  	_ =	strace s2  }
0x95: {  	s2 =	sld [smem:$0x3FFD];
	_ =	sdelay $0x3  }
0x96: {  	_ =	strace s2  }
0x97: {  	_ =	strace $0x8FFFFFFF  }
0x98: {  	s18 =	sld [smem:$0x3FDB];
	_ =	sdelay $0x1  }
0x99: {  	s19 =	simm.s32 $_scs_section_size  }
0x9a: {  	s4 =	simm.s32 $_size__tile_overlayer_lowered;
	s5 =	simm.s32 $_tile_overlayer_lowered  }
0x9b: {  	s22 =	simm.s32 $0x1BFF;
	s21 =	sshll.u32 s5, $0x1;
	s2 =	sadd.s32 s19, s18  }
0x9c: {  	s6 =	simm.s32 $0x0;
	s20 =	sshll.u32 s4, $0x1;
	s4 =	sadd.s32 s21, s2  }
0x9d: {  	[timem:s6], [sflag:s22] =	dma.local [hbm:s4], s20  }
0x9e: {  	_ =	swait.ge [sflag:s22], s20  }
0x9f: {  	s3 =	ssub.s32 $0x0, s20;
	[sflag:s22] =	ssyncset.done $0x0  }
0xa0: {  	[sflag:s22] =	ssyncadd.s32 s3;
	_ =	sdelay $0x1  }
0xa1: {  	s23 =	simm.s32 $0x1B8B  }
0xa2: {  	_ =	swait.ge [sflag:s23], $0x1  }
0xa3: {  	[sflag:s23] =	ssyncset.done $0x0  }
0xa4: {  	s25 =	simm.s32 $0x1B8E;
	s24 =	sld [smem:$0x3FFE];
	[sflag:s23] =	ssyncadd.s32 $0xFFFFFFFF  }
0xa5: {  	s26 =	simm.s32 $execute0_lowered;
	[smem:$0x3FD2] =	sst s25  }
0xa6: {  	s4 =	sshll.u32 s26, $0x1;
	_ =	strace $0x80000049;
	[dreg:$0x1] =	wrdreg $0xFFFFFFFF  }
0xa7: {  	s28 =	simm.s32 $_size_execute0_lowered;
	s2 =	sadd.s32 s2, s4;
	[dreg:$0x0] =	wrdreg $0x0  }
0xa8: {  	s4 =	sshll.u32 s28, $0x1;
	[dreg:$0x2] =	wrdreg s2  }
0xa9: {  	[dreg:$0x3] =	wrdreg s4  }
0xaa: {  	[dreg:$0x4] =	wrdreg $0xC0  }
0xab: {  	_ =	task [dreg:s6], $0x5FFFF  }
0xac: {  	[dreg:$0x1] =	wrdreg $0xFFFFFFFF  }
0xad: {  	[dreg:$0x0] =	wrdreg $0x60  }
0xae: {  	[dreg:$0x2] =	wrdreg s24  }
0xaf: {  	[dreg:$0x3] =	wrdreg $0x124000  }
0xb0: {  	[dreg:$0x4] =	wrdreg $0x84000  }
0xb1: {  	[dreg:$0x5] =	wrdreg $0x9  }
0xb2: {  	_ =	task.clear_ibuf [dreg:s6], $0x6FFFF;
	_ =	strace $0x90000049  }
0xb3: {  	s29 =	simm.s32 $0x9;
	_ =	strace $0x8000004B  }
0xb4: {  	_ =	swait.ge [sflag:s29], $0x1  }
0xb5: {  	[sflag:s29] =	ssyncadd.s32 $0xFFFFFFFF  }
0xb6: {  	_ =	strace $0x9000004B  }
0xb7: {  	_ =	sfence  }
0xb8: {  	s30 =	sld [smem:$0x0];
	_ =	sdelay $0x2  }
0xb9: {  	s31 =	sshll.u32 s1, $0xD;
	s1 =	sshrl.u32 s1, $0x2  }
0xba: {  	s3 =	sand.u32 $0x4000, s31;
	s1 =	sadd.s32 s1, s30  }
0xbb: {  	s0 =	sor.u32 s3, s0;
	s1 =	sshll.u32 s1, $0x11  }
0xbc: {  	s0 =	sor.u32 s1, s0  }
0xbd: {  	s0 =	sadd.s32 $0x8F2B, s0  }
0xbe: {  	[sflag:s0] =	ssyncadd.remote.s32 $0x1  }
0xbf: {  	_ =	sfence.sel $0xFFFF  }
0xc0: {  	[dreg:$0x0] =	wrdreg $0xFFFFFFFF;
	(pc) =	sbr.abs _section_cstart, $3  }
0xc1: {  	[dreg:$0x1] =	wrdreg $0xFFFFFFFF  }
0xc2: {  	_ =	task.clear_ibuf [dreg:s6], $0x2FFFF;
	_ =	strace $0x9FFFFFFF  }
0xc3: {  	(tm) =	ssettm $0x7FFFFFFF  }
tec
execute0_lowered:
.L_overlay_start_1:
0x0: {  	(tag) =	ssettag $0x1  }
0x1: {  	s0 =	rddreg [dreg:$0x0]  }
0x2: {  	s1 =	srdreg.scid;
	s3 =	rddreg [dreg:$0x1]  }
0x3: {  	s16 =	stileid.u32;
	s18 =	rddreg [dreg:$0x2]  }
0x4: {  	s4 =	simm.s32 $0x0;
	s29 =	simm.s32 $0x6000;
	s5 =	smul.u32 $0xA000, s16  }
0x5: {  	s1 =	sand.u32 $0x1, s1;
	[smem:$0x7FF] =	sst s4;
	s12 =	smul.u32 $0x4E20, s16  }
0x6: {  	s9 =	sadd.s32 $0xB200, s0;
	s10 =	sadd.s32 $0x1400, s0;
	s22 =	smul.u32 $0x9C4, s16  }
0x7: {  	s25 =	sshll.u32 s16, $0x6;
	s6 =	smul.u32 $0xA0000, s1;
	s1 =	ssub.s32 $0x2, s1  }
0x8: {  	s16 =	simm.s32 $0xB;
	_ =	strace $0x8000004A;
	s11 =	sshrl.u32 s1, $0x1  }
0x9: {  	s12 =	sshrl.u32 s12, $0x3;
	s13 =	sadd.s32 $0x6000, s5;
	s14 =	sadd.s32 $0x8000, s5  }
0xa: {  	s30 =	sadd.s32 s5, s18;
	s7 =	sadd.s32 s5, s6;
	s1 =	ssub.s32 s1, s11  }
0xb: {  	s11 =	sadd.s32 $0x4000, s5;
	s15 =	sadd.s32 $0x10, s12;
	s17 =	sadd.s32 s9, s12  }
0xc: {  	s26 =	sadd.s32 s10, s12;
	s12 =	sadd.s32 $0x9C0, s12;
	[dreg:$0x11] =	wrdreg s30  }
0xd: {  	s20 =	sadd.s32 s6, s13;
	s31 =	sadd.s32 s13, s18;
	[dreg:$0x5] =	wrdreg s17  }
0xe: {  	s7 =	sshrl.u32 s7, $0x3;
	[dreg:$0x6] =	wrdreg s26;
	s28 =	sadd.s32 s9, s15  }
0xf: {  	s15 =	sadd.s32 s10, s15;
	s17 =	sadd.s32 s6, s11;
	[dreg:$0x14] =	wrdreg s31  }
0x10: {  	s21 =	sshrl.u32 s20, $0x3;
	s23 =	sadd.s32 s9, s12;
	[dreg:$0x7] =	wrdreg s28  }
0x11: {  	s24 =	sadd.s32 s10, s12;
	s26 =	sadd.s32 s5, s3;
	[dreg:$0x8] =	wrdreg s15  }
0x12: {  	s11 =	sadd.s32 s11, s18;
	s1 =	smax.u32 s1, $0x1;
	[dreg:$0xe] =	wrdreg s23  }
0x13: {  	s8 =	sadd.s32 s7, s0;
	s0 =	sadd.s32 $0x3D000, s0;
	[dreg:$0xf] =	wrdreg s24  }
0x14: {  	s19 =	sshrl.u32 s17, $0x3;
	s17 =	sadd.s32 s22, s10;
	[dreg:$0x16] =	wrdreg s1  }
0x15: {  	s28 =	sadd.s32 s14, s18;
	[dreg:$0x13] =	wrdreg s11;
	s23 =	simm.s32 $0x10  }
0x16: {  	s24 =	simm.s32 $0x3;
	s8 =	sadd.s32 $0x15000, s8;
	[dreg:$0x15] =	wrdreg s28  }
0x17: {  	s7 =	sadd.s32 s0, s7;
	[dreg:$0x4] =	wrdreg s8;
	s8 =	sadd.s32 $0x2000, s5  }
0x18: {  	[dreg:$0x9] =	wrdreg s7;
	s2 =	sadd.s32 s6, s8;
	s6 =	sadd.s32 s6, s14  }
0x19: {  	s8 =	sadd.s32 s8, s18;
	s15 =	sshrl.u32 s2, $0x3;
	s6 =	sshrl.u32 s6, $0x3  }
0x1a: {  	s2 =	sadd.s32 s22, s9;
	[dreg:$0x12] =	wrdreg s8;
	s7 =	sadd.s32 s0, s15  }
0x1b: {  	s9 =	simm.s32 $0x1;
	[dreg:$0xa] =	wrdreg s7;
	s7 =	sadd.s32 s0, s19  }
0x1c: {  	s19 =	simm.s32 $0x11;
	[dreg:$0xb] =	wrdreg s7;
	s7 =	sadd.s32 s0, s21  }
0x1d: {  	s0 =	sadd.s32 s0, s6;
	s6 =	simm.s32 $0x80;
	[dreg:$0xc] =	wrdreg s7  }
0x1e: {  	s21 =	simm.s32 $0xC;
	[dreg:$0xd] =	wrdreg s0;
	s0 =	sshrl.u32 s26, $0x3  }
0x1f: {  	s7 =	sor.u32 $0x1C11, s25;
	s25 =	simm.s32 $0xF;
	[dreg:$0x17] =	wrdreg s0  }
0x20: {  	v0 =	vimm.f32 $0.0e+00;
	s26 =	simm.s32 $0x2;
	s0 =	simm.s32 $0x0;
	[dreg:$0x10] =	wrdreg s7  }
.LBB2_1:
0x21: {  	[dreg:$0x18] =	wrdreg s0  }
0x22: {  	s1 =	rddreg [dreg:$0x4]  }
0x23: {  	s5 =	rddreg [dreg:$0x17]  }
0x24: {  	[spmem:s5], [sflag:s7] =	dma.local [hbm:s1], $0x1400  }
0x25: {  	_ =	swait.ge [sflag:s19], $0x1400  }
0x26: {  	[sflag:s19] =	ssyncset.done $0x0  }
0x27: {  	s5 =	simm.s32 $0x0;
	[sflag:s19] =	ssyncadd.s32 $0xFFFFEC00;
	s19 =	simm.s32 $0x100  }
.LBB2_2:
0x28: {  	p0 =	sne.s32 s19, $0x7F00;
	[tilespmem:s5+$0x30] =	vst v0;
	s28 =	smov.u32 s19;
	s19 =	sadd.s32 $0x100, s19  }
.Ltmp0:
0x29: {  	[tilespmem:s5+$0x20] =	vst v0;
	(pc) =	sbr.rel @p0 .LBB2_2-.Ltmp0, $3  }
0x2a: {  	[tilespmem:s5+$0x0] =	vst v0  }
0x2b: {  	[tilespmem:s5+$0x10] =	vst v0;
	_ =	sdelay $0x1  }
0x2c: {  	s5 =	sshra.s32 s28, $0x2  }
0x2d: {  	[tilespmem:s5+$0x30] =	vst v0  }
0x2e: {  	[tilespmem:s5+$0x20] =	vst v0  }
0x2f: {  	[tilespmem:s5+$0x0] =	vst v0  }
0x30: {  	[tilespmem:s5+$0x10] =	vst v0;
	s12 =	simm.s32 $0x0;
	s7 =	simm.s32 $0x11  }
0x31: {  	[spmem:s30] =	stream.linear.scatter [tilespmem:s12], [sflag:$0x11], $0x2000, $0x38;
	[tilespmem:$0x1C440] =	vst v63  }
0x32: {  	_ =	swait.ge [sflag:s7], $0x2000  }
0x33: {  	[sflag:s7] =	ssyncset.done $0x0  }
0x34: {  	[sflag:s7] =	ssyncadd.s32 $0xFFFFE000  }
0x35: {  	[spmem:s8] =	stream.linear.scatter [tilespmem:s12], [sflag:$0x11], $0x2000, $0x38;
	[tilespmem:$0x1C440] =	vst v63  }
0x36: {  	_ =	swait.ge [sflag:s7], $0x2000  }
0x37: {  	[sflag:s7] =	ssyncset.done $0x0  }
0x38: {  	[sflag:s7] =	ssyncadd.s32 $0xFFFFE000  }
0x39: {  	[spmem:s11] =	stream.linear.scatter [tilespmem:s12], [sflag:$0x11], $0x2000, $0x38;
	[tilespmem:$0x1C440] =	vst v63  }
0x3a: {  	_ =	swait.ge [sflag:s7], $0x2000  }
0x3b: {  	[sflag:s7] =	ssyncset.done $0x0  }
0x3c: {  	[sflag:s7] =	ssyncadd.s32 $0xFFFFE000  }
0x3d: {  	[spmem:s31] =	stream.linear.scatter [tilespmem:s12], [sflag:$0x11], $0x2000, $0x38;
	[tilespmem:$0x1C440] =	vst v63  }
0x3e: {  	_ =	swait.ge [sflag:s7], $0x2000  }
0x3f: {  	[sflag:s7] =	ssyncset.done $0x0  }
0x40: {  	s1 =	rddreg [dreg:$0x15];
	[sflag:s7] =	ssyncadd.s32 $0xFFFFE000  }
0x41: {  	[spmem:s1] =	stream.linear.scatter [tilespmem:s12], [sflag:$0x11], $0x2000, $0x38;
	[tilespmem:$0x1C440] =	vst v63  }
0x42: {  	_ =	swait.ge [sflag:s7], $0x2000  }
0x43: {  	[sflag:s7] =	ssyncset.done $0x0  }
0x44: {  	[sflag:s7] =	ssyncadd.s32 $0xFFFFE000  }
0x45: {  	[bflag:$0x0] =	sbarrier.arrive $0xFFFF  }
0x46: {  	s14 =	simm.s32 $0x8000;
	s13 =	rddreg [dreg:$0x5]  }
0x47: {  	[tilespmem:s14], [sflag:$0x9] =	stream.linear.gather [hbm4b:s13+s12], $0x80, $0x38;
	[tilespmem:$0x1C440] =	vst v63  }
0x48: {  	s11 =	simm.s32 $0x8200;
	s19 =	rddreg [dreg:$0x6]  }
0x49: {  	[tilespmem:s11], [sflag:$0xD] =	stream.linear.gather [hbm4b:s19+s12], $0x80, $0x38;
	[tilespmem:$0x1C440] =	vst v63  }
0x4a: {  	s22 =	simm.s32 $0x8080;
	s20 =	rddreg [dreg:$0x7]  }
0x4b: {  	[tilespmem:s22], [sflag:$0xA] =	stream.linear.gather [hbm4b:s20+s12], $0x80, $0x38;
	[tilespmem:$0x1C440] =	vst v63  }
0x4c: {  	s15 =	simm.s32 $0x8280;
	s30 =	simm.s32 $0x9;
	s28 =	rddreg [dreg:$0x8]  }
0x4d: {  	[tilespmem:s15], [sflag:$0xE] =	stream.linear.gather [hbm4b:s28+s12], $0x80, $0x38;
	[tilespmem:$0x1C440] =	vst v63  }
0x4e: {  	_ =	swait.ge [sflag:s30], $0x80  }
0x4f: {  	[sflag:s30] =	ssyncset.done $0x0  }
0x50: {  	s0 =	simm.s32 $0xD;
	[sflag:s30] =	ssyncadd.s32 $0xFFFFFF80  }
0x51: {  	_ =	swait.ge [sflag:s0], $0x80  }
0x52: {  	p0 =	por $0x1, $0x1;
	[sflag:s0] =	ssyncset.done $0x0  }
0x53: {  	s5 =	simm.s32 @!p0 $0x7;
	[sflag:s0] =	ssyncadd.s32 $0xFFFFFF80  }
0x54: {  	[tilespmem:s12], [sflag:$0x1] =	stream.indirect.gather [spmem:s3], $0x40, s14, s6, $0xb8;
	[tilespmem:$0x1C440] =	vst v63  }
0x55: {  	_ =	swait.ge @!p0 [sflag:s5], $0x2000  }
0x56: {  	s7 =	sadd.s32 $0x0, s17;
	s19 =	sadd.s32 $0x0, s2;
	[sflag:s5] =	ssyncset.done @!p0 $0x0  }
0x57: {  	s13 =	simm.s32 $0x8100;
	s28 =	sadd.s32 $0x20, s19;
	[sflag:s5] =	ssyncadd.s32 @!p0 $0xFFFFE000  }
0x58: {  	[tilespmem:s13], [sflag:$0xB] =	stream.linear.gather [hbm4b:s28+s4], $0x80, $0x38;
	[tilespmem:$0x1C440] =	vst v63  }
0x59: {  	s10 =	simm.s32 $0xA;
	s0 =	simm.s32 $0x8300;
	s12 =	sadd.s32 $0x20, s7  }
0x5a: {  	[tilespmem:s0], [sflag:$0xF] =	stream.linear.gather [hbm4b:s12+s4], $0x80, $0x38;
	[tilespmem:$0x1C440] =	vst v63  }
0x5b: {  	_ =	swait.ge [sflag:s10], $0x80  }
0x5c: {  	[sflag:s10] =	ssyncset.done $0x0  }
0x5d: {  	s12 =	simm.s32 $0xE;
	[sflag:s10] =	ssyncadd.s32 $0xFFFFFF80  }
0x5e: {  	_ =	swait.ge [sflag:s12], $0x80  }
0x5f: {  	[sflag:s12] =	ssyncset.done $0x0  }
0x60: {  	s20 =	simm.s32 $0x2000;
	[sflag:s12] =	ssyncadd.s32 $0xFFFFFF80  }
0x61: {  	[tilespmem:s20], [sflag:$0x2] =	stream.indirect.gather [spmem:s3], $0x40, s22, s6, $0xb8;
	[tilespmem:$0x1C440] =	vst v63  }
0x62: {  	_ =	swait.ge [sflag:s9], $0x2000  }
0x63: {  	[sflag:s9] =	ssyncset.done $0x0  }
0x64: {  	s5 =	simm.s32 @!p0 $0x8;
	[sflag:s9] =	ssyncadd.s32 $0xFFFFE000  }
0x65: {  	[spmem:s18] =	stream.indirect.scatter.add.f32 [tilespmem:s4], [sflag:$0x5], $0x40, s11, s6, $0xb8;
	[tilespmem:$0x1C440] =	vst v63  }
0x66: {  	_ =	swait.ge @!p0 [sflag:s5], $0x2000  }
0x67: {  	[sflag:s5] =	ssyncset.done @!p0 $0x0  }
0x68: {  	s19 =	sadd.s32 $0x30, s19;
	s14 =	simm.s32 $0x8180;
	[sflag:s5] =	ssyncadd.s32 @!p0 $0xFFFFE000  }
0x69: {  	[tilespmem:s14], [sflag:$0xC] =	stream.linear.gather [hbm4b:s19+s4], $0x80, $0x38;
	[tilespmem:$0x1C440] =	vst v63  }
0x6a: {  	s8 =	simm.s32 $0x8380;
	s19 =	sadd.s32 $0x30, s7  }
0x6b: {  	[tilespmem:s8], [sflag:$0x10] =	stream.linear.gather [hbm4b:s19+s4], $0x80, $0x38;
	[tilespmem:$0x1C440] =	vst v63  }
0x6c: {  	_ =	swait.ge [sflag:s16], $0x80  }
0x6d: {  	[sflag:s16] =	ssyncset.done $0x0  }
0x6e: {  	[sflag:s16] =	ssyncadd.s32 $0xFFFFFF80  }
0x6f: {  	_ =	swait.ge [sflag:s25], $0x80  }
0x70: {  	[sflag:s25] =	ssyncset.done $0x0  }
0x71: {  	s22 =	simm.s32 $0x4000;
	[sflag:s25] =	ssyncadd.s32 $0xFFFFFF80  }
0x72: {  	[tilespmem:s22], [sflag:$0x3] =	stream.indirect.gather [spmem:s3], $0x40, s13, s6, $0xb8;
	[tilespmem:$0x1C440] =	vst v63  }
0x73: {  	_ =	swait.ge [sflag:s26], $0x2000  }
0x74: {  	[sflag:s26] =	ssyncset.done $0x0  }
0x75: {  	[sflag:s26] =	ssyncadd.s32 $0xFFFFE000  }
0x76: {  	[spmem:s18] =	stream.indirect.scatter.add.f32 [tilespmem:s20], [sflag:$0x6], $0x40, s15, s6, $0xb8;
	[tilespmem:$0x1C440] =	vst v63  }
0x77: {  	p0 =	por $0x0, $0x0;
	s20 =	simm.s32 $0x5  }
0x78: {  	s5 =	sadd.s32 @!p0 $0x0, s2;
	_ =	swait.ge [sflag:s20], $0x2000  }
0x79: {  	s31 =	sadd.s32 @!p0 $0x0, s17;
	s28 =	sadd.s32 @!p0 $0x40, s5;
	[sflag:s20] =	ssyncset.done $0x0  }
0x7a: {  	s19 =	simm.s32 @!p0 $0x0;
	s13 =	simm.s32 @!p0 $0x8000;
	[sflag:s20] =	ssyncadd.s32 $0xFFFFE000  }
0x7b: {  	[tilespmem:s13], [sflag:$0x9] =	stream.linear.gather @!p0 [hbm4b:s28+s19], $0x80, $0x38;
	[tilespmem:$0x1C440] =	vst v63  }
0x7c: {  	s30 =	sadd.s32 @!p0 $0x40, s31;
	s28 =	simm.s32 @!p0 $0x8200  }
0x7d: {  	[tilespmem:s28], [sflag:$0xD] =	stream.linear.gather @!p0 [hbm4b:s30+s19], $0x80, $0x38;
	[tilespmem:$0x1C440] =	vst v63  }
0x7e: {  	_ =	swait.ge [sflag:s21], $0x80  }
0x7f: {  	[sflag:s21] =	ssyncset.done $0x0  }
0x80: {  	[sflag:s21] =	ssyncadd.s32 $0xFFFFFF80  }
0x81: {  	_ =	swait.ge [sflag:s23], $0x80  }
0x82: {  	[sflag:s23] =	ssyncset.done $0x0  }
0x83: {  	s30 =	simm.s32 $0x6000;
	[sflag:s23] =	ssyncadd.s32 $0xFFFFFF80  }
0x84: {  	[tilespmem:s30], [sflag:$0x4] =	stream.indirect.gather [spmem:s3], $0x40, s14, s6, $0xb8;
	[tilespmem:$0x1C440] =	vst v63  }
0x85: {  	_ =	swait.ge [sflag:s24], $0x2000  }
0x86: {  	[sflag:s24] =	ssyncset.done $0x0  }
0x87: {  	[sflag:s24] =	ssyncadd.s32 $0xFFFFE000  }
0x88: {  	[spmem:s18] =	stream.indirect.scatter.add.f32 [tilespmem:s22], [sflag:$0x7], $0x40, s0, s6, $0xb8;
	[tilespmem:$0x1C440] =	vst v63  }
0x89: {  	s0 =	simm.s32 $0x6  }
0x8a: {  	_ =	swait.ge [sflag:s0], $0x2000  }
0x8b: {  	[sflag:s0] =	ssyncset.done $0x0  }
0x8c: {  	s5 =	sadd.s32 @!p0 $0x50, s5;
	s28 =	simm.s32 @!p0 $0x8080;
	[sflag:s0] =	ssyncadd.s32 $0xFFFFE000  }
0x8d: {  	[tilespmem:s28], [sflag:$0xA] =	stream.linear.gather @!p0 [hbm4b:s5+s19], $0x80, $0x38;
	[tilespmem:$0x1C440] =	vst v63  }
0x8e: {  	s5 =	sadd.s32 @!p0 $0x50, s31;
	s28 =	simm.s32 @!p0 $0x8280  }
0x8f: {  	[tilespmem:s28], [sflag:$0xE] =	stream.linear.gather @!p0 [hbm4b:s5+s19], $0x80, $0x38;
	[tilespmem:$0x1C440] =	vst v63  }
0x90: {  	s5 =	simm.s32 @!p0 $0x9  }
0x91: {  	_ =	swait.ge @!p0 [sflag:s5], $0x80  }
0x92: {  	[sflag:s5] =	ssyncset.done @!p0 $0x0  }
0x93: {  	[sflag:s5] =	ssyncadd.s32 @!p0 $0xFFFFFF80;
	s5 =	simm.s32 @!p0 $0xD  }
0x94: {  	_ =	swait.ge @!p0 [sflag:s5], $0x80  }
0x95: {  	p1 =	por $0x0, $0x0;
	s14 =	smov.u32 s2;
	[sflag:s5] =	ssyncset.done @!p0 $0x0  }
0x96: {  	s31 =	simm.s32 $0x4;
	[sflag:s5] =	ssyncadd.s32 @!p0 $0xFFFFFF80;
	s5 =	simm.s32 @!p0 $0x80  }
0x97: {  	[tilespmem:s19], [sflag:$0x1] =	stream.indirect.gather @!p0 [spmem:s3], $0x40, s13, s5, $0xb8;
	[tilespmem:$0x1C440] =	vst v63  }
0x98: {  	s19 =	simm.s32 $0x40;
	s5 =	simm.s32 $0x80;
	_ =	swait.ge [sflag:s31], $0x2000  }
.LBB2_4:
0x99: {  	s30 =	simm.s32 @!p1 $0x7  }
0x9a: {  	[sflag:s31] =	ssyncset.done $0x0;
	s28 =	smov.u32 s5;
	s5 =	sadd.s32 $0x40, s5  }
0x9b: {  	p0 =	sne.s32 s5, $0x9C0;
	[sflag:s31] =	ssyncadd.s32 $0xFFFFE000  }
0x9c: {  	[spmem:s18] =	stream.indirect.scatter.add.f32 [tilespmem:s29], [sflag:$0x8], $0x40, s8, s6, $0xb8;
	[tilespmem:$0x1C440] =	vst v63  }
0x9d: {  	s31 =	sadd.s32 s19, s14;
	_ =	swait.ge @!p1 [sflag:s30], $0x2000  }
0x9e: {  	s7 =	sadd.s32 s19, s17;
	s1 =	sadd.s32 $0x20, s31;
	[sflag:s30] =	ssyncset.done @!p1 $0x0  }
0x9f: {  	s15 =	simm.s32 $0x8100;
	[sflag:s30] =	ssyncadd.s32 @!p1 $0xFFFFE000  }
0xa0: {  	[tilespmem:s15], [sflag:$0xB] =	stream.linear.gather [hbm4b:s1+s4], $0x80, $0x38;
	[tilespmem:$0x1C440] =	vst v63  }
0xa1: {  	s22 =	simm.s32 $0x8300;
	s1 =	sadd.s32 $0x20, s7  }
0xa2: {  	[tilespmem:s22], [sflag:$0xF] =	stream.linear.gather [hbm4b:s1+s4], $0x80, $0x38;
	[tilespmem:$0x1C440] =	vst v63  }
0xa3: {  	_ =	swait.ge [sflag:s10], $0x80  }
0xa4: {  	[sflag:s10] =	ssyncset.done $0x0  }
0xa5: {  	[sflag:s10] =	ssyncadd.s32 $0xFFFFFF80  }
0xa6: {  	_ =	swait.ge [sflag:s12], $0x80  }
0xa7: {  	s2 =	smov.u32 s18;
	s9 =	simm.s32 $0x1;
	[sflag:s12] =	ssyncset.done $0x0  }
0xa8: {  	s18 =	simm.s32 $0x2000;
	s1 =	simm.s32 $0x8080;
	[sflag:s12] =	ssyncadd.s32 $0xFFFFFF80  }
0xa9: {  	[tilespmem:s18], [sflag:$0x2] =	stream.indirect.gather [spmem:s3], $0x40, s1, s6, $0xb8;
	[tilespmem:$0x1C440] =	vst v63  }
0xaa: {  	_ =	swait.ge [sflag:s9], $0x2000  }
0xab: {  	s1 =	simm.s32 @!p1 $0x8;
	[sflag:s9] =	ssyncset.done $0x0  }
0xac: {  	[sflag:s9] =	ssyncadd.s32 $0xFFFFE000  }
0xad: {  	[spmem:s2] =	stream.indirect.scatter.add.f32 [tilespmem:s4], [sflag:$0x5], $0x40, s11, s6, $0xb8;
	[tilespmem:$0x1C440] =	vst v63  }
0xae: {  	_ =	swait.ge @!p1 [sflag:s1], $0x2000  }
0xaf: {  	s30 =	sadd.s32 $0x30, s31;
	[sflag:s1] =	ssyncset.done @!p1 $0x0  }
0xb0: {  	s9 =	simm.s32 $0x8180;
	[sflag:s1] =	ssyncadd.s32 @!p1 $0xFFFFE000  }
0xb1: {  	[tilespmem:s9], [sflag:$0xC] =	stream.linear.gather [hbm4b:s30+s4], $0x80, $0x38;
	[tilespmem:$0x1C440] =	vst v63  }
0xb2: {  	s1 =	sadd.s32 $0x30, s7  }
0xb3: {  	[tilespmem:s8], [sflag:$0x10] =	stream.linear.gather [hbm4b:s1+s4], $0x80, $0x38;
	[tilespmem:$0x1C440] =	vst v63  }
0xb4: {  	_ =	swait.ge [sflag:s16], $0x80  }
0xb5: {  	[sflag:s16] =	ssyncset.done $0x0  }
0xb6: {  	[sflag:s16] =	ssyncadd.s32 $0xFFFFFF80  }
0xb7: {  	_ =	swait.ge [sflag:s25], $0x80  }
0xb8: {  	[sflag:s25] =	ssyncset.done $0x0  }
0xb9: {  	s13 =	simm.s32 $0x4000;
	[sflag:s25] =	ssyncadd.s32 $0xFFFFFF80  }
0xba: {  	[tilespmem:s13], [sflag:$0x3] =	stream.indirect.gather [spmem:s3], $0x40, s15, s6, $0xb8;
	[tilespmem:$0x1C440] =	vst v63  }
0xbb: {  	_ =	swait.ge [sflag:s26], $0x2000  }
0xbc: {  	[sflag:s26] =	ssyncset.done $0x0  }
0xbd: {  	p1 =	seq.s32 s19, $0x980;
	s1 =	simm.s32 $0x8280;
	[sflag:s26] =	ssyncadd.s32 $0xFFFFE000  }
0xbe: {  	[spmem:s2] =	stream.indirect.scatter.add.f32 [tilespmem:s18], [sflag:$0x6], $0x40, s1, s6, $0xb8;
	[tilespmem:$0x1C440] =	vst v63  }
0xbf: {  	s18 =	smov.u32 s2  }
0xc0: {  	s30 =	simm.s32 @!p1 $0x0;
	s1 =	sadd.s32 @!p1 s19, s14;
	_ =	swait.ge [sflag:s20], $0x2000  }
0xc1: {  	s31 =	simm.s32 @!p1 $0x8000;
	s7 =	sadd.s32 @!p1 $0x40, s1;
	[sflag:s20] =	ssyncset.done $0x0  }
0xc2: {  	s8 =	simm.s32 @!p1 $0x8200;
	s19 =	sadd.s32 @!p1 s19, s17;
	[sflag:s20] =	ssyncadd.s32 $0xFFFFE000  }
0xc3: {  	[tilespmem:s31], [sflag:$0x9] =	stream.linear.gather @!p1 [hbm4b:s7+s30], $0x80, $0x38;
	[tilespmem:$0x1C440] =	vst v63  }
0xc4: {  	s11 =	sadd.s32 @!p1 $0x50, s19;
	s7 =	sadd.s32 @!p1 $0x40, s19;
	s19 =	smov.u32 s28  }
0xc5: {  	[tilespmem:s8], [sflag:$0xD] =	stream.linear.gather @!p1 [hbm4b:s7+s30], $0x80, $0x38;
	[tilespmem:$0x1C440] =	vst v63  }
0xc6: {  	_ =	swait.ge [sflag:s21], $0x80  }
0xc7: {  	[sflag:s21] =	ssyncset.done $0x0  }
0xc8: {  	[sflag:s21] =	ssyncadd.s32 $0xFFFFFF80  }
0xc9: {  	_ =	swait.ge [sflag:s23], $0x80  }
0xca: {  	[sflag:s23] =	ssyncset.done $0x0  }
0xcb: {  	[sflag:s23] =	ssyncadd.s32 $0xFFFFFF80  }
0xcc: {  	[tilespmem:s29], [sflag:$0x4] =	stream.indirect.gather [spmem:s3], $0x40, s9, s6, $0xb8;
	[tilespmem:$0x1C440] =	vst v63  }
0xcd: {  	_ =	swait.ge [sflag:s24], $0x2000  }
0xce: {  	[sflag:s24] =	ssyncset.done $0x0  }
0xcf: {  	[sflag:s24] =	ssyncadd.s32 $0xFFFFE000  }
0xd0: {  	[spmem:s2] =	stream.indirect.scatter.add.f32 [tilespmem:s13], [sflag:$0x7], $0x40, s22, s6, $0xb8;
	[tilespmem:$0x1C440] =	vst v63  }
0xd1: {  	_ =	swait.ge [sflag:s0], $0x2000  }
0xd2: {  	s1 =	sadd.s32 @!p1 $0x50, s1;
	s7 =	simm.s32 @!p1 $0x8080;
	[sflag:s0] =	ssyncset.done $0x0  }
0xd3: {  	s8 =	simm.s32 @!p1 $0x8280;
	[sflag:s0] =	ssyncadd.s32 $0xFFFFE000  }
0xd4: {  	[tilespmem:s7], [sflag:$0xA] =	stream.linear.gather @!p1 [hbm4b:s1+s30], $0x80, $0x38;
	[tilespmem:$0x1C440] =	vst v63  }
0xd5: {  	s1 =	simm.s32 @!p1 $0x9  }
0xd6: {  	[tilespmem:s8], [sflag:$0xE] =	stream.linear.gather @!p1 [hbm4b:s11+s30], $0x80, $0x38;
	[tilespmem:$0x1C440] =	vst v63  }
0xd7: {  	s8 =	simm.s32 $0x8380;
	s11 =	simm.s32 $0x8200  }
0xd8: {  	_ =	swait.ge @!p1 [sflag:s1], $0x80  }
0xd9: {  	s7 =	simm.s32 @!p1 $0xD;
	[sflag:s1] =	ssyncset.done @!p1 $0x0  }
0xda: {  	[sflag:s1] =	ssyncadd.s32 @!p1 $0xFFFFFF80  }
0xdb: {  	_ =	swait.ge @!p1 [sflag:s7], $0x80  }
.Ltmp1:
0xdc: {  	s1 =	simm.s32 @!p1 $0x80;
	[sflag:s7] =	ssyncset.done @!p1 $0x0;
	(pc) =	sbr.rel @p0 .LBB2_4-.Ltmp1, $4  }
0xdd: {  	[sflag:s7] =	ssyncadd.s32 @!p1 $0xFFFFFF80  }
0xde: {  	[tilespmem:s30], [sflag:$0x1] =	stream.indirect.gather @!p1 [spmem:s3], $0x40, s31, s1, $0xb8;
	[tilespmem:$0x1C440] =	vst v63  }
0xdf: {  	s31 =	simm.s32 $0x4  }
0xe0: {  	p1 =	seq.s32 s19, $0x0;
	_ =	swait.ge [sflag:s31], $0x2000  }
0xe1: {  	[sflag:s31] =	ssyncset.done $0x0  }
0xe2: {  	s1 =	simm.s32 @!p1 $0x7;
	s15 =	simm.s32 $0x6000;
	[sflag:s31] =	ssyncadd.s32 $0xFFFFE000  }
0xe3: {  	[spmem:s18] =	stream.indirect.scatter.add.f32 [tilespmem:s15], [sflag:$0x8], $0x40, s8, s6, $0xb8;
	[tilespmem:$0x1C440] =	vst v63  }
0xe4: {  	_ =	swait.ge @!p1 [sflag:s1], $0x2000  }
0xe5: {  	s5 =	sadd.s32 s19, s14;
	s13 =	simm.s32 $0x8100;
	[sflag:s1] =	ssyncset.done @!p1 $0x0  }
0xe6: {  	s7 =	sadd.s32 $0x20, s5;
	s18 =	sadd.s32 s19, s17;
	[sflag:s1] =	ssyncadd.s32 @!p1 $0xFFFFE000  }
0xe7: {  	[tilespmem:s13], [sflag:$0xB] =	stream.linear.gather [hbm4b:s7+s4], $0x80, $0x38;
	[tilespmem:$0x1C440] =	vst v63  }
0xe8: {  	s22 =	simm.s32 $0x8300;
	s9 =	sadd.s32 $0x20, s18  }
0xe9: {  	[tilespmem:s22], [sflag:$0xF] =	stream.linear.gather [hbm4b:s9+s4], $0x80, $0x38;
	[tilespmem:$0x1C440] =	vst v63  }
0xea: {  	_ =	swait.ge [sflag:s10], $0x80  }
0xeb: {  	[sflag:s10] =	ssyncset.done $0x0  }
0xec: {  	[sflag:s10] =	ssyncadd.s32 $0xFFFFFF80  }
0xed: {  	_ =	swait.ge [sflag:s12], $0x80  }
0xee: {  	[sflag:s12] =	ssyncset.done $0x0  }
0xef: {  	s7 =	simm.s32 $0x2000;
	[sflag:s12] =	ssyncadd.s32 $0xFFFFFF80;
	s12 =	simm.s32 $0x8080  }
0xf0: {  	[tilespmem:s7], [sflag:$0x2] =	stream.indirect.gather [spmem:s3], $0x40, s12, s6, $0xb8;
	[tilespmem:$0x1C440] =	vst v63  }
0xf1: {  	s12 =	simm.s32 $0x1  }
0xf2: {  	_ =	swait.ge [sflag:s12], $0x2000  }
0xf3: {  	[sflag:s12] =	ssyncset.done $0x0  }
0xf4: {  	s1 =	simm.s32 @!p1 $0x8;
	[sflag:s12] =	ssyncadd.s32 $0xFFFFE000  }
0xf5: {  	[spmem:s2] =	stream.indirect.scatter.add.f32 [tilespmem:s4], [sflag:$0x5], $0x40, s11, s6, $0xb8;
	[tilespmem:$0x1C440] =	vst v63  }
0xf6: {  	_ =	swait.ge @!p1 [sflag:s1], $0x2000  }
0xf7: {  	[sflag:s1] =	ssyncset.done @!p1 $0x0  }
0xf8: {  	s5 =	sadd.s32 $0x30, s5;
	s9 =	simm.s32 $0x8180;
	[sflag:s1] =	ssyncadd.s32 @!p1 $0xFFFFE000  }
0xf9: {  	[tilespmem:s9], [sflag:$0xC] =	stream.linear.gather [hbm4b:s5+s4], $0x80, $0x38;
	[tilespmem:$0x1C440] =	vst v63  }
0xfa: {  	s28 =	simm.s32 $0x8380;
	s18 =	sadd.s32 $0x30, s18  }
0xfb: {  	[tilespmem:s28], [sflag:$0x10] =	stream.linear.gather [hbm4b:s18+s4], $0x80, $0x38;
	[tilespmem:$0x1C440] =	vst v63  }
0xfc: {  	_ =	swait.ge [sflag:s16], $0x80  }
0xfd: {  	[sflag:s16] =	ssyncset.done $0x0  }
0xfe: {  	[sflag:s16] =	ssyncadd.s32 $0xFFFFFF80  }
0xff: {  	_ =	swait.ge [sflag:s25], $0x80  }
0x100: {  	[sflag:s25] =	ssyncset.done $0x0  }
0x101: {  	s10 =	simm.s32 $0x4000;
	[sflag:s25] =	ssyncadd.s32 $0xFFFFFF80  }
0x102: {  	[tilespmem:s10], [sflag:$0x3] =	stream.indirect.gather [spmem:s3], $0x40, s13, s6, $0xb8;
	[tilespmem:$0x1C440] =	vst v63  }
0x103: {  	_ =	swait.ge [sflag:s26], $0x2000  }
0x104: {  	[sflag:s26] =	ssyncset.done $0x0  }
0x105: {  	p0 =	seq.s32 s19, $0x980;
	s5 =	simm.s32 $0x8280;
	[sflag:s26] =	ssyncadd.s32 $0xFFFFE000  }
0x106: {  	[spmem:s2] =	stream.indirect.scatter.add.f32 [tilespmem:s7], [sflag:$0x6], $0x40, s5, s6, $0xb8;
	[tilespmem:$0x1C440] =	vst v63  }
0x107: {  	s8 =	simm.s32 @!p0 $0x8000;
	_ =	swait.ge [sflag:s20], $0x2000  }
0x108: {  	s11 =	sadd.s32 @!p0 s19, s17;
	s1 =	sadd.s32 @!p0 s19, s14;
	[sflag:s20] =	ssyncset.done $0x0  }
0x109: {  	s5 =	simm.s32 @!p0 $0x0;
	s7 =	sadd.s32 @!p0 $0x40, s1;
	[sflag:s20] =	ssyncadd.s32 $0xFFFFE000  }
0x10a: {  	[tilespmem:s8], [sflag:$0x9] =	stream.linear.gather @!p0 [hbm4b:s7+s5], $0x80, $0x38;
	[tilespmem:$0x1C440] =	vst v63  }
0x10b: {  	s19 =	sadd.s32 @!p0 $0x40, s11;
	s7 =	simm.s32 @!p0 $0x8200  }
0x10c: {  	[tilespmem:s7], [sflag:$0xD] =	stream.linear.gather @!p0 [hbm4b:s19+s5], $0x80, $0x38;
	[tilespmem:$0x1C440] =	vst v63  }
0x10d: {  	_ =	swait.ge [sflag:s21], $0x80  }
0x10e: {  	[sflag:s21] =	ssyncset.done $0x0  }
0x10f: {  	[sflag:s21] =	ssyncadd.s32 $0xFFFFFF80  }
0x110: {  	_ =	swait.ge [sflag:s23], $0x80  }
0x111: {  	[sflag:s23] =	ssyncset.done $0x0  }
0x112: {  	[sflag:s23] =	ssyncadd.s32 $0xFFFFFF80  }
0x113: {  	[tilespmem:s15], [sflag:$0x4] =	stream.indirect.gather [spmem:s3], $0x40, s9, s6, $0xb8;
	[tilespmem:$0x1C440] =	vst v63  }
0x114: {  	_ =	swait.ge [sflag:s24], $0x2000  }
0x115: {  	[sflag:s24] =	ssyncset.done $0x0  }
0x116: {  	[sflag:s24] =	ssyncadd.s32 $0xFFFFE000  }
0x117: {  	[spmem:s2] =	stream.indirect.scatter.add.f32 [tilespmem:s10], [sflag:$0x7], $0x40, s22, s6, $0xb8;
	[tilespmem:$0x1C440] =	vst v63  }
0x118: {  	_ =	swait.ge [sflag:s0], $0x2000  }
0x119: {  	[sflag:s0] =	ssyncset.done $0x0  }
0x11a: {  	s1 =	sadd.s32 @!p0 $0x50, s1;
	s7 =	simm.s32 @!p0 $0x8080;
	[sflag:s0] =	ssyncadd.s32 $0xFFFFE000  }
0x11b: {  	[tilespmem:s7], [sflag:$0xA] =	stream.linear.gather @!p0 [hbm4b:s1+s5], $0x80, $0x38;
	[tilespmem:$0x1C440] =	vst v63  }
0x11c: {  	s1 =	sadd.s32 @!p0 $0x50, s11;
	s7 =	simm.s32 @!p0 $0x8280  }
0x11d: {  	[tilespmem:s7], [sflag:$0xE] =	stream.linear.gather @!p0 [hbm4b:s1+s5], $0x80, $0x38;
	[tilespmem:$0x1C440] =	vst v63  }
0x11e: {  	s1 =	simm.s32 @!p0 $0x9  }
0x11f: {  	_ =	swait.ge @!p0 [sflag:s1], $0x80  }
0x120: {  	[sflag:s1] =	ssyncset.done @!p0 $0x0  }
0x121: {  	[sflag:s1] =	ssyncadd.s32 @!p0 $0xFFFFFF80;
	s1 =	simm.s32 @!p0 $0xD  }
0x122: {  	_ =	swait.ge @!p0 [sflag:s1], $0x80  }
0x123: {  	[sflag:s1] =	ssyncset.done @!p0 $0x0  }
0x124: {  	[sflag:s1] =	ssyncadd.s32 @!p0 $0xFFFFFF80;
	s1 =	simm.s32 @!p0 $0x80  }
0x125: {  	[tilespmem:s5], [sflag:$0x1] =	stream.indirect.gather @!p0 [spmem:s3], $0x40, s8, s1, $0xb8;
	[tilespmem:$0x1C440] =	vst v63  }
0x126: {  	_ =	swait.ge [sflag:s31], $0x2000  }
0x127: {  	[sflag:s31] =	ssyncset.done $0x0  }
0x128: {  	s7 =	simm.s32 $0x7;
	[sflag:s31] =	ssyncadd.s32 $0xFFFFE000  }
0x129: {  	[spmem:s2] =	stream.indirect.scatter.add.f32 [tilespmem:s15], [sflag:$0x8], $0x40, s28, s6, $0xb8;
	[tilespmem:$0x1C440] =	vst v63  }
0x12a: {  	_ =	swait.ge [sflag:s7], $0x2000  }
0x12b: {  	[sflag:s7] =	ssyncset.done $0x0  }
0x12c: {  	s8 =	simm.s32 $0x8;
	[sflag:s7] =	ssyncadd.s32 $0xFFFFE000  }
0x12d: {  	_ =	swait.ge [sflag:s8], $0x2000  }
0x12e: {  	[sflag:s8] =	ssyncset.done $0x0  }
0x12f: {  	s10 =	simm.s32 $0x1C400;
	s9 =	rddreg [dreg:$0xe];
	[sflag:s8] =	ssyncadd.s32 $0xFFFFE000  }
0x130: {  	[tilespmem:s10], [sflag:$0x9] =	stream.linear.gather [hbm4b:s9+s4], $0x20, $0x38;
	[tilespmem:$0x1C440] =	vst v63  }
0x131: {  	s13 =	simm.s32 $0x1C420;
	s15 =	simm.s32 $0x9;
	s11 =	rddreg [dreg:$0xf]  }
0x132: {  	[tilespmem:s13], [sflag:$0xD] =	stream.linear.gather [hbm4b:s11+s4], $0x20, $0x38;
	[tilespmem:$0x1C440] =	vst v63  }
0x133: {  	_ =	swait.ge [sflag:s15], $0x20  }
0x134: {  	[sflag:s15] =	ssyncset.done $0x0  }
0x135: {  	s19 =	simm.s32 $0xD;
	[sflag:s15] =	ssyncadd.s32 $0xFFFFFFE0  }
0x136: {  	_ =	swait.ge [sflag:s19], $0x20  }
0x137: {  	[sflag:s19] =	ssyncset.done $0x0  }
0x138: {  	s20 =	simm.s32 $0x20;
	[sflag:s19] =	ssyncadd.s32 $0xFFFFFFE0  }
0x139: {  	[tilespmem:s4], [sflag:$0x1] =	stream.indirect.gather [spmem:s3], $0x40, s10, s20, $0xb8;
	[tilespmem:$0x1C440] =	vst v63  }
0x13a: {  	_ =	swait.ge [sflag:s12], $0x800  }
0x13b: {  	[sflag:s12] =	ssyncset.done $0x0  }
0x13c: {  	s19 =	simm.s32 $0x11;
	[sflag:s12] =	ssyncadd.s32 $0xFFFFF800  }
0x13d: {  	[spmem:s2] =	stream.indirect.scatter.add.f32 [tilespmem:s4], [sflag:$0x11], $0x40, s13, s20, $0xb8;
	[tilespmem:$0x1C440] =	vst v63  }
0x13e: {  	_ =	swait.ge [sflag:s19], $0x800  }
0x13f: {  	[sflag:s19] =	ssyncset.done $0x0  }
0x140: {  	[sflag:s19] =	ssyncadd.s32 $0xFFFFF800  }
0x141: {  	[bflag:$0x0] =	sbarrier.arrive $0xFFFF  }
0x142: {  	s30 =	rddreg [dreg:$0x11]  }
0x143: {  	s28 =	rddreg [dreg:$0x9]  }
0x144: {  	s7 =	rddreg [dreg:$0x10];
	s22 =	sshrl.u32 s30, $0x3  }
0x145: {  	[hbm:s28], [sflag:s7] =	dma.local [spmem:s22], $0x400  }
0x146: {  	_ =	swait.ge [sflag:s19], $0x400  }
0x147: {  	s18 =	smov.u32 s2;
	[sflag:s19] =	ssyncset.done $0x0;
	s8 =	rddreg [dreg:$0x12]  }
0x148: {  	s2 =	rddreg [dreg:$0xa];
	[sflag:s19] =	ssyncadd.s32 $0xFFFFFC00;
	s0 =	sshrl.u32 s8, $0x3  }
0x149: {  	[hbm:s2], [sflag:s7] =	dma.local [spmem:s0], $0x400  }
0x14a: {  	_ =	swait.ge [sflag:s19], $0x400  }
0x14b: {  	[sflag:s19] =	ssyncset.done $0x0;
	s11 =	rddreg [dreg:$0x13]  }
0x14c: {  	s10 =	rddreg [dreg:$0xb];
	[sflag:s19] =	ssyncadd.s32 $0xFFFFFC00;
	s9 =	sshrl.u32 s11, $0x3  }
0x14d: {  	[hbm:s10], [sflag:s7] =	dma.local [spmem:s9], $0x400  }
0x14e: {  	_ =	swait.ge [sflag:s19], $0x400  }
0x14f: {  	[sflag:s19] =	ssyncset.done $0x0;
	s31 =	rddreg [dreg:$0x14]  }
0x150: {  	s13 =	rddreg [dreg:$0xc];
	[sflag:s19] =	ssyncadd.s32 $0xFFFFFC00;
	s12 =	sshrl.u32 s31, $0x3  }
0x151: {  	[hbm:s13], [sflag:s7] =	dma.local [spmem:s12], $0x400  }
0x152: {  	_ =	swait.ge [sflag:s19], $0x400  }
0x153: {  	[sflag:s19] =	ssyncset.done $0x0;
	s15 =	rddreg [dreg:$0x15]  }
0x154: {  	s20 =	rddreg [dreg:$0xd];
	[sflag:s19] =	ssyncadd.s32 $0xFFFFFC00;
	s1 =	sshrl.u32 s15, $0x3  }
0x155: {  	[hbm:s20], [sflag:s7] =	dma.local [spmem:s1], $0x400  }
0x156: {  	_ =	swait.ge [sflag:s19], $0x400  }
0x157: {  	s22 =	rddreg [dreg:$0x18]  }
0x158: {  	s28 =	rddreg [dreg:$0x16];
	s0 =	sadd.s32 $0x1, s22  }
0x159: {  	p0 =	sne.s32 s0, s28  }
.Ltmp2:
0x15a: {  	_ = 	snop;
	(pc) =	sbr.rel @p0 .LBB2_1-.Ltmp2, $3  }
0x15b: {  	_ =	sdelay $0x1  }
0x15c: {  	[sflag:s19] =	ssyncset.done $0x0  }
0x15d: {  	s2 =	smov.u32 s14;
	s9 =	simm.s32 $0x1;
	[sflag:s19] =	ssyncadd.s32 $0xFFFFFC00  }
0x15e: {  	_ =	sfence.sel $0x180000  }
0x15f: {  	[bflag:$0x0] =	sbarrier.arrive $0xFFFF  }
0x160: {  	_ =	strace $0x9000004A  }
0x161: {  	s0 =	stileid.u32;
	[bflag:$0x2] =	sbarrier.arrive $0xFFFF  }
0x162: {  	p0 =	sne.s32 s0, $0x0;
	s0 =	rddreg [dreg:$0x3]  }
0x163: {  	s0 =	sadd.s32 @!p0 $0x100000, s0  }
0x164: {  	[sflag:s0] =	ssyncadd.tile.s32 @!p0 $0x1;
	_ =	shalt  }
.Lfunc_end2:
_tile_overlayer_lowered:
.L_overlay_start_2:
0x165: {  	(tag) =	ssettag $0x2  }
0x166: {  	s0 =	rddreg [dreg:$0x0];
	s2 =	stileid.u32  }
0x167: {  	s1 =	rddreg [dreg:$0x1];
	p0 =	sne.s32 s2, $0x0  }
0x168: {  	s3 =	rddreg [dreg:$0x2];
	[bflag:$0x3] =	sbarrier.arrive $0xFFFF;
	s2 =	simm.s32 @!p0 $0x1C11  }
0x169: {  	[timem:s3], [sflag:s2] =	dma.local @!p0 [hbm:s0], s1  }
0x16a: {  	s0 =	simm.s32 @!p0 $0x11  }
0x16b: {  	_ =	swait.ge @!p0 [sflag:s0], s1  }
0x16c: {  	s1 =	ssub.s32 @!p0 $0x0, s1;
	[sflag:s0] =	ssyncset.done @!p0 $0x0  }
0x16d: {  	[sflag:s0] =	ssyncadd.s32 @!p0 s1  }
0x16e: {  	[bflag:$0x3] =	sbarrier.arrive $0xFFFF  }
0x16f: {  	_ =	shalt  }

// kernel: kernel.14.cloned.1.call-start
scs
__scs_entry_jumppad:
0x0: {  	(pc) =	sbr.rel $0x88, $3  }
0x1: {  	(tag) =	ssettag $0x0;
	lr =	simm.s32 $0x1  }
0x2: {  	[smem:$0x3F98] =	sst lr;
	_ =	strace $0xD0000000  }
0x3: {  	_ = 	snop  }
0x4: {  	_ = 	snop  }
0x5: {  	_ = 	snop  }
0x6: {  	_ = 	snop  }
0x7: {  	_ = 	snop  }
__scs_overlays_trampoline_lowered:
0x8: {  	[smem:$0x3FA7] =	sst s0  }
0x9: {  	[smem:$0x3FA8] =	sst s1  }
0xa: {  	[smem:$0x3FA9] =	sst s2  }
0xb: {  	[smem:$0x3FAA] =	sst s3  }
0xc: {  	[smem:$0x3FAB] =	sst s4  }
0xd: {  	[smem:$0x3FAC] =	sst s5  }
0xe: {  	[smem:$0x3FAD] =	sst s6  }
0xf: {  	[smem:$0x3FAE] =	sst s7  }
0x10: {  	[smem:$0x3FAF] =	sst s8  }
0x11: {  	[smem:$0x3FB0] =	sst s9;
	s0 =	simm.s32 @!p0 $0x0  }
0x12: {  	s1 =	sld [smem:$0x3F96];
	s0 =	simm.s32 @p0 $0x1  }
0x13: {  	[smem:$0x3FB1] =	sst s0;
	s0 =	simm.s32 @!p1 $0x0  }
0x14: {  	s2 =	sld [smem:$0x3F95];
	s0 =	simm.s32 @p1 $0x1  }
0x15: {  	[smem:$0x3FB2] =	sst s0;
	s0 =	simm.s32 @!p2 $0x0  }
0x16: {  	s3 =	sld [smem:$0x3FDB];
	s0 =	simm.s32 @p2 $0x1  }
0x17: {  	s4 =	simm.s32 $0x1BF5;
	[smem:$0x3FB4] =	sst s0  }
0x18: {  	s0 =	sld [smem:$0x3F97];
	_ =	swait.ge [sflag:s4], $0x0  }
0x19: {  	s7 =	sld [smem:$0x3F98]  }
0x1a: {  	s8 =	sadd.s32 $0xFFFFE003, lr  }
0x1b: {  	s9 =	sadd.s32 $0xFFFFFEF7, lr;
	s5 =	simm.s32 $0xFFFFFFFF;
	p2 =	slt.u32 s8, $0xFFFFF086  }
0x1c: {  	p1 =	slt.u32 s9, $0xF7A;
	s5 =	simm.s32 @!p2 $0x0  }
0x1d: {  	s5 =	simm.s32 @p1 $0x1;
	p0 =	seq.s32 s7, s2  }
0x1e: {  	s7 =	smul.u32 @!p0 $0xF7A, s2;
	p2 =	seq.s32 @!p0 s5, $0x0  }
0x1f: {  	s9 =	smul.u32 $0xF7A, s1;
	s8 =	simm.s32 @!p0 $0x1BF5;
	p2 =	por !p2, p0  }
0x20: {  	[sflag:s8] =	ssyncset.s32 @!p0 $0xFFFFF086;
	s6 =	sadd.s32 @!p0 s3, s7;
	s7 =	simm.s32 @!p0 $0x108  }
0x21: {  	s3 =	sadd.s32 s3, s9;
	s6 =	sadd.s32 @!p0 $0x88, s6;
	s7 =	simm.s32 @p2 $0x1082  }
0x22: {  	[simem:s7], [sflag:s8] =	dma.local @!p0 [hbm:s6], $0xF7A  }
0x23: {  	s9 =	sor.u32 $0xD0000000, s2;
	s6 =	simm.s32 $0x108;
	_ =	swait.ge @!p0 [sflag:s8], $0x0  }
0x24: {  	s3 =	sadd.s32 $0x88, s3;
	s6 =	simm.s32 @!p1 $0x1082;
	[sflag:s4] =	ssyncset.s32 $0xFFFFF086  }
0x25: {  	[simem:s6], [sflag:s4] =	dma.local [hbm:s3], $0xF7A  }
0x26: {  	[smem:$0x3F98] =	sst s1;
	(tag) =	ssettag s2;
	_ =	strace s9  }
0x27: {  	s1 =	sld [smem:$0x3FA8]  }
0x28: {  	s2 =	sld [smem:$0x3FA9]  }
0x29: {  	s4 =	sld [smem:$0x3FAB]  }
0x2a: {  	p0 =	seq.s32 s5, $0x0;
	s5 =	sld [smem:$0x3FAC]  }
0x2b: {  	s6 =	sld [smem:$0x3FAD]  }
0x2c: {  	s7 =	sld [smem:$0x3FAE]  }
0x2d: {  	s3 =	simm.s32 $0x108;
	s8 =	sld [smem:$0x3FAF]  }
0x2e: {  	s3 =	simm.s32 @!p0 $0x1082;
	s9 =	sld [smem:$0x3FB0]  }
0x2f: {  	lr =	sadd.s32 s0, s3;
	s0 =	sld [smem:$0x3FA7]  }
0x30: {  	s3 =	sld [smem:$0x3FAA]  }
0x31: {  	[smem:$0x3FB3] =	sst s10  }
0x32: {  	s10 =	sld [smem:$0x3FB1];
	_ =	sdelay $0x3  }
0x33: {  	p0 =	seq.s32 s10, $0x1;
	s10 =	sld [smem:$0x3FB3];
	_ =	sdelay $0x3  }
0x34: {  	[smem:$0x3FB3] =	sst s10  }
0x35: {  	s10 =	sld [smem:$0x3FB2];
	_ =	sdelay $0x3  }
0x36: {  	p1 =	seq.s32 s10, $0x1;
	s10 =	sld [smem:$0x3FB3];
	_ =	sdelay $0x3  }
0x37: {  	[smem:$0x3FB3] =	sst s10  }
0x38: {  	s10 =	sld [smem:$0x3FB4]  }
0x39: {  	_ = 	snop;
	(pc) =	sbr.ind lr, $3  }
0x3a: {  	_ = 	snop  }
0x3b: {  	_ = 	snop  }
0x3c: {  	p2 =	seq.s32 s10, $0x1;
	s10 =	sld [smem:$0x3FB3]  }
0x3d: {  	_ =	shalt  }
0x3e: {  	_ =	shalt  }
0x3f: {  	_ =	shalt  }
0x40: {  	_ =	shalt  }
0x41: {  	_ =	shalt  }
0x42: {  	_ =	shalt  }
0x43: {  	_ =	shalt  }
0x44: {  	_ =	shalt  }
0x45: {  	_ =	shalt  }
0x46: {  	_ =	shalt  }
0x47: {  	_ =	shalt  }
0x48: {  	_ =	shalt  }
0x49: {  	_ =	shalt  }
0x4a: {  	_ =	shalt  }
0x4b: {  	_ =	shalt  }
0x4c: {  	_ =	shalt  }
0x4d: {  	_ =	shalt  }
0x4e: {  	_ =	shalt  }
0x4f: {  	_ =	shalt  }
0x50: {  	_ =	shalt  }
0x51: {  	_ =	shalt  }
0x52: {  	_ =	shalt  }
0x53: {  	_ =	shalt  }
0x54: {  	_ =	shalt  }
0x55: {  	_ =	shalt  }
0x56: {  	_ =	shalt  }
0x57: {  	_ =	shalt  }
0x58: {  	_ =	shalt  }
0x59: {  	_ =	shalt  }
0x5a: {  	_ =	shalt  }
0x5b: {  	_ =	shalt  }
0x5c: {  	_ =	shalt  }
0x5d: {  	_ =	shalt  }
0x5e: {  	_ =	shalt  }
0x5f: {  	_ =	shalt  }
0x60: {  	_ =	shalt  }
0x61: {  	_ =	shalt  }
0x62: {  	_ =	shalt  }
0x63: {  	_ =	shalt  }
0x64: {  	_ =	shalt  }
0x65: {  	_ =	shalt  }
0x66: {  	_ =	shalt  }
0x67: {  	_ =	shalt  }
0x68: {  	_ =	shalt  }
0x69: {  	_ =	shalt  }
0x6a: {  	_ =	shalt  }
0x6b: {  	_ =	shalt  }
0x6c: {  	_ =	shalt  }
0x6d: {  	_ =	shalt  }
0x6e: {  	_ =	shalt  }
0x6f: {  	_ =	shalt  }
0x70: {  	_ =	shalt  }
0x71: {  	_ =	shalt  }
0x72: {  	_ =	shalt  }
0x73: {  	_ =	shalt  }
0x74: {  	_ =	shalt  }
0x75: {  	_ =	shalt  }
0x76: {  	_ =	shalt  }
0x77: {  	_ =	shalt  }
0x78: {  	_ =	shalt  }
0x79: {  	_ =	shalt  }
0x7a: {  	_ =	shalt  }
0x7b: {  	_ =	shalt  }
0x7c: {  	_ =	shalt  }
0x7d: {  	_ =	shalt  }
0x7e: {  	_ =	shalt  }
0x7f: {  	_ =	shalt  }
0x80: {  	_ =	shalt  }
0x81: {  	_ =	shalt  }
0x82: {  	_ =	shalt  }
0x83: {  	_ =	shalt  }
0x84: {  	_ =	shalt  }
0x85: {  	_ =	shalt  }
0x86: {  	_ =	shalt  }
0x87: {  	_ =	shalt  }
.Lfunc_end0:
.L_simem_size_0:
called_computation.2_lowered:
.L_overlay_start_0:
0x88: {  	s2 =	sld [smem:$0x3FD9]  }
0x89: {  	s3 =	sld [smem:$0x3FFE];
	_ =	sdelay $0x1  }
0x8a: {  	s1 =	srdreg.scid  }
0x8b: {  	s0 =	sand.u32 $0x1, s1  }
0x8c: {  	s17 =	sshll.u32 s0, $0xA;
	s2 =	sadd.s32 s3, s2  }
0x8d: {  	s2 =	sadd.s32 s2, s17  }
0x8e: {  	[smem:$0x3FBF] =	sst s2  }
0x8f: {  	_ = 	snop  }
0x90: {  	s2 =	sld [smem:$0x3FD0];
	(tm) =	ssettm $0x1  }
0x91: {  	s18 =	sld [smem:$0x3FFB];
	_ =	sdelay $0x3  }
0x92: {  	_ =	strace s18  }
0x93: {  	s3 =	sld [smem:$0x3FFC];
	_ =	sdelay $0x3  }
0x94: {  	_ =	strace s3  }
0x95: {  	s3 =	sld [smem:$0x3FFD];
	_ =	sdelay $0x3  }
0x96: {  	_ =	strace s3  }
0x97: {  	_ =	strace $0x8FFFFFFF  }
0x98: {  	s19 =	sld [smem:$0x3FDB];
	_ =	sdelay $0x1  }
0x99: {  	s4 =	simm.s32 $_scs_section_size  }
0x9a: {  	s5 =	simm.s32 $_size__tile_overlayer_lowered;
	s6 =	simm.s32 $_tile_overlayer_lowered  }
0x9b: {  	s22 =	simm.s32 $0x1BFF;
	s21 =	sshll.u32 s6, $0x1;
	s3 =	sadd.s32 s4, s19  }
0x9c: {  	s7 =	simm.s32 $0x0;
	s20 =	sshll.u32 s5, $0x1;
	s5 =	sadd.s32 s21, s3  }
0x9d: {  	[timem:s7], [sflag:s22] =	dma.local [hbm:s5], s20  }
0x9e: {  	_ =	swait.ge [sflag:s22], s20  }
0x9f: {  	s4 =	ssub.s32 $0x0, s20;
	[sflag:s22] =	ssyncset.done $0x0  }
0xa0: {  	[sflag:s22] =	ssyncadd.s32 s4;
	_ =	sdelay $0x1  }
0xa1: {  	s23 =	simm.s32 $0x1B8B  }
0xa2: {  	_ =	swait.ge [sflag:s23], $0x1  }
0xa3: {  	[sflag:s23] =	ssyncset.done $0x0  }
0xa4: {  	s25 =	simm.s32 $0x1B8E;
	s24 =	sld [smem:$0x3FFE];
	[sflag:s23] =	ssyncadd.s32 $0xFFFFFFFF  }
0xa5: {  	s26 =	simm.s32 $execute0_lowered;
	[smem:$0x3FD2] =	sst s25  }
0xa6: {  	s5 =	sshll.u32 s26, $0x1;
	_ =	strace $0x8000004C;
	[dreg:$0x1] =	wrdreg $0xFFFFFFFF  }
0xa7: {  	s28 =	simm.s32 $_size_execute0_lowered;
	s3 =	sadd.s32 s3, s5;
	[dreg:$0x0] =	wrdreg $0x0  }
0xa8: {  	s5 =	sshll.u32 s28, $0x1;
	[dreg:$0x2] =	wrdreg s3  }
0xa9: {  	[dreg:$0x3] =	wrdreg s5  }
0xaa: {  	[dreg:$0x4] =	wrdreg $0xC0  }
0xab: {  	_ =	task [dreg:s7], $0x5FFFF  }
0xac: {  	[dreg:$0x1] =	wrdreg $0xFFFFFFFF  }
0xad: {  	[dreg:$0x0] =	wrdreg $0x60  }
0xae: {  	[dreg:$0x2] =	wrdreg s24  }
0xaf: {  	[dreg:$0x3] =	wrdreg s2  }
0xb0: {  	[dreg:$0x4] =	wrdreg $0x29400  }
0xb1: {  	[dreg:$0x5] =	wrdreg $0x9  }
0xb2: {  	_ =	task.clear_ibuf [dreg:s7], $0x6FFFF;
	_ =	strace $0x9000004C  }
0xb3: {  	s29 =	simm.s32 $0x9;
	_ =	strace $0x8000004E  }
0xb4: {  	_ =	swait.ge [sflag:s29], $0x1  }
0xb5: {  	[sflag:s29] =	ssyncadd.s32 $0xFFFFFFFF  }
0xb6: {  	_ =	strace $0x9000004E  }
0xb7: {  	_ =	sfence  }
0xb8: {  	s30 =	sld [smem:$0x0];
	_ =	sdelay $0x2  }
0xb9: {  	s31 =	sshll.u32 s1, $0xD;
	s1 =	sshrl.u32 s1, $0x2  }
0xba: {  	s3 =	sand.u32 $0x4000, s31;
	s1 =	sadd.s32 s1, s30  }
0xbb: {  	s0 =	sor.u32 s3, s0;
	s1 =	sshll.u32 s1, $0x11  }
0xbc: {  	s0 =	sor.u32 s1, s0  }
0xbd: {  	s0 =	sadd.s32 $0x8F2B, s0  }
0xbe: {  	[sflag:s0] =	ssyncadd.remote.s32 $0x1  }
0xbf: {  	_ =	sfence.sel $0xFFFF  }
0xc0: {  	[dreg:$0x0] =	wrdreg $0xFFFFFFFF;
	(pc) =	sbr.abs _section_cstart, $3  }
0xc1: {  	[dreg:$0x1] =	wrdreg $0xFFFFFFFF  }
0xc2: {  	_ =	task.clear_ibuf [dreg:s7], $0x2FFFF;
	_ =	strace $0x9FFFFFFF  }
0xc3: {  	(tm) =	ssettm $0x7FFFFFFF  }
tec
execute0_lowered:
.L_overlay_start_1:
0x0: {  	(tag) =	ssettag $0x1  }
0x1: {  	s12 =	rddreg [dreg:$0x0]  }
0x2: {  	s8 =	rddreg [dreg:$0x1]  }
0x3: {  	s2 =	rddreg [dreg:$0x2];
	s0 =	stileid.u32  }
0x4: {  	s5 =	srdreg.scid;
	s1 =	rddreg [dreg:$0x3]  }
0x5: {  	s3 =	simm.s32 $0x0;
	s4 =	smul.u32 $0x14000, s0;
	s28 =	sand.u32 $0x1, s5  }
0x6: {  	[smem:$0x7FF] =	sst s3;
	s31 =	sshll.u32 s0, $0x6;
	s6 =	sshll.u32 s28, $0x4  }
0x7: {  	_ =	strace $0x8000004D;
	s26 =	sshrl.u32 s4, $0x3;
	s17 =	sor.u32 s0, s6  }
0x8: {  	s30 =	sadd.s32 s4, s2;
	s6 =	simm.s32 $0x3;
	s5 =	sadd.s32 s26, s12  }
0x9: {  	s7 =	sshrl.u32 s30, $0x3;
	s4 =	sadd.s32 $0x1400, s5;
	s5 =	sor.u32 $0x1C03, s31  }
0xa: {  	[spmem:s7], [sflag:s5] =	dma.local [hbm:s4], $0x2800  }
0xb: {  	s9 =	smul.u32 $0x28, s17;
	_ =	swait.ge [sflag:s6], $0x2800  }
0xc: {  	[sflag:s6] =	ssyncset.done $0x0  }
0xd: {  	s8 =	sadd.s32 s8, s9;
	[sflag:s6] =	ssyncadd.s32 $0xFFFFD800  }
0xe: {  	[tilespmem:s3], [sflag:$0x3] =	stream.linear.gather [hbm4b:s8+s3], $0x140, $0x38;
	[tilespmem:$0x16940] =	vst v63  }
0xf: {  	_ =	swait.ge [sflag:s6], $0x140  }
0x10: {  	[sflag:s6] =	ssyncset.done $0x0  }
0x11: {  	s10 =	simm.s32 $0x140;
	[sflag:s6] =	ssyncadd.s32 $0xFFFFFEC0  }
0x12: {  	s11 =	simm.s32 $0x1;
	s9 =	simm.s32 $0x28;
	[bflag:$0x0] =	sbarrier.arrive $0xFFFF  }
0x13: {  	[tilespmem:s10], [sflag:$0x1] =	stream.indirect.gather [spmem:s2], $0x80, s3, s9, $0xb8;
	[tilespmem:$0x16940] =	vst v63  }
0x14: {  	_ =	swait.ge [sflag:s11], $0x1400  }
0x15: {  	s18 =	sadd.s32 $0x29400, s12;
	[sflag:s11] =	ssyncset.done $0x0  }
0x16: {  	s13 =	smul.u32 $0x1400, s17;
	s12 =	simm.s32 $0x1540;
	[sflag:s11] =	ssyncadd.s32 $0xFFFFEC00  }
0x17: {  	[tilespmem:s12], [sflag:$0x2] =	stream.indirect.gather [spmem:s2], $0x80, s9, s9, $0xb8;
	[tilespmem:$0x16940] =	vst v63  }
0x18: {  	s13 =	sadd.s32 s18, s13  }
0x19: {  	[hbm4b:s13+s3] =	stream.linear.scatter [tilespmem:s10], [sflag:$0x3], $0x1400, $0x38;
	[tilespmem:$0x16940] =	vst v63  }
0x1a: {  	_ =	swait.ge [sflag:s6], $0x1400  }
0x1b: {  	[sflag:s6] =	ssyncset.done $0x0  }
0x1c: {  	s14 =	simm.s32 $0x2;
	[sflag:s6] =	ssyncadd.s32 $0xFFFFEC00  }
0x1d: {  	_ =	swait.ge [sflag:s14], $0x1400  }
0x1e: {  	[sflag:s14] =	ssyncset.done $0x0  }
0x1f: {  	s15 =	simm.s32 $0x50;
	[sflag:s14] =	ssyncadd.s32 $0xFFFFEC00  }
0x20: {  	[tilespmem:s10], [sflag:$0x1] =	stream.indirect.gather [spmem:s2], $0x80, s15, s9, $0xb8;
	[tilespmem:$0x16940] =	vst v63  }
0x21: {  	s16 =	sadd.s32 $0x280, s13  }
0x22: {  	[hbm4b:s16+s3] =	stream.linear.scatter [tilespmem:s12], [sflag:$0x3], $0x1400, $0x38;
	[tilespmem:$0x16940] =	vst v63  }
0x23: {  	_ =	swait.ge [sflag:s6], $0x1400  }
0x24: {  	[sflag:s6] =	ssyncset.done $0x0  }
0x25: {  	s17 =	smul.u32 $0xA000, s17;
	[sflag:s6] =	ssyncadd.s32 $0xFFFFEC00  }
0x26: {  	_ =	swait.ge [sflag:s11], $0x1400  }
0x27: {  	s17 =	sshrl.u32 s17, $0x3;
	[sflag:s11] =	ssyncset.done $0x0  }
0x28: {  	s29 =	sadd.s32 s18, s17;
	s17 =	simm.s32 $0x78;
	[sflag:s11] =	ssyncadd.s32 $0xFFFFEC00  }
0x29: {  	[tilespmem:s12], [sflag:$0x2] =	stream.indirect.gather [spmem:s2], $0x80, s17, s9, $0xb8;
	[tilespmem:$0x16940] =	vst v63  }
0x2a: {  	s18 =	sadd.s32 $0x500, s29  }
0x2b: {  	[hbm4b:s18+s3] =	stream.linear.scatter [tilespmem:s10], [sflag:$0x3], $0x1400, $0x38;
	[tilespmem:$0x16940] =	vst v63  }
0x2c: {  	_ =	swait.ge [sflag:s6], $0x1400  }
0x2d: {  	[sflag:s6] =	ssyncset.done $0x0  }
0x2e: {  	[sflag:s6] =	ssyncadd.s32 $0xFFFFEC00  }
0x2f: {  	_ =	swait.ge [sflag:s14], $0x1400  }
0x30: {  	[sflag:s14] =	ssyncset.done $0x0  }
0x31: {  	s19 =	simm.s32 $0xA0;
	[sflag:s14] =	ssyncadd.s32 $0xFFFFEC00  }
0x32: {  	[tilespmem:s10], [sflag:$0x1] =	stream.indirect.gather [spmem:s2], $0x80, s19, s9, $0xb8;
	[tilespmem:$0x16940] =	vst v63  }
0x33: {  	s20 =	sadd.s32 $0x780, s29  }
0x34: {  	[hbm4b:s20+s3] =	stream.linear.scatter [tilespmem:s12], [sflag:$0x3], $0x1400, $0x38;
	[tilespmem:$0x16940] =	vst v63  }
0x35: {  	_ =	swait.ge [sflag:s6], $0x1400  }
0x36: {  	[sflag:s6] =	ssyncset.done $0x0  }
0x37: {  	[sflag:s6] =	ssyncadd.s32 $0xFFFFEC00  }
0x38: {  	_ =	swait.ge [sflag:s11], $0x1400  }
0x39: {  	[sflag:s11] =	ssyncset.done $0x0  }
0x3a: {  	s21 =	simm.s32 $0xC8;
	[sflag:s11] =	ssyncadd.s32 $0xFFFFEC00  }
0x3b: {  	[tilespmem:s12], [sflag:$0x2] =	stream.indirect.gather [spmem:s2], $0x80, s21, s9, $0xb8;
	[tilespmem:$0x16940] =	vst v63  }
0x3c: {  	s22 =	sadd.s32 $0xA00, s29  }
0x3d: {  	[hbm4b:s22+s3] =	stream.linear.scatter [tilespmem:s10], [sflag:$0x3], $0x1400, $0x38;
	[tilespmem:$0x16940] =	vst v63  }
0x3e: {  	_ =	swait.ge [sflag:s6], $0x1400  }
0x3f: {  	[sflag:s6] =	ssyncset.done $0x0  }
0x40: {  	[sflag:s6] =	ssyncadd.s32 $0xFFFFEC00  }
0x41: {  	_ =	swait.ge [sflag:s14], $0x1400  }
0x42: {  	[sflag:s14] =	ssyncset.done $0x0  }
0x43: {  	s23 =	simm.s32 $0xF0;
	[sflag:s14] =	ssyncadd.s32 $0xFFFFEC00  }
0x44: {  	[tilespmem:s10], [sflag:$0x1] =	stream.indirect.gather [spmem:s2], $0x80, s23, s9, $0xb8;
	[tilespmem:$0x16940] =	vst v63  }
0x45: {  	s24 =	sadd.s32 $0xC80, s29  }
0x46: {  	[hbm4b:s24+s3] =	stream.linear.scatter [tilespmem:s12], [sflag:$0x3], $0x1400, $0x38;
	[tilespmem:$0x16940] =	vst v63  }
0x47: {  	_ =	swait.ge [sflag:s6], $0x1400  }
0x48: {  	[sflag:s6] =	ssyncset.done $0x0  }
0x49: {  	[sflag:s6] =	ssyncadd.s32 $0xFFFFEC00  }
0x4a: {  	_ =	swait.ge [sflag:s11], $0x1400  }
0x4b: {  	[sflag:s11] =	ssyncset.done $0x0  }
0x4c: {  	s25 =	simm.s32 $0x118;
	[sflag:s11] =	ssyncadd.s32 $0xFFFFEC00  }
0x4d: {  	[tilespmem:s12], [sflag:$0x2] =	stream.indirect.gather [spmem:s2], $0x80, s25, s9, $0xb8;
	[tilespmem:$0x16940] =	vst v63  }
0x4e: {  	s28 =	ssub.s32 $0x2, s28;
	s26 =	sadd.s32 $0xF00, s29  }
0x4f: {  	[hbm4b:s26+s3] =	stream.linear.scatter [tilespmem:s10], [sflag:$0x3], $0x1400, $0x38;
	[tilespmem:$0x16940] =	vst v63  }
0x50: {  	s30 =	sshrl.u32 s28, $0x1;
	_ =	swait.ge [sflag:s6], $0x1400  }
0x51: {  	s30 =	ssub.s32 s28, s30;
	[sflag:s6] =	ssyncset.done $0x0  }
0x52: {  	s28 =	sadd.s32 $0x1180, s29;
	s29 =	smax.u32 s30, $0x1;
	[sflag:s6] =	ssyncadd.s32 $0xFFFFEC00  }
0x53: {  	p0 =	sne.s32 s29, $0x1;
	_ =	swait.ge [sflag:s14], $0x1400  }
.Ltmp0:
0x54: {  	[sflag:s14] =	ssyncset.done $0x0;
	(pc) =	sbr.rel @!p0 .LBB2_2-.Ltmp0, $4  }
0x55: {  	[sflag:s14] =	ssyncadd.s32 $0xFFFFEC00  }
0x56: {  	[hbm4b:s28+s3] =	stream.linear.scatter [tilespmem:s12], [sflag:$0x3], $0x1400, $0x38;
	[tilespmem:$0x16940] =	vst v63  }
0x57: {  	_ =	swait.ge [sflag:s6], $0x1400  }
0x58: {  	s29 =	sadd.s32 $0xFFFFFFFF, s29;
	[sflag:s6] =	ssyncset.done $0x0  }
.LBB2_1:
0x59: {  	p0 =	sne.s32 s29, $0x1;
	s29 =	sadd.s32 $0xFFFFFFFF, s29;
	[sflag:s6] =	ssyncadd.s32 $0xFFFFEC00  }
0x5a: {  	[spmem:s7], [sflag:s5] =	dma.local [hbm:s4], $0x2800  }
0x5b: {  	_ =	swait.ge [sflag:s6], $0x2800  }
0x5c: {  	[sflag:s6] =	ssyncset.done $0x0  }
0x5d: {  	[sflag:s6] =	ssyncadd.s32 $0xFFFFD800  }
0x5e: {  	[tilespmem:s3], [sflag:$0x3] =	stream.linear.gather [hbm4b:s8+s3], $0x140, $0x38;
	[tilespmem:$0x16940] =	vst v63  }
0x5f: {  	_ =	swait.ge [sflag:s6], $0x140  }
0x60: {  	[sflag:s6] =	ssyncset.done $0x0  }
0x61: {  	[sflag:s6] =	ssyncadd.s32 $0xFFFFFEC0  }
0x62: {  	[bflag:$0x0] =	sbarrier.arrive $0xFFFF  }
0x63: {  	[tilespmem:s10], [sflag:$0x1] =	stream.indirect.gather [spmem:s2], $0x80, s3, s9, $0xb8;
	[tilespmem:$0x16940] =	vst v63  }
0x64: {  	_ =	swait.ge [sflag:s11], $0x1400  }
0x65: {  	[sflag:s11] =	ssyncset.done $0x0  }
0x66: {  	[sflag:s11] =	ssyncadd.s32 $0xFFFFEC00  }
0x67: {  	[tilespmem:s12], [sflag:$0x2] =	stream.indirect.gather [spmem:s2], $0x80, s9, s9, $0xb8;
	[tilespmem:$0x16940] =	vst v63  }
0x68: {  	_ = 	snop  }
0x69: {  	[hbm4b:s13+s3] =	stream.linear.scatter [tilespmem:s10], [sflag:$0x3], $0x1400, $0x38;
	[tilespmem:$0x16940] =	vst v63  }
0x6a: {  	_ =	swait.ge [sflag:s6], $0x1400  }
0x6b: {  	[sflag:s6] =	ssyncset.done $0x0  }
0x6c: {  	[sflag:s6] =	ssyncadd.s32 $0xFFFFEC00  }
0x6d: {  	_ =	swait.ge [sflag:s14], $0x1400  }
0x6e: {  	[sflag:s14] =	ssyncset.done $0x0  }
0x6f: {  	[sflag:s14] =	ssyncadd.s32 $0xFFFFEC00  }
0x70: {  	[tilespmem:s10], [sflag:$0x1] =	stream.indirect.gather [spmem:s2], $0x80, s15, s9, $0xb8;
	[tilespmem:$0x16940] =	vst v63  }
0x71: {  	_ = 	snop  }
0x72: {  	[hbm4b:s16+s3] =	stream.linear.scatter [tilespmem:s12], [sflag:$0x3], $0x1400, $0x38;
	[tilespmem:$0x16940] =	vst v63  }
0x73: {  	_ =	swait.ge [sflag:s6], $0x1400  }
0x74: {  	[sflag:s6] =	ssyncset.done $0x0  }
0x75: {  	[sflag:s6] =	ssyncadd.s32 $0xFFFFEC00  }
0x76: {  	_ =	swait.ge [sflag:s11], $0x1400  }
0x77: {  	[sflag:s11] =	ssyncset.done $0x0  }
0x78: {  	[sflag:s11] =	ssyncadd.s32 $0xFFFFEC00  }
0x79: {  	[tilespmem:s12], [sflag:$0x2] =	stream.indirect.gather [spmem:s2], $0x80, s17, s9, $0xb8;
	[tilespmem:$0x16940] =	vst v63  }
0x7a: {  	_ = 	snop  }
0x7b: {  	[hbm4b:s18+s3] =	stream.linear.scatter [tilespmem:s10], [sflag:$0x3], $0x1400, $0x38;
	[tilespmem:$0x16940] =	vst v63  }
0x7c: {  	_ =	swait.ge [sflag:s6], $0x1400  }
0x7d: {  	[sflag:s6] =	ssyncset.done $0x0  }
0x7e: {  	[sflag:s6] =	ssyncadd.s32 $0xFFFFEC00  }
0x7f: {  	_ =	swait.ge [sflag:s14], $0x1400  }
0x80: {  	[sflag:s14] =	ssyncset.done $0x0  }
0x81: {  	[sflag:s14] =	ssyncadd.s32 $0xFFFFEC00  }
0x82: {  	[tilespmem:s10], [sflag:$0x1] =	stream.indirect.gather [spmem:s2], $0x80, s19, s9, $0xb8;
	[tilespmem:$0x16940] =	vst v63  }
0x83: {  	_ = 	snop  }
0x84: {  	[hbm4b:s20+s3] =	stream.linear.scatter [tilespmem:s12], [sflag:$0x3], $0x1400, $0x38;
	[tilespmem:$0x16940] =	vst v63  }
0x85: {  	_ =	swait.ge [sflag:s6], $0x1400  }
0x86: {  	[sflag:s6] =	ssyncset.done $0x0  }
0x87: {  	[sflag:s6] =	ssyncadd.s32 $0xFFFFEC00  }
0x88: {  	_ =	swait.ge [sflag:s11], $0x1400  }
0x89: {  	[sflag:s11] =	ssyncset.done $0x0  }
0x8a: {  	[sflag:s11] =	ssyncadd.s32 $0xFFFFEC00  }
0x8b: {  	[tilespmem:s12], [sflag:$0x2] =	stream.indirect.gather [spmem:s2], $0x80, s21, s9, $0xb8;
	[tilespmem:$0x16940] =	vst v63  }
0x8c: {  	_ = 	snop  }
0x8d: {  	[hbm4b:s22+s3] =	stream.linear.scatter [tilespmem:s10], [sflag:$0x3], $0x1400, $0x38;
	[tilespmem:$0x16940] =	vst v63  }
0x8e: {  	_ =	swait.ge [sflag:s6], $0x1400  }
0x8f: {  	[sflag:s6] =	ssyncset.done $0x0  }
0x90: {  	[sflag:s6] =	ssyncadd.s32 $0xFFFFEC00  }
0x91: {  	_ =	swait.ge [sflag:s14], $0x1400  }
0x92: {  	[sflag:s14] =	ssyncset.done $0x0  }
0x93: {  	[sflag:s14] =	ssyncadd.s32 $0xFFFFEC00  }
0x94: {  	[tilespmem:s10], [sflag:$0x1] =	stream.indirect.gather [spmem:s2], $0x80, s23, s9, $0xb8;
	[tilespmem:$0x16940] =	vst v63  }
0x95: {  	_ = 	snop  }
0x96: {  	[hbm4b:s24+s3] =	stream.linear.scatter [tilespmem:s12], [sflag:$0x3], $0x1400, $0x38;
	[tilespmem:$0x16940] =	vst v63  }
0x97: {  	_ =	swait.ge [sflag:s6], $0x1400  }
0x98: {  	[sflag:s6] =	ssyncset.done $0x0  }
0x99: {  	[sflag:s6] =	ssyncadd.s32 $0xFFFFEC00  }
0x9a: {  	_ =	swait.ge [sflag:s11], $0x1400  }
0x9b: {  	[sflag:s11] =	ssyncset.done $0x0  }
0x9c: {  	[sflag:s11] =	ssyncadd.s32 $0xFFFFEC00  }
0x9d: {  	[tilespmem:s12], [sflag:$0x2] =	stream.indirect.gather [spmem:s2], $0x80, s25, s9, $0xb8;
	[tilespmem:$0x16940] =	vst v63  }
0x9e: {  	_ = 	snop  }
0x9f: {  	[hbm4b:s26+s3] =	stream.linear.scatter [tilespmem:s10], [sflag:$0x3], $0x1400, $0x38;
	[tilespmem:$0x16940] =	vst v63  }
0xa0: {  	_ =	swait.ge [sflag:s6], $0x1400  }
0xa1: {  	[sflag:s6] =	ssyncset.done $0x0  }
0xa2: {  	[sflag:s6] =	ssyncadd.s32 $0xFFFFEC00  }
0xa3: {  	_ =	swait.ge [sflag:s14], $0x1400  }
.Ltmp1:
0xa4: {  	[sflag:s14] =	ssyncset.done $0x0;
	(pc) =	sbr.rel @p0 .LBB2_1-.Ltmp1, $4  }
0xa5: {  	[sflag:s14] =	ssyncadd.s32 $0xFFFFEC00  }
0xa6: {  	[hbm4b:s28+s3] =	stream.linear.scatter [tilespmem:s12], [sflag:$0x3], $0x1400, $0x38;
	[tilespmem:$0x16940] =	vst v63  }
0xa7: {  	_ =	swait.ge [sflag:s6], $0x1400  }
0xa8: {  	[sflag:s6] =	ssyncset.done $0x0  }
.LBB2_2:
0xa9: {  	[sflag:s6] =	ssyncadd.s32 $0xFFFFEC00  }
0xaa: {  	_ =	sfence.sel $0x180000  }
0xab: {  	[bflag:$0x0] =	sbarrier.arrive $0xFFFF  }
0xac: {  	p0 =	sne.s32 s0, $0x0;
	_ =	strace $0x9000004D  }
0xad: {  	s0 =	sadd.s32 @!p0 $0x100000, s1;
	[bflag:$0x2] =	sbarrier.arrive $0xFFFF  }
0xae: {  	[sflag:s0] =	ssyncadd.tile.s32 @!p0 $0x1;
	_ =	shalt  }
.Lfunc_end2:
_tile_overlayer_lowered:
.L_overlay_start_2:
0xaf: {  	(tag) =	ssettag $0x2  }
0xb0: {  	s0 =	rddreg [dreg:$0x0];
	s2 =	stileid.u32  }
0xb1: {  	s1 =	rddreg [dreg:$0x1];
	p0 =	sne.s32 s2, $0x0  }
0xb2: {  	s3 =	rddreg [dreg:$0x2];
	[bflag:$0x3] =	sbarrier.arrive $0xFFFF;
	s2 =	simm.s32 @!p0 $0x1C03  }
0xb3: {  	[timem:s3], [sflag:s2] =	dma.local @!p0 [hbm:s0], s1  }
0xb4: {  	s0 =	simm.s32 @!p0 $0x3  }
0xb5: {  	_ =	swait.ge @!p0 [sflag:s0], s1  }
0xb6: {  	s1 =	ssub.s32 @!p0 $0x0, s1;
	[sflag:s0] =	ssyncset.done @!p0 $0x0  }
0xb7: {  	[sflag:s0] =	ssyncadd.s32 @!p0 s1  }
0xb8: {  	[bflag:$0x3] =	sbarrier.arrive $0xFFFF  }
0xb9: {  	_ =	shalt  }

// kernel: kernel.8.cloned.1.call-start
scs
__scs_entry_jumppad:
0x0: {  	(pc) =	sbr.rel $0x88, $3  }
0x1: {  	(tag) =	ssettag $0x0;
	lr =	simm.s32 $0x1  }
0x2: {  	[smem:$0x3F98] =	sst lr;
	_ =	strace $0xD0000000  }
0x3: {  	_ = 	snop  }
0x4: {  	_ = 	snop  }
0x5: {  	_ = 	snop  }
0x6: {  	_ = 	snop  }
0x7: {  	_ = 	snop  }
__scs_overlays_trampoline_lowered:
0x8: {  	[smem:$0x3FA7] =	sst s0  }
0x9: {  	[smem:$0x3FA8] =	sst s1  }
0xa: {  	[smem:$0x3FA9] =	sst s2  }
0xb: {  	[smem:$0x3FAA] =	sst s3  }
0xc: {  	[smem:$0x3FAB] =	sst s4  }
0xd: {  	[smem:$0x3FAC] =	sst s5  }
0xe: {  	[smem:$0x3FAD] =	sst s6  }
0xf: {  	[smem:$0x3FAE] =	sst s7  }
0x10: {  	[smem:$0x3FAF] =	sst s8  }
0x11: {  	[smem:$0x3FB0] =	sst s9;
	s0 =	simm.s32 @!p0 $0x0  }
0x12: {  	s1 =	sld [smem:$0x3F96];
	s0 =	simm.s32 @p0 $0x1  }
0x13: {  	[smem:$0x3FB1] =	sst s0;
	s0 =	simm.s32 @!p1 $0x0  }
0x14: {  	s2 =	sld [smem:$0x3F95];
	s0 =	simm.s32 @p1 $0x1  }
0x15: {  	[smem:$0x3FB2] =	sst s0;
	s0 =	simm.s32 @!p2 $0x0  }
0x16: {  	s3 =	sld [smem:$0x3FDB];
	s0 =	simm.s32 @p2 $0x1  }
0x17: {  	s4 =	simm.s32 $0x1BF5;
	[smem:$0x3FB4] =	sst s0  }
0x18: {  	s0 =	sld [smem:$0x3F97];
	_ =	swait.ge [sflag:s4], $0x0  }
0x19: {  	s7 =	sld [smem:$0x3F98]  }
0x1a: {  	s8 =	sadd.s32 $0xFFFFE003, lr  }
0x1b: {  	s9 =	sadd.s32 $0xFFFFFEF7, lr;
	s5 =	simm.s32 $0xFFFFFFFF;
	p2 =	slt.u32 s8, $0xFFFFF086  }
0x1c: {  	p1 =	slt.u32 s9, $0xF7A;
	s5 =	simm.s32 @!p2 $0x0  }
0x1d: {  	s5 =	simm.s32 @p1 $0x1;
	p0 =	seq.s32 s7, s2  }
0x1e: {  	s7 =	smul.u32 @!p0 $0xF7A, s2;
	p2 =	seq.s32 @!p0 s5, $0x0  }
0x1f: {  	s9 =	smul.u32 $0xF7A, s1;
	s8 =	simm.s32 @!p0 $0x1BF5;
	p2 =	por !p2, p0  }
0x20: {  	[sflag:s8] =	ssyncset.s32 @!p0 $0xFFFFF086;
	s6 =	sadd.s32 @!p0 s3, s7;
	s7 =	simm.s32 @!p0 $0x108  }
0x21: {  	s3 =	sadd.s32 s3, s9;
	s6 =	sadd.s32 @!p0 $0x88, s6;
	s7 =	simm.s32 @p2 $0x1082  }
0x22: {  	[simem:s7], [sflag:s8] =	dma.local @!p0 [hbm:s6], $0xF7A  }
0x23: {  	s9 =	sor.u32 $0xD0000000, s2;
	s6 =	simm.s32 $0x108;
	_ =	swait.ge @!p0 [sflag:s8], $0x0  }
0x24: {  	s3 =	sadd.s32 $0x88, s3;
	s6 =	simm.s32 @!p1 $0x1082;
	[sflag:s4] =	ssyncset.s32 $0xFFFFF086  }
0x25: {  	[simem:s6], [sflag:s4] =	dma.local [hbm:s3], $0xF7A  }
0x26: {  	[smem:$0x3F98] =	sst s1;
	(tag) =	ssettag s2;
	_ =	strace s9  }
0x27: {  	s1 =	sld [smem:$0x3FA8]  }
0x28: {  	s2 =	sld [smem:$0x3FA9]  }
0x29: {  	s4 =	sld [smem:$0x3FAB]  }
0x2a: {  	p0 =	seq.s32 s5, $0x0;
	s5 =	sld [smem:$0x3FAC]  }
0x2b: {  	s6 =	sld [smem:$0x3FAD]  }
0x2c: {  	s7 =	sld [smem:$0x3FAE]  }
0x2d: {  	s3 =	simm.s32 $0x108;
	s8 =	sld [smem:$0x3FAF]  }
0x2e: {  	s3 =	simm.s32 @!p0 $0x1082;
	s9 =	sld [smem:$0x3FB0]  }
0x2f: {  	lr =	sadd.s32 s0, s3;
	s0 =	sld [smem:$0x3FA7]  }
0x30: {  	s3 =	sld [smem:$0x3FAA]  }
0x31: {  	[smem:$0x3FB3] =	sst s10  }
0x32: {  	s10 =	sld [smem:$0x3FB1];
	_ =	sdelay $0x3  }
0x33: {  	p0 =	seq.s32 s10, $0x1;
	s10 =	sld [smem:$0x3FB3];
	_ =	sdelay $0x3  }
0x34: {  	[smem:$0x3FB3] =	sst s10  }
0x35: {  	s10 =	sld [smem:$0x3FB2];
	_ =	sdelay $0x3  }
0x36: {  	p1 =	seq.s32 s10, $0x1;
	s10 =	sld [smem:$0x3FB3];
	_ =	sdelay $0x3  }
0x37: {  	[smem:$0x3FB3] =	sst s10  }
0x38: {  	s10 =	sld [smem:$0x3FB4]  }
0x39: {  	_ = 	snop;
	(pc) =	sbr.ind lr, $3  }
0x3a: {  	_ = 	snop  }
0x3b: {  	_ = 	snop  }
0x3c: {  	p2 =	seq.s32 s10, $0x1;
	s10 =	sld [smem:$0x3FB3]  }
0x3d: {  	_ =	shalt  }
0x3e: {  	_ =	shalt  }
0x3f: {  	_ =	shalt  }
0x40: {  	_ =	shalt  }
0x41: {  	_ =	shalt  }
0x42: {  	_ =	shalt  }
0x43: {  	_ =	shalt  }
0x44: {  	_ =	shalt  }
0x45: {  	_ =	shalt  }
0x46: {  	_ =	shalt  }
0x47: {  	_ =	shalt  }
0x48: {  	_ =	shalt  }
0x49: {  	_ =	shalt  }
0x4a: {  	_ =	shalt  }
0x4b: {  	_ =	shalt  }
0x4c: {  	_ =	shalt  }
0x4d: {  	_ =	shalt  }
0x4e: {  	_ =	shalt  }
0x4f: {  	_ =	shalt  }
0x50: {  	_ =	shalt  }
0x51: {  	_ =	shalt  }
0x52: {  	_ =	shalt  }
0x53: {  	_ =	shalt  }
0x54: {  	_ =	shalt  }
0x55: {  	_ =	shalt  }
0x56: {  	_ =	shalt  }
0x57: {  	_ =	shalt  }
0x58: {  	_ =	shalt  }
0x59: {  	_ =	shalt  }
0x5a: {  	_ =	shalt  }
0x5b: {  	_ =	shalt  }
0x5c: {  	_ =	shalt  }
0x5d: {  	_ =	shalt  }
0x5e: {  	_ =	shalt  }
0x5f: {  	_ =	shalt  }
0x60: {  	_ =	shalt  }
0x61: {  	_ =	shalt  }
0x62: {  	_ =	shalt  }
0x63: {  	_ =	shalt  }
0x64: {  	_ =	shalt  }
0x65: {  	_ =	shalt  }
0x66: {  	_ =	shalt  }
0x67: {  	_ =	shalt  }
0x68: {  	_ =	shalt  }
0x69: {  	_ =	shalt  }
0x6a: {  	_ =	shalt  }
0x6b: {  	_ =	shalt  }
0x6c: {  	_ =	shalt  }
0x6d: {  	_ =	shalt  }
0x6e: {  	_ =	shalt  }
0x6f: {  	_ =	shalt  }
0x70: {  	_ =	shalt  }
0x71: {  	_ =	shalt  }
0x72: {  	_ =	shalt  }
0x73: {  	_ =	shalt  }
0x74: {  	_ =	shalt  }
0x75: {  	_ =	shalt  }
0x76: {  	_ =	shalt  }
0x77: {  	_ =	shalt  }
0x78: {  	_ =	shalt  }
0x79: {  	_ =	shalt  }
0x7a: {  	_ =	shalt  }
0x7b: {  	_ =	shalt  }
0x7c: {  	_ =	shalt  }
0x7d: {  	_ =	shalt  }
0x7e: {  	_ =	shalt  }
0x7f: {  	_ =	shalt  }
0x80: {  	_ =	shalt  }
0x81: {  	_ =	shalt  }
0x82: {  	_ =	shalt  }
0x83: {  	_ =	shalt  }
0x84: {  	_ =	shalt  }
0x85: {  	_ =	shalt  }
0x86: {  	_ =	shalt  }
0x87: {  	_ =	shalt  }
.Lfunc_end0:
.L_simem_size_0:
called_computation_lowered:
.L_overlay_start_0:
0x88: {  	s2 =	sld [smem:$0x3FD9]  }
0x89: {  	s3 =	sld [smem:$0x3FFE];
	_ =	sdelay $0x1  }
0x8a: {  	s1 =	srdreg.scid  }
0x8b: {  	s0 =	sand.u32 $0x1, s1  }
0x8c: {  	s17 =	sshll.u32 s0, $0xA;
	s2 =	sadd.s32 s3, s2  }
0x8d: {  	s2 =	sadd.s32 s2, s17  }
0x8e: {  	[smem:$0x3FBF] =	sst s2  }
0x8f: {  	_ = 	snop  }
0x90: {  	s2 =	sld [smem:$0x3FD0];
	(tm) =	ssettm $0x1  }
0x91: {  	s18 =	sld [smem:$0x3FFB];
	_ =	sdelay $0x3  }
0x92: {  	_ =	strace s18  }
0x93: {  	s3 =	sld [smem:$0x3FFC];
	_ =	sdelay $0x3  }
0x94: {  	_ =	strace s3  }
0x95: {  	s3 =	sld [smem:$0x3FFD];
	_ =	sdelay $0x3  }
0x96: {  	_ =	strace s3  }
0x97: {  	_ =	strace $0x8FFFFFFF  }
0x98: {  	s19 =	sld [smem:$0x3FDB];
	_ =	sdelay $0x1  }
0x99: {  	s4 =	simm.s32 $_scs_section_size  }
0x9a: {  	s5 =	simm.s32 $_size__tile_overlayer_lowered;
	s6 =	simm.s32 $_tile_overlayer_lowered  }
0x9b: {  	s22 =	simm.s32 $0x1BFF;
	s21 =	sshll.u32 s6, $0x1;
	s3 =	sadd.s32 s4, s19  }
0x9c: {  	s7 =	simm.s32 $0x0;
	s20 =	sshll.u32 s5, $0x1;
	s5 =	sadd.s32 s21, s3  }
0x9d: {  	[timem:s7], [sflag:s22] =	dma.local [hbm:s5], s20  }
0x9e: {  	_ =	swait.ge [sflag:s22], s20  }
0x9f: {  	s4 =	ssub.s32 $0x0, s20;
	[sflag:s22] =	ssyncset.done $0x0  }
0xa0: {  	[sflag:s22] =	ssyncadd.s32 s4;
	_ =	sdelay $0x1  }
0xa1: {  	s23 =	simm.s32 $0x1B8B  }
0xa2: {  	_ =	swait.ge [sflag:s23], $0x1  }
0xa3: {  	[sflag:s23] =	ssyncset.done $0x0  }
0xa4: {  	s25 =	simm.s32 $0x1B8E;
	s24 =	sld [smem:$0x3FFE];
	[sflag:s23] =	ssyncadd.s32 $0xFFFFFFFF  }
0xa5: {  	s26 =	simm.s32 $execute0_lowered;
	[smem:$0x3FD2] =	sst s25  }
0xa6: {  	s5 =	sshll.u32 s26, $0x1;
	_ =	strace $0x80000046;
	[dreg:$0x1] =	wrdreg $0xFFFFFFFF  }
0xa7: {  	s28 =	simm.s32 $_size_execute0_lowered;
	s3 =	sadd.s32 s3, s5;
	[dreg:$0x0] =	wrdreg $0x0  }
0xa8: {  	s5 =	sshll.u32 s28, $0x1;
	[dreg:$0x2] =	wrdreg s3  }
0xa9: {  	[dreg:$0x3] =	wrdreg s5  }
0xaa: {  	[dreg:$0x4] =	wrdreg $0xC0  }
0xab: {  	_ =	task [dreg:s7], $0x5FFFF  }
0xac: {  	[dreg:$0x1] =	wrdreg $0xFFFFFFFF  }
0xad: {  	[dreg:$0x0] =	wrdreg $0x60  }
0xae: {  	[dreg:$0x2] =	wrdreg s24  }
0xaf: {  	[dreg:$0x3] =	wrdreg s2  }
0xb0: {  	[dreg:$0x4] =	wrdreg $0x124000  }
0xb1: {  	[dreg:$0x5] =	wrdreg $0x84000  }
0xb2: {  	[dreg:$0x6] =	wrdreg $0x9  }
0xb3: {  	_ =	task.clear_ibuf [dreg:s7], $0x7FFFF;
	_ =	strace $0x90000046  }
0xb4: {  	s29 =	simm.s32 $0x9;
	_ =	strace $0x80000048  }
0xb5: {  	_ =	swait.ge [sflag:s29], $0x1  }
0xb6: {  	[sflag:s29] =	ssyncadd.s32 $0xFFFFFFFF  }
0xb7: {  	_ =	strace $0x90000048  }
0xb8: {  	_ =	sfence  }
0xb9: {  	s30 =	sld [smem:$0x0];
	_ =	sdelay $0x2  }
0xba: {  	s31 =	sshll.u32 s1, $0xD;
	s1 =	sshrl.u32 s1, $0x2  }
0xbb: {  	s3 =	sand.u32 $0x4000, s31;
	s1 =	sadd.s32 s1, s30  }
0xbc: {  	s0 =	sor.u32 s3, s0;
	s1 =	sshll.u32 s1, $0x11  }
0xbd: {  	s0 =	sor.u32 s1, s0  }
0xbe: {  	s0 =	sadd.s32 $0x8F2B, s0  }
0xbf: {  	[sflag:s0] =	ssyncadd.remote.s32 $0x1  }
0xc0: {  	_ =	sfence.sel $0xFFFF  }
0xc1: {  	[dreg:$0x0] =	wrdreg $0xFFFFFFFF;
	(pc) =	sbr.abs _section_cstart, $3  }
0xc2: {  	[dreg:$0x1] =	wrdreg $0xFFFFFFFF  }
0xc3: {  	_ =	task.clear_ibuf [dreg:s7], $0x2FFFF;
	_ =	strace $0x9FFFFFFF  }
0xc4: {  	(tm) =	ssettm $0x7FFFFFFF  }
0xc5: {  	_ =	shalt  }
tec
execute0_lowered:
.L_overlay_start_1:
0x0: {  	(tag) =	ssettag $0x1  }
0x1: {  	s4 =	rddreg [dreg:$0x0]  }
0x2: {  	s6 =	rddreg [dreg:$0x1]  }
0x3: {  	s0 =	srdreg.scid;
	s3 =	rddreg [dreg:$0x2]  }
0x4: {  	s20 =	stileid.u32;
	s2 =	rddreg [dreg:$0x3]  }
0x5: {  	s30 =	simm.s32 $0xB;
	s28 =	simm.s32 $0xF;
	s0 =	sand.u32 $0x1, s0  }
0x6: {  	s1 =	smul.u32 $0xA000, s20;
	s9 =	sadd.s32 $0xB200, s4;
	s10 =	sadd.s32 $0x1400, s4  }
0x7: {  	s13 =	smul.u32 $0x4E20, s20;
	s21 =	sshll.u32 s20, $0x6;
	s11 =	ssub.s32 $0x2, s0  }
0x8: {  	s5 =	smul.u32 $0xA0000, s0;
	s0 =	sshll.u32 s0, $0x4;
	s12 =	sshrl.u32 s11, $0x1  }
0x9: {  	s0 =	sor.u32 s20, s0;
	s14 =	sadd.s32 $0x4000, s1;
	s15 =	sadd.s32 $0x6000, s1  }
0xa: {  	s13 =	sshrl.u32 s13, $0x3;
	s19 =	sadd.s32 $0x8000, s1;
	s7 =	sadd.s32 s1, s5  }
0xb: {  	s11 =	ssub.s32 s11, s12;
	s12 =	sadd.s32 $0x2000, s1;
	s16 =	sadd.s32 s9, s13  }
0xc: {  	s22 =	sadd.s32 $0x10, s13;
	s17 =	sadd.s32 s10, s13;
	s13 =	sadd.s32 $0x9C0, s13  }
0xd: {  	s18 =	sadd.s32 s5, s14;
	s31 =	sadd.s32 s5, s15;
	[dreg:$0x5] =	wrdreg s16  }
0xe: {  	s0 =	smul.u32 $0x500, s0;
	s7 =	sshrl.u32 s7, $0x3;
	[dreg:$0x6] =	wrdreg s17  }
0xf: {  	s23 =	sadd.s32 s9, s22;
	s24 =	sadd.s32 s5, s12;
	s26 =	sshrl.u32 s18, $0x3  }
0x10: {  	s5 =	sadd.s32 s5, s19;
	s16 =	sadd.s32 s10, s22;
	[dreg:$0x7] =	wrdreg s23  }
0x11: {  	s18 =	sadd.s32 s10, s13;
	s8 =	sadd.s32 s7, s4;
	[dreg:$0xd] =	wrdreg s16  }
0x12: {  	s4 =	sadd.s32 $0x3D000, s4;
	s0 =	sadd.s32 s6, s0;
	[dreg:$0x10] =	wrdreg s18  }
0x13: {  	s17 =	sshrl.u32 s24, $0x3;
	s7 =	sadd.s32 s4, s7;
	[dreg:$0xe] =	wrdreg s0  }
0x14: {  	s29 =	sadd.s32 s12, s2;
	s25 =	sadd.s32 s4, s17;
	[dreg:$0x8] =	wrdreg s7  }
0x15: {  	s12 =	simm.s32 $0x10;
	s17 =	sadd.s32 s9, s13;
	[dreg:$0x9] =	wrdreg s25  }
0x16: {  	s5 =	sshrl.u32 s5, $0x3;
	s7 =	sadd.s32 s4, s26;
	[dreg:$0xf] =	wrdreg s17  }
0x17: {  	s17 =	simm.s32 $0x0;
	[dreg:$0xa] =	wrdreg s7;
	s7 =	sshrl.u32 s31, $0x3  }
0x18: {  	s23 =	sadd.s32 s1, s3;
	[smem:$0x7FF] =	sst s17;
	s7 =	sadd.s32 s4, s7  }
0x19: {  	s24 =	sadd.s32 s14, s2;
	s4 =	sadd.s32 s4, s5;
	[dreg:$0xb] =	wrdreg s7  }
0x1a: {  	s6 =	simm.s32 $0x80;
	s22 =	sadd.s32 $0x15000, s8;
	[dreg:$0xc] =	wrdreg s4  }
0x1b: {  	s14 =	simm.s32 $0x6000;
	_ =	strace $0x80000047;
	[dreg:$0x11] =	wrdreg s22  }
0x1c: {  	s8 =	sadd.s32 s1, s2;
	s25 =	sadd.s32 s15, s2;
	[dreg:$0x15] =	wrdreg s24  }
0x1d: {  	s0 =	sshrl.u32 s23, $0x3;
	s26 =	sadd.s32 s19, s2;
	[dreg:$0x16] =	wrdreg s25  }
0x1e: {  	s13 =	simm.s32 $0x1C440;
	s31 =	smax.u32 s11, $0x1;
	[dreg:$0x17] =	wrdreg s26  }
0x1f: {  	s1 =	simm.s32 $0x0;
	s23 =	simm.s32 $0xC;
	[dreg:$0x18] =	wrdreg s31  }
0x20: {  	s19 =	simm.s32 $0xE;
	s15 =	simm.s32 $0x8300;
	[dreg:$0x19] =	wrdreg s0  }
0x21: {  	s7 =	smul.u32 $0x9C4, s20;
	s20 =	simm.s32 $0x11;
	[dreg:$0x13] =	wrdreg s8  }
0x22: {  	[dreg:$0x14] =	wrdreg s29;
	s26 =	simm.s32 $0x8180;
	s24 =	simm.s32 $0x8380  }
0x23: {  	s22 =	simm.s32 $0x5;
	s25 =	simm.s32 $0x1;
	s18 =	sadd.s32 s7, s10  }
0x24: {  	s5 =	sadd.s32 s7, s9;
	s7 =	sor.u32 $0x1C11, s21;
	s9 =	simm.s32 $0x4000  }
0x25: {  	v0 =	vimm.f32 $0.0e+00;
	v1 =	vimm.f32 $1.000000000e+00;
	s10 =	simm.s32 $0xA;
	s21 =	simm.s32 $0x2;
	[dreg:$0x12] =	wrdreg s7  }
.LBB2_1:
0x26: {  	[dreg:$0x1a] =	wrdreg s1  }
0x27: {  	s0 =	rddreg [dreg:$0x11]  }
0x28: {  	s16 =	rddreg [dreg:$0x19]  }
0x29: {  	[spmem:s16], [sflag:s7] =	dma.local [hbm:s0], $0x1400  }
0x2a: {  	_ =	swait.ge [sflag:s20], $0x1400  }
0x2b: {  	[sflag:s20] =	ssyncset.done $0x0  }
0x2c: {  	s31 =	simm.s32 $0x100;
	[sflag:s20] =	ssyncadd.s32 $0xFFFFEC00;
	s20 =	simm.s32 $0x0  }
.LBB2_2:
0x2d: {  	p0 =	sne.s32 s31, $0x7F00;
	[tilespmem:s20+$0x30] =	vst v0;
	s1 =	smov.u32 s31;
	s31 =	sadd.s32 $0x100, s31  }
.Ltmp0:
0x2e: {  	[tilespmem:s20+$0x20] =	vst v0;
	(pc) =	sbr.rel @p0 .LBB2_2-.Ltmp0, $3  }
0x2f: {  	[tilespmem:s20+$0x0] =	vst v0  }
0x30: {  	[tilespmem:s20+$0x10] =	vst v0;
	_ =	sdelay $0x1  }
0x31: {  	s20 =	sshra.s32 s1, $0x2  }
0x32: {  	[tilespmem:s20+$0x30] =	vst v0  }
0x33: {  	[tilespmem:s20+$0x20] =	vst v0  }
0x34: {  	[tilespmem:s20+$0x0] =	vst v0  }
0x35: {  	[tilespmem:s20+$0x10] =	vst v0;
	s1 =	simm.s32 $0x0;
	s7 =	simm.s32 $0x11  }
0x36: {  	[spmem:s8] =	stream.linear.scatter [tilespmem:s1], [sflag:$0x11], $0x2000, $0x38;
	[tilespmem:$0x1EC40] =	vst v63  }
0x37: {  	_ =	swait.ge [sflag:s7], $0x2000  }
0x38: {  	[sflag:s7] =	ssyncset.done $0x0  }
0x39: {  	[sflag:s7] =	ssyncadd.s32 $0xFFFFE000  }
0x3a: {  	[spmem:s29] =	stream.linear.scatter [tilespmem:s1], [sflag:$0x11], $0x2000, $0x38;
	[tilespmem:$0x1EC40] =	vst v63  }
0x3b: {  	_ =	swait.ge [sflag:s7], $0x2000  }
0x3c: {  	[sflag:s7] =	ssyncset.done $0x0  }
0x3d: {  	s0 =	rddreg [dreg:$0x15];
	[sflag:s7] =	ssyncadd.s32 $0xFFFFE000  }
0x3e: {  	[spmem:s0] =	stream.linear.scatter [tilespmem:s1], [sflag:$0x11], $0x2000, $0x38;
	[tilespmem:$0x1EC40] =	vst v63  }
0x3f: {  	_ =	swait.ge [sflag:s7], $0x2000  }
0x40: {  	[sflag:s7] =	ssyncset.done $0x0  }
0x41: {  	s20 =	rddreg [dreg:$0x16];
	[sflag:s7] =	ssyncadd.s32 $0xFFFFE000  }
0x42: {  	[spmem:s20] =	stream.linear.scatter [tilespmem:s1], [sflag:$0x11], $0x2000, $0x38;
	[tilespmem:$0x1EC40] =	vst v63  }
0x43: {  	_ =	swait.ge [sflag:s7], $0x2000  }
0x44: {  	[sflag:s7] =	ssyncset.done $0x0  }
0x45: {  	s29 =	rddreg [dreg:$0x17];
	[sflag:s7] =	ssyncadd.s32 $0xFFFFE000  }
0x46: {  	[spmem:s29] =	stream.linear.scatter [tilespmem:s1], [sflag:$0x11], $0x2000, $0x38;
	[tilespmem:$0x1EC40] =	vst v63  }
0x47: {  	_ =	swait.ge [sflag:s7], $0x2000  }
0x48: {  	s11 =	smov.u32 s5;
	[sflag:s7] =	ssyncset.done $0x0  }
0x49: {  	s31 =	simm.s32 $0x0;
	s20 =	simm.s32 $0x40;
	[sflag:s7] =	ssyncadd.s32 $0xFFFFE000  }
.LBB2_4:
0x4a: {  	p0 =	sne.s32 s20, $0x9FC0;
	[tilespmem:s31+$0x1C440] =	vst v0;
	s1 =	smov.u32 s20;
	s20 =	sadd.s32 $0x40, s20  }
.Ltmp1:
0x4b: {  	(pc) =	sbr.rel @p0 .LBB2_4-.Ltmp1, $2  }
0x4c: {  	_ =	sdelay $0x2  }
0x4d: {  	s31 =	sshra.s32 s1, $0x2  }
0x4e: {  	[tilespmem:s31+$0x1C440] =	vst v0  }
0x4f: {  	[bflag:$0x0] =	sbarrier.arrive $0xFFFF  }
0x50: {  	s20 =	simm.s32 $0x0;
	s1 =	simm.s32 $0x8000;
	s0 =	rddreg [dreg:$0x5]  }
0x51: {  	[tilespmem:s1], [sflag:$0x9] =	stream.linear.gather [hbm4b:s0+s20], $0x80, $0x38;
	[tilespmem:$0x1EC40] =	vst v63  }
0x52: {  	s4 =	simm.s32 $0x8200;
	s31 =	rddreg [dreg:$0x6]  }
0x53: {  	[tilespmem:s4], [sflag:$0xD] =	stream.linear.gather [hbm4b:s31+s20], $0x80, $0x38;
	[tilespmem:$0x1EC40] =	vst v63  }
0x54: {  	s7 =	simm.s32 $0x8080;
	s5 =	rddreg [dreg:$0x7]  }
0x55: {  	[tilespmem:s7], [sflag:$0xA] =	stream.linear.gather [hbm4b:s5+s20], $0x80, $0x38;
	[tilespmem:$0x1EC40] =	vst v63  }
0x56: {  	s16 =	simm.s32 $0x8280;
	s29 =	simm.s32 $0x9;
	s8 =	rddreg [dreg:$0xd]  }
0x57: {  	[tilespmem:s16], [sflag:$0xE] =	stream.linear.gather [hbm4b:s8+s20], $0x80, $0x38;
	[tilespmem:$0x1EC40] =	vst v63  }
0x58: {  	_ =	swait.ge [sflag:s29], $0x80  }
0x59: {  	[sflag:s29] =	ssyncset.done $0x0  }
0x5a: {  	s31 =	simm.s32 $0xD;
	[sflag:s29] =	ssyncadd.s32 $0xFFFFFF80  }
0x5b: {  	_ =	swait.ge [sflag:s31], $0x80  }
0x5c: {  	[sflag:s31] =	ssyncset.done $0x0  }
0x5d: {  	s4 =	simm.s32 $0x3;
	[sflag:s31] =	ssyncadd.s32 $0xFFFFFF80  }
0x5e: {  	[tilespmem:s20], [sflag:$0x1] =	stream.indirect.gather [spmem:s3], $0x40, s1, s6, $0xb8;
	[tilespmem:$0x1EC40] =	vst v63  }
0x5f: {  	s5 =	simm.s32 $0x6;
	s16 =	smov.u32 s3;
	s3 =	simm.s32 $0x4  }
.LBB2_6:
0x60: {  	p0 =	seq.s32 s20, $0x0  }
0x61: {  	s1 =	simm.s32 @!p0 $0x7  }
0x62: {  	_ =	swait.ge @!p0 [sflag:s1], $0x2000  }
0x63: {  	s31 =	sadd.s32 s20, s11;
	s7 =	simm.s32 $0x8100;
	[sflag:s1] =	ssyncset.done @!p0 $0x0  }
0x64: {  	s8 =	sadd.s32 $0x20, s31;
	[sflag:s1] =	ssyncadd.s32 @!p0 $0xFFFFE000;
	s1 =	sadd.s32 s20, s18  }
0x65: {  	[tilespmem:s7], [sflag:$0xB] =	stream.linear.gather [hbm4b:s8+s17], $0x80, $0x38;
	[tilespmem:$0x1EC40] =	vst v63  }
0x66: {  	s0 =	sadd.s32 $0x20, s1  }
0x67: {  	[tilespmem:s15], [sflag:$0xF] =	stream.linear.gather [hbm4b:s0+s17], $0x80, $0x38;
	[tilespmem:$0x1EC40] =	vst v63  }
0x68: {  	_ =	swait.ge [sflag:s10], $0x80  }
0x69: {  	[sflag:s10] =	ssyncset.done $0x0  }
0x6a: {  	[sflag:s10] =	ssyncadd.s32 $0xFFFFFF80  }
0x6b: {  	_ =	swait.ge [sflag:s19], $0x80  }
0x6c: {  	[sflag:s19] =	ssyncset.done $0x0  }
0x6d: {  	s29 =	simm.s32 $0x8080;
	s8 =	simm.s32 $0x2000;
	[sflag:s19] =	ssyncadd.s32 $0xFFFFFF80  }
0x6e: {  	[tilespmem:s8], [sflag:$0x2] =	stream.indirect.gather [spmem:s16], $0x40, s29, s6, $0xb8;
	[tilespmem:$0x1EC40] =	vst v63  }
0x6f: {  	_ =	swait.ge [sflag:s25], $0x2000  }
0x70: {  	[sflag:s25] =	ssyncset.done $0x0  }
0x71: {  	s29 =	simm.s32 $0x8200;
	[sflag:s25] =	ssyncadd.s32 $0xFFFFE000  }
0x72: {  	[spmem:s2] =	stream.indirect.scatter.add.f32 [tilespmem:s17], [sflag:$0x5], $0x40, s29, s6, $0xb8;
	[tilespmem:$0x1EC40] =	vst v63  }
0x73: {  	v2 =	vld [tilespmem:$0x8200];
	_ =	sdelay $0x7  }
0x74: {  	[tilespmem:v2+s13+$0x0] =	vst.idx.add.f32.msk $0xffff, v1  }
0x75: {  	v2 =	vld [tilespmem:$0x8210];
	_ =	sdelay $0x7  }
0x76: {  	[tilespmem:v2+s13+$0x0] =	vst.idx.add.f32.msk $0xffff, v1  }
0x77: {  	v2 =	vld [tilespmem:$0x8220];
	_ =	sdelay $0x7  }
0x78: {  	[tilespmem:v2+s13+$0x0] =	vst.idx.add.f32.msk $0xffff, v1  }
0x79: {  	v2 =	vld [tilespmem:$0x8230];
	_ =	sdelay $0x7  }
0x7a: {  	[tilespmem:v2+s13+$0x0] =	vst.idx.add.f32.msk $0xffff, v1  }
0x7b: {  	v2 =	vld [tilespmem:$0x8240];
	_ =	sdelay $0x7  }
0x7c: {  	[tilespmem:v2+s13+$0x0] =	vst.idx.add.f32.msk $0xffff, v1  }
0x7d: {  	v2 =	vld [tilespmem:$0x8250];
	_ =	sdelay $0x7  }
0x7e: {  	[tilespmem:v2+s13+$0x0] =	vst.idx.add.f32.msk $0xffff, v1  }
0x7f: {  	v2 =	vld [tilespmem:$0x8260];
	_ =	sdelay $0x7  }
0x80: {  	[tilespmem:v2+s13+$0x0] =	vst.idx.add.f32.msk $0xffff, v1  }
0x81: {  	v2 =	vld [tilespmem:$0x8270];
	_ =	sdelay $0x7  }
0x82: {  	s0 =	simm.s32 @!p0 $0x8;
	[tilespmem:v2+s13+$0x0] =	vst.idx.add.f32.msk $0xffff, v1  }
0x83: {  	_ =	swait.ge @!p0 [sflag:s0], $0x2000  }
0x84: {  	[sflag:s0] =	ssyncset.done @!p0 $0x0  }
0x85: {  	s31 =	sadd.s32 $0x30, s31;
	[sflag:s0] =	ssyncadd.s32 @!p0 $0xFFFFE000  }
0x86: {  	[tilespmem:s26], [sflag:$0xC] =	stream.linear.gather [hbm4b:s31+s17], $0x80, $0x38;
	[tilespmem:$0x1EC40] =	vst v63  }
0x87: {  	s29 =	sadd.s32 $0x30, s1  }
0x88: {  	[tilespmem:s24], [sflag:$0x10] =	stream.linear.gather [hbm4b:s29+s17], $0x80, $0x38;
	[tilespmem:$0x1EC40] =	vst v63  }
0x89: {  	_ =	swait.ge [sflag:s30], $0x80  }
0x8a: {  	[sflag:s30] =	ssyncset.done $0x0  }
0x8b: {  	[sflag:s30] =	ssyncadd.s32 $0xFFFFFF80  }
0x8c: {  	_ =	swait.ge [sflag:s28], $0x80  }
0x8d: {  	[sflag:s28] =	ssyncset.done $0x0  }
0x8e: {  	[sflag:s28] =	ssyncadd.s32 $0xFFFFFF80  }
0x8f: {  	[tilespmem:s9], [sflag:$0x3] =	stream.indirect.gather [spmem:s16], $0x40, s7, s6, $0xb8;
	[tilespmem:$0x1EC40] =	vst v63  }
0x90: {  	_ =	swait.ge [sflag:s21], $0x2000  }
0x91: {  	[sflag:s21] =	ssyncset.done $0x0  }
0x92: {  	s31 =	simm.s32 $0x8280;
	[sflag:s21] =	ssyncadd.s32 $0xFFFFE000  }
0x93: {  	[spmem:s2] =	stream.indirect.scatter.add.f32 [tilespmem:s8], [sflag:$0x6], $0x40, s31, s6, $0xb8;
	[tilespmem:$0x1EC40] =	vst v63  }
0x94: {  	v2 =	vld [tilespmem:$0x8280];
	_ =	sdelay $0x7  }
0x95: {  	[tilespmem:v2+s13+$0x0] =	vst.idx.add.f32.msk $0xffff, v1  }
0x96: {  	v2 =	vld [tilespmem:$0x8290];
	_ =	sdelay $0x7  }
0x97: {  	[tilespmem:v2+s13+$0x0] =	vst.idx.add.f32.msk $0xffff, v1  }
0x98: {  	v2 =	vld [tilespmem:$0x82A0];
	_ =	sdelay $0x7  }
0x99: {  	[tilespmem:v2+s13+$0x0] =	vst.idx.add.f32.msk $0xffff, v1  }
0x9a: {  	v2 =	vld [tilespmem:$0x82B0];
	_ =	sdelay $0x7  }
0x9b: {  	[tilespmem:v2+s13+$0x0] =	vst.idx.add.f32.msk $0xffff, v1  }
0x9c: {  	v2 =	vld [tilespmem:$0x82C0];
	_ =	sdelay $0x7  }
0x9d: {  	[tilespmem:v2+s13+$0x0] =	vst.idx.add.f32.msk $0xffff, v1  }
0x9e: {  	v2 =	vld [tilespmem:$0x82D0];
	_ =	sdelay $0x7  }
0x9f: {  	[tilespmem:v2+s13+$0x0] =	vst.idx.add.f32.msk $0xffff, v1  }
0xa0: {  	v2 =	vld [tilespmem:$0x82E0];
	_ =	sdelay $0x7  }
0xa1: {  	[tilespmem:v2+s13+$0x0] =	vst.idx.add.f32.msk $0xffff, v1  }
0xa2: {  	v2 =	vld [tilespmem:$0x82F0];
	_ =	sdelay $0x7  }
0xa3: {  	p0 =	seq.s32 s20, $0x980;
	[tilespmem:v2+s13+$0x0] =	vst.idx.add.f32.msk $0xffff, v1  }
0xa4: {  	s0 =	sadd.s32 @!p0 s20, s11;
	_ =	swait.ge [sflag:s22], $0x2000  }
0xa5: {  	s1 =	sadd.s32 @!p0 $0x40, s0;
	[sflag:s22] =	ssyncset.done $0x0  }
0xa6: {  	s29 =	simm.s32 @!p0 $0x8000;
	s31 =	simm.s32 @!p0 $0x0;
	[sflag:s22] =	ssyncadd.s32 $0xFFFFE000  }
0xa7: {  	[tilespmem:s29], [sflag:$0x9] =	stream.linear.gather @!p0 [hbm4b:s1+s31], $0x80, $0x38;
	[tilespmem:$0x1EC40] =	vst v63  }
0xa8: {  	s1 =	sadd.s32 @!p0 s20, s18  }
0xa9: {  	s8 =	simm.s32 @!p0 $0x8200;
	s7 =	sadd.s32 @!p0 $0x40, s1  }
0xaa: {  	[tilespmem:s8], [sflag:$0xD] =	stream.linear.gather @!p0 [hbm4b:s7+s31], $0x80, $0x38;
	[tilespmem:$0x1EC40] =	vst v63  }
0xab: {  	_ =	swait.ge [sflag:s23], $0x80  }
0xac: {  	[sflag:s23] =	ssyncset.done $0x0  }
0xad: {  	[sflag:s23] =	ssyncadd.s32 $0xFFFFFF80  }
0xae: {  	_ =	swait.ge [sflag:s12], $0x80  }
0xaf: {  	[sflag:s12] =	ssyncset.done $0x0  }
0xb0: {  	[sflag:s12] =	ssyncadd.s32 $0xFFFFFF80  }
0xb1: {  	[tilespmem:s14], [sflag:$0x4] =	stream.indirect.gather [spmem:s16], $0x40, s26, s6, $0xb8;
	[tilespmem:$0x1EC40] =	vst v63  }
0xb2: {  	_ =	swait.ge [sflag:s4], $0x2000  }
0xb3: {  	[sflag:s4] =	ssyncset.done $0x0  }
0xb4: {  	[sflag:s4] =	ssyncadd.s32 $0xFFFFE000  }
0xb5: {  	[spmem:s2] =	stream.indirect.scatter.add.f32 [tilespmem:s9], [sflag:$0x7], $0x40, s15, s6, $0xb8;
	[tilespmem:$0x1EC40] =	vst v63  }
0xb6: {  	v2 =	vld [tilespmem:$0x8300];
	_ =	sdelay $0x7  }
0xb7: {  	[tilespmem:v2+s13+$0x0] =	vst.idx.add.f32.msk $0xffff, v1  }
0xb8: {  	v2 =	vld [tilespmem:$0x8310];
	_ =	sdelay $0x7  }
0xb9: {  	[tilespmem:v2+s13+$0x0] =	vst.idx.add.f32.msk $0xffff, v1  }
0xba: {  	v2 =	vld [tilespmem:$0x8320];
	_ =	sdelay $0x7  }
0xbb: {  	[tilespmem:v2+s13+$0x0] =	vst.idx.add.f32.msk $0xffff, v1  }
0xbc: {  	v2 =	vld [tilespmem:$0x8330];
	_ =	sdelay $0x7  }
0xbd: {  	[tilespmem:v2+s13+$0x0] =	vst.idx.add.f32.msk $0xffff, v1  }
0xbe: {  	v2 =	vld [tilespmem:$0x8340];
	_ =	sdelay $0x7  }
0xbf: {  	[tilespmem:v2+s13+$0x0] =	vst.idx.add.f32.msk $0xffff, v1  }
0xc0: {  	v2 =	vld [tilespmem:$0x8350];
	_ =	sdelay $0x7  }
0xc1: {  	[tilespmem:v2+s13+$0x0] =	vst.idx.add.f32.msk $0xffff, v1  }
0xc2: {  	v2 =	vld [tilespmem:$0x8360];
	_ =	sdelay $0x7  }
0xc3: {  	[tilespmem:v2+s13+$0x0] =	vst.idx.add.f32.msk $0xffff, v1  }
0xc4: {  	v2 =	vld [tilespmem:$0x8370];
	_ =	sdelay $0x7  }
0xc5: {  	[tilespmem:v2+s13+$0x0] =	vst.idx.add.f32.msk $0xffff, v1  }
0xc6: {  	_ =	swait.ge [sflag:s5], $0x2000  }
0xc7: {  	[sflag:s5] =	ssyncset.done $0x0  }
0xc8: {  	s0 =	sadd.s32 @!p0 $0x50, s0;
	s7 =	simm.s32 @!p0 $0x8080;
	[sflag:s5] =	ssyncadd.s32 $0xFFFFE000  }
0xc9: {  	[tilespmem:s7], [sflag:$0xA] =	stream.linear.gather @!p0 [hbm4b:s0+s31], $0x80, $0x38;
	[tilespmem:$0x1EC40] =	vst v63  }
0xca: {  	s0 =	sadd.s32 @!p0 $0x50, s1;
	s1 =	simm.s32 @!p0 $0x8280  }
0xcb: {  	[tilespmem:s1], [sflag:$0xE] =	stream.linear.gather @!p0 [hbm4b:s0+s31], $0x80, $0x38;
	[tilespmem:$0x1EC40] =	vst v63  }
0xcc: {  	s0 =	simm.s32 @!p0 $0x9  }
0xcd: {  	_ =	swait.ge @!p0 [sflag:s0], $0x80  }
0xce: {  	[sflag:s0] =	ssyncset.done @!p0 $0x0  }
0xcf: {  	[sflag:s0] =	ssyncadd.s32 @!p0 $0xFFFFFF80;
	s0 =	simm.s32 @!p0 $0xD  }
0xd0: {  	_ =	swait.ge @!p0 [sflag:s0], $0x80  }
0xd1: {  	[sflag:s0] =	ssyncset.done @!p0 $0x0  }
0xd2: {  	[sflag:s0] =	ssyncadd.s32 @!p0 $0xFFFFFF80;
	s0 =	simm.s32 @!p0 $0x80  }
0xd3: {  	[tilespmem:s31], [sflag:$0x1] =	stream.indirect.gather @!p0 [spmem:s16], $0x40, s29, s0, $0xb8;
	[tilespmem:$0x1EC40] =	vst v63  }
0xd4: {  	_ =	swait.ge [sflag:s3], $0x2000  }
0xd5: {  	[sflag:s3] =	ssyncset.done $0x0  }
0xd6: {  	[sflag:s3] =	ssyncadd.s32 $0xFFFFE000  }
0xd7: {  	[spmem:s2] =	stream.indirect.scatter.add.f32 [tilespmem:s14], [sflag:$0x8], $0x40, s24, s6, $0xb8;
	[tilespmem:$0x1EC40] =	vst v63  }
0xd8: {  	v2 =	vld [tilespmem:$0x8380];
	_ =	sdelay $0x7  }
0xd9: {  	[tilespmem:v2+s13+$0x0] =	vst.idx.add.f32.msk $0xffff, v1  }
0xda: {  	v2 =	vld [tilespmem:$0x8390];
	_ =	sdelay $0x7  }
0xdb: {  	[tilespmem:v2+s13+$0x0] =	vst.idx.add.f32.msk $0xffff, v1  }
0xdc: {  	v2 =	vld [tilespmem:$0x83A0];
	_ =	sdelay $0x7  }
0xdd: {  	[tilespmem:v2+s13+$0x0] =	vst.idx.add.f32.msk $0xffff, v1  }
0xde: {  	v2 =	vld [tilespmem:$0x83B0];
	_ =	sdelay $0x7  }
0xdf: {  	[tilespmem:v2+s13+$0x0] =	vst.idx.add.f32.msk $0xffff, v1  }
0xe0: {  	v2 =	vld [tilespmem:$0x83C0];
	_ =	sdelay $0x7  }
0xe1: {  	[tilespmem:v2+s13+$0x0] =	vst.idx.add.f32.msk $0xffff, v1  }
0xe2: {  	v2 =	vld [tilespmem:$0x83D0];
	_ =	sdelay $0x7  }
0xe3: {  	[tilespmem:v2+s13+$0x0] =	vst.idx.add.f32.msk $0xffff, v1  }
0xe4: {  	v2 =	vld [tilespmem:$0x83E0];
	_ =	sdelay $0x7  }
0xe5: {  	[tilespmem:v2+s13+$0x0] =	vst.idx.add.f32.msk $0xffff, v1  }
0xe6: {  	v2 =	vld [tilespmem:$0x83F0];
	_ =	sdelay $0x1  }
0xe7: {  	s20 =	sadd.s32 $0x40, s20  }
0xe8: {  	p0 =	sne.s32 s20, $0x9C0  }
.Ltmp2:
0xe9: {  	_ = 	snop;
	(pc) =	sbr.rel @p0 .LBB2_6-.Ltmp2, $2  }
0xea: {  	_ =	sdelay $0x2  }
0xeb: {  	[tilespmem:v2+s13+$0x0] =	vst.idx.add.f32.msk $0xffff, v1  }
0xec: {  	s0 =	simm.s32 $0x7  }
0xed: {  	_ =	swait.ge [sflag:s0], $0x2000  }
0xee: {  	[sflag:s0] =	ssyncset.done $0x0  }
0xef: {  	s4 =	simm.s32 $0x8;
	[sflag:s0] =	ssyncadd.s32 $0xFFFFE000  }
0xf0: {  	_ =	swait.ge [sflag:s4], $0x2000  }
0xf1: {  	[sflag:s4] =	ssyncset.done $0x0  }
0xf2: {  	s1 =	simm.s32 $0x1C400;
	s5 =	rddreg [dreg:$0xf];
	[sflag:s4] =	ssyncadd.s32 $0xFFFFE000  }
0xf3: {  	[tilespmem:s1], [sflag:$0x9] =	stream.linear.gather [hbm4b:s5+s17], $0x20, $0x38;
	[tilespmem:$0x1EC40] =	vst v63  }
0xf4: {  	s3 =	simm.s32 $0x1C420;
	s8 =	simm.s32 $0x9;
	s7 =	rddreg [dreg:$0x10]  }
0xf5: {  	[tilespmem:s3], [sflag:$0xD] =	stream.linear.gather [hbm4b:s7+s17], $0x20, $0x38;
	[tilespmem:$0x1EC40] =	vst v63  }
0xf6: {  	_ =	swait.ge [sflag:s8], $0x20  }
0xf7: {  	[sflag:s8] =	ssyncset.done $0x0  }
0xf8: {  	s20 =	simm.s32 $0xD;
	[sflag:s8] =	ssyncadd.s32 $0xFFFFFFE0  }
0xf9: {  	_ =	swait.ge [sflag:s20], $0x20  }
0xfa: {  	[sflag:s20] =	ssyncset.done $0x0  }
0xfb: {  	s31 =	simm.s32 $0x20;
	[sflag:s20] =	ssyncadd.s32 $0xFFFFFFE0  }
0xfc: {  	[tilespmem:s17], [sflag:$0x1] =	stream.indirect.gather [spmem:s16], $0x40, s1, s31, $0xb8;
	[tilespmem:$0x1EC40] =	vst v63  }
0xfd: {  	_ =	swait.ge [sflag:s25], $0x800  }
0xfe: {  	[sflag:s25] =	ssyncset.done $0x0  }
0xff: {  	s20 =	simm.s32 $0x11;
	[sflag:s25] =	ssyncadd.s32 $0xFFFFF800  }
0x100: {  	[spmem:s2] =	stream.indirect.scatter.add.f32 [tilespmem:s17], [sflag:$0x11], $0x40, s3, s31, $0xb8;
	[tilespmem:$0x1EC40] =	vst v63  }
0x101: {  	_ =	swait.ge [sflag:s20], $0x800  }
0x102: {  	[sflag:s20] =	ssyncset.done $0x0  }
0x103: {  	[sflag:s20] =	ssyncadd.s32 $0xFFFFF800  }
0x104: {  	v2 =	vld [tilespmem:$0x1C420];
	_ =	sdelay $0x7  }
0x105: {  	[tilespmem:v2+s13+$0x0] =	vst.idx.add.f32.msk $0xffff, v1  }
0x106: {  	v2 =	vld [tilespmem:$0x1C430];
	_ =	sdelay $0x7  }
0x107: {  	[tilespmem:v2+s13+$0x0] =	vst.idx.add.f32.msk $0xffff, v1  }
0x108: {  	[bflag:$0x0] =	sbarrier.arrive $0xFFFF  }
0x109: {  	s8 =	rddreg [dreg:$0x13]  }
0x10a: {  	s4 =	rddreg [dreg:$0x8]  }
0x10b: {  	s7 =	rddreg [dreg:$0x12];
	s3 =	sshrl.u32 s8, $0x3  }
0x10c: {  	[hbm:s4], [sflag:s7] =	dma.local [spmem:s3], $0x400  }
0x10d: {  	_ =	swait.ge [sflag:s20], $0x400  }
0x10e: {  	[sflag:s20] =	ssyncset.done $0x0;
	s29 =	rddreg [dreg:$0x14]  }
0x10f: {  	s31 =	rddreg [dreg:$0x9];
	[sflag:s20] =	ssyncadd.s32 $0xFFFFFC00;
	s5 =	sshrl.u32 s29, $0x3  }
0x110: {  	[hbm:s31], [sflag:s7] =	dma.local [spmem:s5], $0x400  }
0x111: {  	_ =	swait.ge [sflag:s20], $0x400  }
0x112: {  	[sflag:s20] =	ssyncset.done $0x0;
	s3 =	rddreg [dreg:$0x15]  }
0x113: {  	s4 =	rddreg [dreg:$0xa];
	[sflag:s20] =	ssyncadd.s32 $0xFFFFFC00;
	s0 =	sshrl.u32 s3, $0x3  }
0x114: {  	[hbm:s4], [sflag:s7] =	dma.local [spmem:s0], $0x400  }
0x115: {  	_ =	swait.ge [sflag:s20], $0x400  }
0x116: {  	[sflag:s20] =	ssyncset.done $0x0;
	s5 =	rddreg [dreg:$0x16]  }
0x117: {  	s31 =	rddreg [dreg:$0xb];
	[sflag:s20] =	ssyncadd.s32 $0xFFFFFC00;
	s0 =	sshrl.u32 s5, $0x3  }
0x118: {  	[hbm:s31], [sflag:s7] =	dma.local [spmem:s0], $0x400  }
0x119: {  	_ =	swait.ge [sflag:s20], $0x400  }
0x11a: {  	[sflag:s20] =	ssyncset.done $0x0;
	s1 =	rddreg [dreg:$0x17]  }
0x11b: {  	s3 =	rddreg [dreg:$0xc];
	[sflag:s20] =	ssyncadd.s32 $0xFFFFFC00;
	s0 =	sshrl.u32 s1, $0x3  }
0x11c: {  	[hbm:s3], [sflag:s7] =	dma.local [spmem:s0], $0x400  }
0x11d: {  	_ =	swait.ge [sflag:s20], $0x400  }
0x11e: {  	[sflag:s20] =	ssyncset.done $0x0  }
0x11f: {  	s4 =	rddreg [dreg:$0xe];
	[sflag:s20] =	ssyncadd.s32 $0xFFFFFC00  }
0x120: {  	[hbm4b:s4+s17] =	stream.linear.scatter [tilespmem:s13], [sflag:$0x11], $0x2800, $0x38;
	[tilespmem:$0x1EC40] =	vst v63  }
0x121: {  	_ =	swait.ge [sflag:s20], $0x2800  }
0x122: {  	s5 =	rddreg [dreg:$0x1a]  }
0x123: {  	s31 =	rddreg [dreg:$0x18];
	s1 =	sadd.s32 $0x1, s5  }
0x124: {  	p0 =	sne.s32 s1, s31  }
.Ltmp3:
0x125: {  	_ = 	snop;
	(pc) =	sbr.rel @p0 .LBB2_1-.Ltmp3, $3  }
0x126: {  	_ =	sdelay $0x1  }
0x127: {  	[sflag:s20] =	ssyncset.done $0x0  }
0x128: {  	s3 =	smov.u32 s16;
	[sflag:s20] =	ssyncadd.s32 $0xFFFFD800;
	s5 =	smov.u32 s11  }
0x129: {  	_ =	sfence.sel $0x180000  }
0x12a: {  	[bflag:$0x0] =	sbarrier.arrive $0xFFFF  }
0x12b: {  	_ =	strace $0x90000047  }
0x12c: {  	s0 =	stileid.u32;
	[bflag:$0x2] =	sbarrier.arrive $0xFFFF  }
0x12d: {  	p0 =	sne.s32 s0, $0x0;
	s0 =	rddreg [dreg:$0x4]  }
0x12e: {  	s0 =	sadd.s32 @!p0 $0x100000, s0  }
0x12f: {  	[sflag:s0] =	ssyncadd.tile.s32 @!p0 $0x1;
	_ =	shalt  }
.Lfunc_end2:
_tile_overlayer_lowered:
.L_overlay_start_2:
0x130: {  	(tag) =	ssettag $0x2  }
0x131: {  	s0 =	rddreg [dreg:$0x0];
	s2 =	stileid.u32  }
0x132: {  	s1 =	rddreg [dreg:$0x1];
	p0 =	sne.s32 s2, $0x0  }
0x133: {  	s3 =	rddreg [dreg:$0x2];
	[bflag:$0x3] =	sbarrier.arrive $0xFFFF;
	s2 =	simm.s32 @!p0 $0x1C11  }
0x134: {  	[timem:s3], [sflag:s2] =	dma.local @!p0 [hbm:s0], s1  }
0x135: {  	s0 =	simm.s32 @!p0 $0x11  }
0x136: {  	_ =	swait.ge @!p0 [sflag:s0], s1  }
0x137: {  	s1 =	ssub.s32 @!p0 $0x0, s1;
	[sflag:s0] =	ssyncset.done @!p0 $0x0  }
0x138: {  	[sflag:s0] =	ssyncadd.s32 @!p0 s1  }
0x139: {  	[bflag:$0x3] =	sbarrier.arrive $0xFFFF  }
0x13a: {  	_ =	shalt  }

</sc_bundles>
